<compile_context>
chip_gen: v7x
topology: tpu7x:2x2x1
jax: 0.10.2.dev20260603
libtpu: 0.0.44.dev20260713+nightly
codegen_flags: <defaults>
</compile_context>

<pallas_src>
import functools

import jax
import jax.numpy as jnp
from jax import lax
from jax.experimental import pallas as pl
from jax.experimental.pallas import tpu as pltpu
from jax.experimental.pallas import tpu_sc as plsc

_B, _H, _W, _C = 8, 512, 512, 3
_N = _H * _W
_PLB = _N // 8
_NW = 32
_CH = 512
_NCH = 4096 // _CH
_G = _CH // 16
_D = 3
_BPS = _B // 2
_SHB = _C * _PLB


def _sc_sample(idxv, table):
    mesh = plsc.VectorSubcoreMesh(core_axis_name="c", subcore_axis_name="s")

    @functools.partial(
        pl.kernel,
        out_type=jax.ShapeDtypeStruct((_B * _C * _N,), jnp.float32),
        mesh=mesh,
        compiler_params=pltpu.CompilerParams(
            use_tc_tiling_on_sc=False, needs_layout_passes=False
        ),
        scratch_types=[
            pltpu.VMEM((8192,), jnp.float32),
        ] + [pltpu.VMEM((_CH,), jnp.int32) for _ in range(3 * _D)]
          + [pltpu.VMEM((_CH, 8), jnp.float32) for _ in range(3 * _D)]
          + [
            pltpu.VMEM((4096,), jnp.float32),
            pltpu.VMEM((4096,), jnp.float32),
            pltpu.VMEM((4096,), jnp.float32),
            pltpu.VMEM_SHARED((_SHB, 8), jnp.float32),
        ] + [pltpu.SemaphoreType.DMA for _ in range(3 * _D + 4)],
    )
    def k(idx_hbm, tab_hbm, out_hbm, coords, *rest):
        ls = rest[0:_D]
        exos = rest[_D:2 * _D]
        orvs = rest[2 * _D:3 * _D]
        gs = rest[3 * _D:6 * _D]
        s0, s1, s2 = rest[6 * _D:6 * _D + 3]
        shm = rest[6 * _D + 3]
        dsems = rest[6 * _D + 4:9 * _D + 4]
        so0, so1, so2, dstage = rest[9 * _D + 4:9 * _D + 8]
        cid = lax.axis_index("c")
        sid = lax.axis_index("s")
        iota = lax.iota(jnp.int32, 16)
        sets = tuple(
            (ls[j], exos[j], orvs[j],
             tuple(gs[3 * j:3 * j + 3]), tuple(dsems[3 * j:3 * j + 3]))
            for j in range(_D))

        def stage(bsrc, sdst):
            return pltpu.make_async_copy(
                tab_hbm.at[pl.ds(bsrc * _SHB, _SHB)],
                shm.at[pl.ds(sdst * _SHB, _SHB)], dstage)

        def batch_body(bi, _):
            b = cid * _BPS + bi
            sbase = 0

            @pl.when(sid == 0)
            def _():
                cp = stage(b, 0)
                cp.start()
                cp.wait()

            plsc.subcore_barrier()

            def unit_body(uu, _):
                hb = sid * 4 + uu
                ob = (b * _C * 64 + hb) * 4096
                pltpu.sync_copy(
                    idx_hbm.at[pl.ds(b * (2 * _N) + hb * 8192, 8192)], coords)

                @pl.when(jnp.logical_or(bi != 0, uu != 0))
                def _():
                    for s, so in ((s0, so0), (s1, so1), (s2, so2)):
                        pltpu.make_async_copy(
                            s, out_hbm.at[pl.ds(ob, 4096)], so).wait()

                def pass1(ch, st):
                    l, exo, orv = st[0], st[1], st[2]

                    def body(i, _):
                        p0 = i * 16 + ch * _CH
                        roff = (p0 >> 7) * 256 + (p0 & 127)
                        sl = pl.ds(i * 16, 16)
                        r = coords[pl.ds(roff, 16)]
                        c = coords[pl.ds(roff + 128, 16)]
                        ir = (r + 0.5).astype(jnp.int32)
                        ic = (c + 0.5).astype(jnp.int32)
                        orv[sl] = ir | ic
                        irc = jnp.minimum(jnp.maximum(ir, 0), _H - 1)
                        icc = jnp.minimum(jnp.maximum(ic, 0), _W - 1)
                        l[sl] = (((irc >> 3) << 9) + ((icc >> 7) << 7)
                                 + ((irc & 7) << 4) + ((icc >> 3) & 15))
                        exo[sl] = icc & 7
                        return 0

                    lax.fori_loop(0, _G, body, 0)

                def fire(st):
                    l, g, d = st[0], st[3], st[4]
                    return [
                        pltpu.async_copy(
                            shm.at[pl.ds(sbase + c * _PLB, _PLB)].at[l],
                            g[c], d[c])
                        for c in range(_C)
                    ]

                def pass2(ch, st):
                    exo, orv, g = st[1], st[2], st[3]

                    def body(i, _):
                        sl = pl.ds(i * 16, 16)
                        rows = iota + i * 16
                        cols = exo[sl]
                        ov = orv[sl]
                        valid = (ov >= 0) & (ov < _H)
                        p0 = i * 16 + ch * _CH
                        wo = p0 & 511
                        tpos = (((wo >> 7) << 10) + (((p0 >> 9) & 7) << 7)
                                + (wo & 127))
                        osl = pl.ds(tpos, 16)
                        v0 = plsc.load_gather(g[0], [rows, cols])
                        s0[osl] = jnp.where(valid, v0, 0.0)
                        v1 = plsc.load_gather(g[1], [rows, cols])
                        s1[osl] = jnp.where(valid, v1, 0.0)
                        v2 = plsc.load_gather(g[2], [rows, cols])
                        s2[osl] = jnp.where(valid, v2, 0.0)
                        return 0

                    lax.fori_loop(0, _G, body, 0)

                cps = {}
                for ch in range(_NCH):
                    st = sets[ch % _D]
                    pass1(ch, st)
                    cps[ch] = fire(st)
                    w = ch - (_D - 1)
                    if w >= 0:
                        for cp in cps[w]:
                            cp.wait()
                        pass2(w, sets[w % _D])
                for w in range(max(0, _NCH - _D + 1), _NCH):
                    for cp in cps[w]:
                        cp.wait()
                    pass2(w, sets[w % _D])

                pltpu.async_copy(s0, out_hbm.at[pl.ds(ob, 4096)], so0)
                pltpu.async_copy(
                    s1, out_hbm.at[pl.ds(ob + 64 * 4096, 4096)], so1)
                pltpu.async_copy(
                    s2, out_hbm.at[pl.ds(ob + 2 * 64 * 4096, 4096)], so2)
                return 0

            lax.fori_loop(0, 4, unit_body, 0)

            plsc.subcore_barrier()
            return 0

        lax.fori_loop(0, _BPS, batch_body, 0)

        for s, so in ((s0, so0), (s1, so1), (s2, so2)):
            pltpu.make_async_copy(s, out_hbm.at[pl.ds(0, 4096)], so).wait()

    return k(idxv, table)


def kernel(idx, source):
    idxv = (idx.reshape(_B, 2, _N // 128, 128)
            .transpose(0, 2, 1, 3)
            .reshape(_B * 2 * _N))
    srcv = (source.transpose(0, 3, 1, 2)
            .reshape(_B, _C, _H // 8, 8, _W // 128, 128)
            .transpose(0, 1, 2, 4, 3, 5)
            .reshape(_B * _C * _N // 8, 8))
    out = _sc_sample(idxv, srcv)
    return (out.reshape(_B, _C, _H // 8, _W // 128, 8, 128)
            .transpose(0, 1, 2, 4, 3, 5)
            .reshape(_B, _C, _H, _W)
            .transpose(0, 2, 3, 1))

# --- scband reference (transcript-rebuilt; emitter-appended) ---
"""Pipeline reference for scband-sample-layer-59966333387266 (READ-ONLY COPY).

The authoritative reference and input builder live on the scoring server;
editing this copy changes nothing except your own understanding.
"""

import jax, jax.numpy as jnp
import numpy as np

TARGET_H, TARGET_W = 512, 512
BATCH = 8
SRC_H, SRC_W, SRC_C = 512, 512, 3


def setup_inputs(seed: int = 0) -> dict:
    key = jax.random.key(seed)
    k1, k2 = jax.random.split(key)
    N = TARGET_H * TARGET_W
    # fractional sampling coordinates; slightly out of range on both ends so the
    # bounds check in the layer is exercised (out-of-range -> zeros)
    idx = jax.random.uniform(k1, (BATCH, 2, N), dtype=jnp.float32, minval=-8.0, maxval=float(SRC_H) + 8.0)
    source = jax.random.normal(k2, (BATCH, SRC_H, SRC_W, SRC_C), dtype=jnp.float32)
    return {"idx": idx, "source": source}


def reference(idx, source):
    # idx: [B, 2, N] float coords (row, col); source: [B, Hs, Ws, C]
    # out: [B, TARGET_H, TARGET_W, C]; out[b, r, c] = source[b, round(idx_r), round(idx_c)]
    # with out-of-bounds coordinates producing zeros (same as the Keras layer's
    # zero-initialized output + 'continue' on OOB).
    B = idx.shape[0]
    Hs, Ws, C = source.shape[1], source.shape[2], source.shape[3]
    # int(x + 0.5) in Python truncates toward zero -> astype(int32) matches
    ir = (idx[:, 0, :] + 0.5).astype(jnp.int32)  # [B, N]
    ic = (idx[:, 1, :] + 0.5).astype(jnp.int32)  # [B, N]
    valid = (ir >= 0) & (ic >= 0) & (ir < Hs) & (ic < Ws)  # [B, N]
    irc = jnp.clip(ir, 0, Hs - 1)
    icc = jnp.clip(ic, 0, Ws - 1)
    b = jnp.arange(B, dtype=jnp.int32)[:, None]  # [B, 1]
    gathered = source[b, irc, icc]  # [B, N, C] batched gather
    out = jnp.where(valid[..., None], gathered, jnp.zeros((), dtype=source.dtype))
    return out.reshape(B, TARGET_H, TARGET_W, C)

if __name__ == "__main__":
    import jax
    _d = setup_inputs()
    print(jax.jit(kernel)(*tuple(_d.values())))

</pallas_src>

<mosaic_0001>
#map = affine_map<(d0, d1) -> (0)>
#map1 = affine_map<(d0, d1) -> (0, 0)>
module attributes {stable_mosaic.version = 14 : i64} {
  func.func @k(%arg0: i32, %arg1: i32, %arg2: memref<4194304xf32, #tpu.memory_space<hbm>>, %arg3: memref<786432x8xf32, #tpu.memory_space<hbm>>, %arg4: memref<6291456xf32, #tpu.memory_space<hbm>>, %arg5: memref<8192xf32, #tpu.memory_space<vmem>>, %arg6: memref<512xi32, #tpu.memory_space<vmem>>, %arg7: memref<512xi32, #tpu.memory_space<vmem>>, %arg8: memref<512xi32, #tpu.memory_space<vmem>>, %arg9: memref<512xi32, #tpu.memory_space<vmem>>, %arg10: memref<512xi32, #tpu.memory_space<vmem>>, %arg11: memref<512xi32, #tpu.memory_space<vmem>>, %arg12: memref<512xi32, #tpu.memory_space<vmem>>, %arg13: memref<512xi32, #tpu.memory_space<vmem>>, %arg14: memref<512xi32, #tpu.memory_space<vmem>>, %arg15: memref<512x8xf32, #tpu.memory_space<vmem>>, %arg16: memref<512x8xf32, #tpu.memory_space<vmem>>, %arg17: memref<512x8xf32, #tpu.memory_space<vmem>>, %arg18: memref<512x8xf32, #tpu.memory_space<vmem>>, %arg19: memref<512x8xf32, #tpu.memory_space<vmem>>, %arg20: memref<512x8xf32, #tpu.memory_space<vmem>>, %arg21: memref<512x8xf32, #tpu.memory_space<vmem>>, %arg22: memref<512x8xf32, #tpu.memory_space<vmem>>, %arg23: memref<512x8xf32, #tpu.memory_space<vmem>>, %arg24: memref<4096xf32, #tpu.memory_space<vmem>>, %arg25: memref<4096xf32, #tpu.memory_space<vmem>>, %arg26: memref<4096xf32, #tpu.memory_space<vmem>>, %arg27: memref<98304x8xf32, #tpu.memory_space<vmem_shared>>, %arg28: memref<!tpu.dma_semaphore, #tpu.memory_space<semaphore_mem>>, %arg29: memref<!tpu.dma_semaphore, #tpu.memory_space<semaphore_mem>>, %arg30: memref<!tpu.dma_semaphore, #tpu.memory_space<semaphore_mem>>, %arg31: memref<!tpu.dma_semaphore, #tpu.memory_space<semaphore_mem>>, %arg32: memref<!tpu.dma_semaphore, #tpu.memory_space<semaphore_mem>>, %arg33: memref<!tpu.dma_semaphore, #tpu.memory_space<semaphore_mem>>, %arg34: memref<!tpu.dma_semaphore, #tpu.memory_space<semaphore_mem>>, %arg35: memref<!tpu.dma_semaphore, #tpu.memory_space<semaphore_mem>>, %arg36: memref<!tpu.dma_semaphore, #tpu.memory_space<semaphore_mem>>, %arg37: memref<!tpu.dma_semaphore, #tpu.memory_space<semaphore_mem>>, %arg38: memref<!tpu.dma_semaphore, #tpu.memory_space<semaphore_mem>>, %arg39: memref<!tpu.dma_semaphore, #tpu.memory_space<semaphore_mem>>, %arg40: memref<!tpu.dma_semaphore, #tpu.memory_space<semaphore_mem>>) attributes {dimension_semantics = [#tpu.dimension_semantics<core_parallel>, #tpu.dimension_semantics<subcore_parallel>], iteration_bounds = array<i64: 2, 16>, scalar_prefetch = 0 : i64, scratch_operands = 36 : i64, tpu.core_type = #tpu.core_type<sc_vector_subcore>, window_params = [{transform_indices = #map}, {transform_indices = #map1}, {transform_indices = #map}]} {
    %iota3A = tpu.iota {dimensions = array<i32: 0>} : vector<16xi32>
    %scan3A = arith.constant 0 : i32
    %scan3A_0 = arith.constant 0 : i32
    %scan3A_1 = arith.constant 4 : i32
    %scan3A_2 = arith.addi %scan3A_0, %scan3A_1 : i32
    %scan3A_3 = arith.constant 1 : i32
    %scan3A_4 = scf.for %scan3A_17 = %scan3A_0 to %scan3A_2 step %scan3A_3 iter_args(%scan3A_18 = %scan3A) -> (i32)  : i32 {
      %mul3A = arith.constant 4 : i32
      %mul3A_19 = arith.muli %arg0, %mul3A : i32
      %add3A = arith.addi %mul3A_19, %scan3A_17 : i32
      %eq3A = arith.constant 0 : i32
      %eq3A_20 = arith.cmpi eq, %arg1, %eq3A : i32
      %convert_element_type3A = arith.extui %eq3A_20 : i1 to i32
      %cond3A = arith.constant 0 : i32
      %cond3A_21 = arith.cmpi ne, %convert_element_type3A, %cond3A : i32
      scf.if %cond3A_21 {
        %mul3A_31 = arith.constant 98304 : i32
        %mul3A_32 = arith.muli %add3A, %mul3A_31 : i32
        %dma_start3A = arith.constant 0 : i32
        %dma_start3A_33 = arith.constant 0 : i32
        %dma_start3A_34 = tpu.memref_slice %arg27[%dma_start3A, %dma_start3A_33] : memref<98304x8xf32, #tpu.memory_space<vmem_shared>> -> memref<98304x8xf32, #tpu.memory_space<vmem_shared>>
        %dma_start3A_35 = arith.constant 0 : i32
        %dma_start3A_36 = tpu.memref_slice %arg3[%mul3A_32, %dma_start3A_35] : memref<786432x8xf32, #tpu.memory_space<hbm>> -> memref<98304x8xf32, #tpu.memory_space<hbm>>
        tpu.enqueue_dma source(%dma_start3A_36 : memref<98304x8xf32, #tpu.memory_space<hbm>>) target(%dma_start3A_34 : memref<98304x8xf32, #tpu.memory_space<vmem_shared>>) target_semaphore(%arg40 : memref<!tpu.dma_semaphore, #tpu.memory_space<semaphore_mem>>)
        %dma_wait3A_37 = arith.constant 0 : i32
        %dma_wait3A_38 = arith.constant 0 : i32
        %dma_wait3A_39 = tpu.memref_slice %arg27[%dma_wait3A_37, %dma_wait3A_38] : memref<98304x8xf32, #tpu.memory_space<vmem_shared>> -> memref<98304x8xf32, #tpu.memory_space<vmem_shared>>
        %dma_wait3A_40 = arith.constant 0 : i32
        %dma_wait3A_41 = tpu.memref_slice %arg3[%mul3A_32, %dma_wait3A_40] : memref<786432x8xf32, #tpu.memory_space<hbm>> -> memref<98304x8xf32, #tpu.memory_space<hbm>>
        tpu.wait_dma2 semaphore(%arg40 : memref<!tpu.dma_semaphore, #tpu.memory_space<semaphore_mem>>) src(%dma_wait3A_41 : memref<98304x8xf32, #tpu.memory_space<hbm>>) dst(%dma_wait3A_39 : memref<98304x8xf32, #tpu.memory_space<vmem_shared>>)
      } else {
      }
      %barrier3A = arith.constant 0 : index
      tpu.barrier barrier_id(%barrier3A)
      %scan3A_22 = arith.constant 0 : i32
      %scan3A_23 = arith.constant 0 : i32
      %scan3A_24 = arith.constant 4 : i32
      %scan3A_25 = arith.addi %scan3A_23, %scan3A_24 : i32
      %scan3A_26 = arith.constant 1 : i32
      %scan3A_27 = scf.for %scan3A_31 = %scan3A_23 to %scan3A_25 step %scan3A_26 iter_args(%scan3A_32 = %scan3A_22) -> (i32)  : i32 {
        %mul3A_33 = arith.constant 4 : i32
        %mul3A_34 = arith.muli %arg1, %mul3A_33 : i32
        %add3A_35 = arith.addi %mul3A_34, %scan3A_31 : i32
        %mul3A_36 = arith.constant 3 : i32
        %mul3A_37 = arith.muli %add3A, %mul3A_36 : i32
        %mul3A_38 = arith.constant 64 : i32
        %mul3A_39 = arith.muli %mul3A_37, %mul3A_38 : i32
        %add3A_40 = arith.addi %mul3A_39, %add3A_35 : i32
        %mul3A_41 = arith.constant 4096 : i32
        %mul3A_42 = arith.muli %add3A_40, %mul3A_41 : i32
        %mul3A_43 = arith.constant 524288 : i32
        %mul3A_44 = arith.muli %add3A, %mul3A_43 : i32
        %mul3A_45 = arith.constant 8192 : i32
        %mul3A_46 = arith.muli %add3A_35, %mul3A_45 : i32
        %add3A_47 = arith.addi %mul3A_44, %mul3A_46 : i32
        "tpu.region"() ({
          %run_scoped3A = tpu.sem_alloc : memref<!tpu.dma_semaphore, #tpu.memory_space<semaphore_mem>>
          %dma_start3A_464 = tpu.memref_slice %arg2[%add3A_47] : memref<4194304xf32, #tpu.memory_space<hbm>> -> memref<8192xf32, #tpu.memory_space<hbm>>
          %dma_start3A_465 = tpu.memref_slice %arg2[%add3A_47] : memref<4194304xf32, #tpu.memory_space<hbm>> -> memref<8192xf32, #tpu.memory_space<hbm>>
          tpu.enqueue_dma source(%dma_start3A_465 : memref<8192xf32, #tpu.memory_space<hbm>>) target(%arg5 : memref<8192xf32, #tpu.memory_space<vmem>>) target_semaphore(%run_scoped3A : memref<!tpu.dma_semaphore, #tpu.memory_space<semaphore_mem>>)
          %dma_wait3A_466 = tpu.memref_slice %arg2[%add3A_47] : memref<4194304xf32, #tpu.memory_space<hbm>> -> memref<8192xf32, #tpu.memory_space<hbm>>
          %dma_wait3A_467 = tpu.memref_slice %arg2[%add3A_47] : memref<4194304xf32, #tpu.memory_space<hbm>> -> memref<8192xf32, #tpu.memory_space<hbm>>
          tpu.wait_dma2 semaphore(%run_scoped3A : memref<!tpu.dma_semaphore, #tpu.memory_space<semaphore_mem>>) src(%dma_wait3A_467 : memref<8192xf32, #tpu.memory_space<hbm>>) dst(%arg5 : memref<8192xf32, #tpu.memory_space<vmem>>)
          tpu.yield
        }) : () -> ()
        %ne3A = arith.constant 0 : i32
        %ne3A_48 = arith.cmpi ne, %scan3A_17, %ne3A : i32
        %ne3A_49 = arith.constant 0 : i32
        %ne3A_50 = arith.cmpi ne, %scan3A_31, %ne3A_49 : i32
        %or3A = arith.ori %ne3A_48, %ne3A_50 : i1
        %convert_element_type3A_51 = arith.extui %or3A : i1 to i32
        %cond3A_52 = arith.constant 0 : i32
        %cond3A_53 = arith.cmpi ne, %convert_element_type3A_51, %cond3A_52 : i32
        scf.if %cond3A_53 {
          %dma_wait3A_464 = tpu.memref_slice %arg4[%mul3A_42] : memref<6291456xf32, #tpu.memory_space<hbm>> -> memref<4096xf32, #tpu.memory_space<hbm>>
          %dma_wait3A_465 = tpu.memref_slice %arg4[%mul3A_42] : memref<6291456xf32, #tpu.memory_space<hbm>> -> memref<4096xf32, #tpu.memory_space<hbm>>
          tpu.wait_dma2 semaphore(%arg37 : memref<!tpu.dma_semaphore, #tpu.memory_space<semaphore_mem>>) src(%arg24 : memref<4096xf32, #tpu.memory_space<vmem>>) dst(%dma_wait3A_465 : memref<4096xf32, #tpu.memory_space<hbm>>)
          %dma_wait3A_466 = tpu.memref_slice %arg4[%mul3A_42] : memref<6291456xf32, #tpu.memory_space<hbm>> -> memref<4096xf32, #tpu.memory_space<hbm>>
          %dma_wait3A_467 = tpu.memref_slice %arg4[%mul3A_42] : memref<6291456xf32, #tpu.memory_space<hbm>> -> memref<4096xf32, #tpu.memory_space<hbm>>
          tpu.wait_dma2 semaphore(%arg38 : memref<!tpu.dma_semaphore, #tpu.memory_space<semaphore_mem>>) src(%arg25 : memref<4096xf32, #tpu.memory_space<vmem>>) dst(%dma_wait3A_467 : memref<4096xf32, #tpu.memory_space<hbm>>)
          %dma_wait3A_468 = tpu.memref_slice %arg4[%mul3A_42] : memref<6291456xf32, #tpu.memory_space<hbm>> -> memref<4096xf32, #tpu.memory_space<hbm>>
          %dma_wait3A_469 = tpu.memref_slice %arg4[%mul3A_42] : memref<6291456xf32, #tpu.memory_space<hbm>> -> memref<4096xf32, #tpu.memory_space<hbm>>
          tpu.wait_dma2 semaphore(%arg39 : memref<!tpu.dma_semaphore, #tpu.memory_space<semaphore_mem>>) src(%arg26 : memref<4096xf32, #tpu.memory_space<vmem>>) dst(%dma_wait3A_469 : memref<4096xf32, #tpu.memory_space<hbm>>)
        } else {
        }
        %scan3A_54 = arith.constant 0 : i32
        %scan3A_55 = arith.constant 0 : i32
        %scan3A_56 = arith.constant 32 : i32
        %scan3A_57 = arith.addi %scan3A_55, %scan3A_56 : i32
        %scan3A_58 = arith.constant 1 : i32
        %scan3A_59 = scf.for %scan3A_464 = %scan3A_55 to %scan3A_57 step %scan3A_58 iter_args(%scan3A_465 = %scan3A_54) -> (i32)  : i32 {
          %mul3A_466 = arith.constant 16 : i32
          %mul3A_467 = arith.muli %scan3A_464, %mul3A_466 : i32
          %add3A_468 = arith.constant 0 : i32
          %add3A_469 = arith.addi %mul3A_467, %add3A_468 : i32
          %shift_right_arithmetic3A = arith.constant 7 : i32
          %shift_right_arithmetic3A_470 = arith.shrsi %add3A_469, %shift_right_arithmetic3A : i32
          %mul3A_471 = arith.constant 256 : i32
          %mul3A_472 = arith.muli %shift_right_arithmetic3A_470, %mul3A_471 : i32
          %and3A = arith.constant 127 : i32
          %and3A_473 = arith.andi %add3A_469, %and3A : i32
          %add3A_474 = arith.addi %mul3A_472, %and3A_473 : i32
          %mul3A_475 = arith.constant 16 : i32
          %mul3A_476 = arith.muli %scan3A_464, %mul3A_475 : i32
          %get3A = arith.index_cast %add3A_474 : i32 to index
          %get3A_477 = tpu.vector_load %arg5[%get3A] {strides = array<i32>} : memref<8192xf32, #tpu.memory_space<vmem>>, vector<16xf32>,
          %add3A_478 = arith.constant 128 : i32
          %add3A_479 = arith.addi %add3A_474, %add3A_478 : i32
          %get3A_480 = arith.index_cast %add3A_479 : i32 to index
          %get3A_481 = tpu.vector_load %arg5[%get3A_480] {strides = array<i32>} : memref<8192xf32, #tpu.memory_space<vmem>>, vector<16xf32>,
          %add3A_482 = arith.constant 5.000000e-01 : f32
          %add3A_483 = vector.broadcast %add3A_482 : f32 to vector<16xf32>
          %add3A_484 = arith.addf %get3A_477, %add3A_483 : vector<16xf32>
          %convert_element_type3A_485 = arith.fptosi %add3A_484 : vector<16xf32> to vector<16xi32>
          %add3A_486 = arith.constant 5.000000e-01 : f32
          %add3A_487 = vector.broadcast %add3A_486 : f32 to vector<16xf32>
          %add3A_488 = arith.addf %get3A_481, %add3A_487 : vector<16xf32>
          %convert_element_type3A_489 = arith.fptosi %add3A_488 : vector<16xf32> to vector<16xi32>
          %or3A_490 = arith.ori %convert_element_type3A_485, %convert_element_type3A_489 : vector<16xi32>
          %swap3A = arith.index_cast %mul3A_476 : i32 to index
          %swap3A_491 = tpu.vector_load %arg12[%swap3A] {strides = array<i32>} : memref<512xi32, #tpu.memory_space<vmem>>, vector<16xi32>,
          tpu.vector_store %arg12[%swap3A], %or3A_490 {strides = array<i32>} : memref<512xi32, #tpu.memory_space<vmem>>, vector<16xi32>,
          %max3A = arith.constant 0 : i32
          %max3A_492 = vector.broadcast %max3A : i32 to vector<16xi32>
          %max3A_493 = arith.maxsi %convert_element_type3A_485, %max3A_492 : vector<16xi32>
          %min3A = arith.constant 511 : i32
          %min3A_494 = vector.broadcast %min3A : i32 to vector<16xi32>
          %min3A_495 = arith.minsi %max3A_493, %min3A_494 : vector<16xi32>
          %max3A_496 = arith.constant 0 : i32
          %max3A_497 = vector.broadcast %max3A_496 : i32 to vector<16xi32>
          %max3A_498 = arith.maxsi %convert_element_type3A_489, %max3A_497 : vector<16xi32>
          %min3A_499 = arith.constant 511 : i32
          %min3A_500 = vector.broadcast %min3A_499 : i32 to vector<16xi32>
          %min3A_501 = arith.minsi %max3A_498, %min3A_500 : vector<16xi32>
          %shift_right_arithmetic3A_502 = arith.constant 3 : i32
          %shift_right_arithmetic3A_503 = vector.broadcast %shift_right_arithmetic3A_502 : i32 to vector<16xi32>
          %shift_right_arithmetic3A_504 = arith.shrsi %min3A_495, %shift_right_arithmetic3A_503 : vector<16xi32>
          %shift_left3A = arith.constant 9 : i32
          %shift_left3A_505 = vector.broadcast %shift_left3A : i32 to vector<16xi32>
          %shift_left3A_506 = arith.shli %shift_right_arithmetic3A_504, %shift_left3A_505 : vector<16xi32>
          %shift_right_arithmetic3A_507 = arith.constant 7 : i32
          %shift_right_arithmetic3A_508 = vector.broadcast %shift_right_arithmetic3A_507 : i32 to vector<16xi32>
          %shift_right_arithmetic3A_509 = arith.shrsi %min3A_501, %shift_right_arithmetic3A_508 : vector<16xi32>
          %shift_left3A_510 = arith.constant 7 : i32
          %shift_left3A_511 = vector.broadcast %shift_left3A_510 : i32 to vector<16xi32>
          %shift_left3A_512 = arith.shli %shift_right_arithmetic3A_509, %shift_left3A_511 : vector<16xi32>
          %add3A_513 = arith.addi %shift_left3A_506, %shift_left3A_512 : vector<16xi32>
          %and3A_514 = arith.constant 7 : i32
          %and3A_515 = vector.broadcast %and3A_514 : i32 to vector<16xi32>
          %and3A_516 = arith.andi %min3A_495, %and3A_515 : vector<16xi32>
          %shift_left3A_517 = arith.constant 4 : i32
          %shift_left3A_518 = vector.broadcast %shift_left3A_517 : i32 to vector<16xi32>
          %shift_left3A_519 = arith.shli %and3A_516, %shift_left3A_518 : vector<16xi32>
          %add3A_520 = arith.addi %add3A_513, %shift_left3A_519 : vector<16xi32>
          %shift_right_arithmetic3A_521 = arith.constant 3 : i32
          %shift_right_arithmetic3A_522 = vector.broadcast %shift_right_arithmetic3A_521 : i32 to vector<16xi32>
          %shift_right_arithmetic3A_523 = arith.shrsi %min3A_501, %shift_right_arithmetic3A_522 : vector<16xi32>
          %and3A_524 = arith.constant 15 : i32
          %and3A_525 = vector.broadcast %and3A_524 : i32 to vector<16xi32>
          %and3A_526 = arith.andi %shift_right_arithmetic3A_523, %and3A_525 : vector<16xi32>
          %add3A_527 = arith.addi %add3A_520, %and3A_526 : vector<16xi32>
          %swap3A_528 = arith.index_cast %mul3A_476 : i32 to index
          %swap3A_529 = tpu.vector_load %arg6[%swap3A_528] {strides = array<i32>} : memref<512xi32, #tpu.memory_space<vmem>>, vector<16xi32>,
          tpu.vector_store %arg6[%swap3A_528], %add3A_527 {strides = array<i32>} : memref<512xi32, #tpu.memory_space<vmem>>, vector<16xi32>,
          %and3A_530 = arith.constant 7 : i32
          %and3A_531 = vector.broadcast %and3A_530 : i32 to vector<16xi32>
          %and3A_532 = arith.andi %min3A_501, %and3A_531 : vector<16xi32>
          %swap3A_533 = arith.index_cast %mul3A_476 : i32 to index
          %swap3A_534 = tpu.vector_load %arg9[%swap3A_533] {strides = array<i32>} : memref<512xi32, #tpu.memory_space<vmem>>, vector<16xi32>,
          tpu.vector_store %arg9[%swap3A_533], %and3A_532 {strides = array<i32>} : memref<512xi32, #tpu.memory_space<vmem>>, vector<16xi32>,
          %scan3A_535 = arith.constant 0 : i32
          scf.yield %scan3A_535 : i32
        }
        %scan3A_60 = arith.constant 32 : i32
        %dma_start3A = arith.constant 0 : i32
        %dma_start3A_61 = arith.constant 0 : i32
        %dma_start3A_62 = tpu.memref_slice %arg27[%dma_start3A, %dma_start3A_61] : memref<98304x8xf32, #tpu.memory_space<vmem_shared>> -> memref<32768x8xf32, #tpu.memory_space<vmem_shared>>
        %dma_start3A_63 = arith.constant 0 : i32
        %dma_start3A_64 = arith.constant 0 : i32
        %dma_start3A_65 = tpu.memref_slice %dma_start3A_62[%dma_start3A_63, %dma_start3A_64] : memref<32768x8xf32, #tpu.memory_space<vmem_shared>> -> memref<32768x8xf32, #tpu.memory_space<vmem_shared>>
        tpu.enqueue_indirect_dma source(%dma_start3A_65 : memref<32768x8xf32, #tpu.memory_space<vmem_shared>>) target(%arg15 : memref<512x8xf32, #tpu.memory_space<vmem>>) offsets(%arg6 : memref<512xi32, #tpu.memory_space<vmem>>) semaphore(%arg28 : memref<!tpu.dma_semaphore, #tpu.memory_space<semaphore_mem>>)
        %dma_start3A_66 = arith.constant 32768 : i32
        %dma_start3A_67 = arith.constant 0 : i32
        %dma_start3A_68 = tpu.memref_slice %arg27[%dma_start3A_66, %dma_start3A_67] : memref<98304x8xf32, #tpu.memory_space<vmem_shared>> -> memref<32768x8xf32, #tpu.memory_space<vmem_shared>>
        %dma_start3A_69 = arith.constant 0 : i32
        %dma_start3A_70 = arith.constant 0 : i32
        %dma_start3A_71 = tpu.memref_slice %dma_start3A_68[%dma_start3A_69, %dma_start3A_70] : memref<32768x8xf32, #tpu.memory_space<vmem_shared>> -> memref<32768x8xf32, #tpu.memory_space<vmem_shared>>
        tpu.enqueue_indirect_dma source(%dma_start3A_71 : memref<32768x8xf32, #tpu.memory_space<vmem_shared>>) target(%arg16 : memref<512x8xf32, #tpu.memory_space<vmem>>) offsets(%arg6 : memref<512xi32, #tpu.memory_space<vmem>>) semaphore(%arg29 : memref<!tpu.dma_semaphore, #tpu.memory_space<semaphore_mem>>)
        %dma_start3A_72 = arith.constant 65536 : i32
        %dma_start3A_73 = arith.constant 0 : i32
        %dma_start3A_74 = tpu.memref_slice %arg27[%dma_start3A_72, %dma_start3A_73] : memref<98304x8xf32, #tpu.memory_space<vmem_shared>> -> memref<32768x8xf32, #tpu.memory_space<vmem_shared>>
        %dma_start3A_75 = arith.constant 0 : i32
        %dma_start3A_76 = arith.constant 0 : i32
        %dma_start3A_77 = tpu.memref_slice %dma_start3A_74[%dma_start3A_75, %dma_start3A_76] : memref<32768x8xf32, #tpu.memory_space<vmem_shared>> -> memref<32768x8xf32, #tpu.memory_space<vmem_shared>>
        tpu.enqueue_indirect_dma source(%dma_start3A_77 : memref<32768x8xf32, #tpu.memory_space<vmem_shared>>) target(%arg17 : memref<512x8xf32, #tpu.memory_space<vmem>>) offsets(%arg6 : memref<512xi32, #tpu.memory_space<vmem>>) semaphore(%arg30 : memref<!tpu.dma_semaphore, #tpu.memory_space<semaphore_mem>>)
        %scan3A_78 = arith.constant 0 : i32
        %scan3A_79 = arith.constant 0 : i32
        %scan3A_80 = arith.constant 32 : i32
        %scan3A_81 = arith.addi %scan3A_79, %scan3A_80 : i32
        %scan3A_82 = arith.constant 1 : i32
        %scan3A_83 = scf.for %scan3A_464 = %scan3A_79 to %scan3A_81 step %scan3A_82 iter_args(%scan3A_465 = %scan3A_78) -> (i32)  : i32 {
          %mul3A_466 = arith.constant 16 : i32
          %mul3A_467 = arith.muli %scan3A_464, %mul3A_466 : i32
          %add3A_468 = arith.constant 512 : i32
          %add3A_469 = arith.addi %mul3A_467, %add3A_468 : i32
          %shift_right_arithmetic3A = arith.constant 7 : i32
          %shift_right_arithmetic3A_470 = arith.shrsi %add3A_469, %shift_right_arithmetic3A : i32
          %mul3A_471 = arith.constant 256 : i32
          %mul3A_472 = arith.muli %shift_right_arithmetic3A_470, %mul3A_471 : i32
          %and3A = arith.constant 127 : i32
          %and3A_473 = arith.andi %add3A_469, %and3A : i32
          %add3A_474 = arith.addi %mul3A_472, %and3A_473 : i32
          %mul3A_475 = arith.constant 16 : i32
          %mul3A_476 = arith.muli %scan3A_464, %mul3A_475 : i32
          %get3A = arith.index_cast %add3A_474 : i32 to index
          %get3A_477 = tpu.vector_load %arg5[%get3A] {strides = array<i32>} : memref<8192xf32, #tpu.memory_space<vmem>>, vector<16xf32>,
          %add3A_478 = arith.constant 128 : i32
          %add3A_479 = arith.addi %add3A_474, %add3A_478 : i32
          %get3A_480 = arith.index_cast %add3A_479 : i32 to index
          %get3A_481 = tpu.vector_load %arg5[%get3A_480] {strides = array<i32>} : memref<8192xf32, #tpu.memory_space<vmem>>, vector<16xf32>,
          %add3A_482 = arith.constant 5.000000e-01 : f32
          %add3A_483 = vector.broadcast %add3A_482 : f32 to vector<16xf32>
          %add3A_484 = arith.addf %get3A_477, %add3A_483 : vector<16xf32>
          %convert_element_type3A_485 = arith.fptosi %add3A_484 : vector<16xf32> to vector<16xi32>
          %add3A_486 = arith.constant 5.000000e-01 : f32
          %add3A_487 = vector.broadcast %add3A_486 : f32 to vector<16xf32>
          %add3A_488 = arith.addf %get3A_481, %add3A_487 : vector<16xf32>
          %convert_element_type3A_489 = arith.fptosi %add3A_488 : vector<16xf32> to vector<16xi32>
          %or3A_490 = arith.ori %convert_element_type3A_485, %convert_element_type3A_489 : vector<16xi32>
          %swap3A = arith.index_cast %mul3A_476 : i32 to index
          %swap3A_491 = tpu.vector_load %arg13[%swap3A] {strides = array<i32>} : memref<512xi32, #tpu.memory_space<vmem>>, vector<16xi32>,
          tpu.vector_store %arg13[%swap3A], %or3A_490 {strides = array<i32>} : memref<512xi32, #tpu.memory_space<vmem>>, vector<16xi32>,
          %max3A = arith.constant 0 : i32
          %max3A_492 = vector.broadcast %max3A : i32 to vector<16xi32>
          %max3A_493 = arith.maxsi %convert_element_type3A_485, %max3A_492 : vector<16xi32>
          %min3A = arith.constant 511 : i32
          %min3A_494 = vector.broadcast %min3A : i32 to vector<16xi32>
          %min3A_495 = arith.minsi %max3A_493, %min3A_494 : vector<16xi32>
          %max3A_496 = arith.constant 0 : i32
          %max3A_497 = vector.broadcast %max3A_496 : i32 to vector<16xi32>
          %max3A_498 = arith.maxsi %convert_element_type3A_489, %max3A_497 : vector<16xi32>
          %min3A_499 = arith.constant 511 : i32
          %min3A_500 = vector.broadcast %min3A_499 : i32 to vector<16xi32>
          %min3A_501 = arith.minsi %max3A_498, %min3A_500 : vector<16xi32>
          %shift_right_arithmetic3A_502 = arith.constant 3 : i32
          %shift_right_arithmetic3A_503 = vector.broadcast %shift_right_arithmetic3A_502 : i32 to vector<16xi32>
          %shift_right_arithmetic3A_504 = arith.shrsi %min3A_495, %shift_right_arithmetic3A_503 : vector<16xi32>
          %shift_left3A = arith.constant 9 : i32
          %shift_left3A_505 = vector.broadcast %shift_left3A : i32 to vector<16xi32>
          %shift_left3A_506 = arith.shli %shift_right_arithmetic3A_504, %shift_left3A_505 : vector<16xi32>
          %shift_right_arithmetic3A_507 = arith.constant 7 : i32
          %shift_right_arithmetic3A_508 = vector.broadcast %shift_right_arithmetic3A_507 : i32 to vector<16xi32>
          %shift_right_arithmetic3A_509 = arith.shrsi %min3A_501, %shift_right_arithmetic3A_508 : vector<16xi32>
          %shift_left3A_510 = arith.constant 7 : i32
          %shift_left3A_511 = vector.broadcast %shift_left3A_510 : i32 to vector<16xi32>
          %shift_left3A_512 = arith.shli %shift_right_arithmetic3A_509, %shift_left3A_511 : vector<16xi32>
          %add3A_513 = arith.addi %shift_left3A_506, %shift_left3A_512 : vector<16xi32>
          %and3A_514 = arith.constant 7 : i32
          %and3A_515 = vector.broadcast %and3A_514 : i32 to vector<16xi32>
          %and3A_516 = arith.andi %min3A_495, %and3A_515 : vector<16xi32>
          %shift_left3A_517 = arith.constant 4 : i32
          %shift_left3A_518 = vector.broadcast %shift_left3A_517 : i32 to vector<16xi32>
          %shift_left3A_519 = arith.shli %and3A_516, %shift_left3A_518 : vector<16xi32>
          %add3A_520 = arith.addi %add3A_513, %shift_left3A_519 : vector<16xi32>
          %shift_right_arithmetic3A_521 = arith.constant 3 : i32
          %shift_right_arithmetic3A_522 = vector.broadcast %shift_right_arithmetic3A_521 : i32 to vector<16xi32>
          %shift_right_arithmetic3A_523 = arith.shrsi %min3A_501, %shift_right_arithmetic3A_522 : vector<16xi32>
          %and3A_524 = arith.constant 15 : i32
          %and3A_525 = vector.broadcast %and3A_524 : i32 to vector<16xi32>
          %and3A_526 = arith.andi %shift_right_arithmetic3A_523, %and3A_525 : vector<16xi32>
          %add3A_527 = arith.addi %add3A_520, %and3A_526 : vector<16xi32>
          %swap3A_528 = arith.index_cast %mul3A_476 : i32 to index
          %swap3A_529 = tpu.vector_load %arg7[%swap3A_528] {strides = array<i32>} : memref<512xi32, #tpu.memory_space<vmem>>, vector<16xi32>,
          tpu.vector_store %arg7[%swap3A_528], %add3A_527 {strides = array<i32>} : memref<512xi32, #tpu.memory_space<vmem>>, vector<16xi32>,
          %and3A_530 = arith.constant 7 : i32
          %and3A_531 = vector.broadcast %and3A_530 : i32 to vector<16xi32>
          %and3A_532 = arith.andi %min3A_501, %and3A_531 : vector<16xi32>
          %swap3A_533 = arith.index_cast %mul3A_476 : i32 to index
          %swap3A_534 = tpu.vector_load %arg10[%swap3A_533] {strides = array<i32>} : memref<512xi32, #tpu.memory_space<vmem>>, vector<16xi32>,
          tpu.vector_store %arg10[%swap3A_533], %and3A_532 {strides = array<i32>} : memref<512xi32, #tpu.memory_space<vmem>>, vector<16xi32>,
          %scan3A_535 = arith.constant 0 : i32
          scf.yield %scan3A_535 : i32
        }
        %scan3A_84 = arith.constant 32 : i32
        %dma_start3A_85 = arith.constant 0 : i32
        %dma_start3A_86 = arith.constant 0 : i32
        %dma_start3A_87 = tpu.memref_slice %arg27[%dma_start3A_85, %dma_start3A_86] : memref<98304x8xf32, #tpu.memory_space<vmem_shared>> -> memref<32768x8xf32, #tpu.memory_space<vmem_shared>>
        %dma_start3A_88 = arith.constant 0 : i32
        %dma_start3A_89 = arith.constant 0 : i32
        %dma_start3A_90 = tpu.memref_slice %dma_start3A_87[%dma_start3A_88, %dma_start3A_89] : memref<32768x8xf32, #tpu.memory_space<vmem_shared>> -> memref<32768x8xf32, #tpu.memory_space<vmem_shared>>
        tpu.enqueue_indirect_dma source(%dma_start3A_90 : memref<32768x8xf32, #tpu.memory_space<vmem_shared>>) target(%arg18 : memref<512x8xf32, #tpu.memory_space<vmem>>) offsets(%arg7 : memref<512xi32, #tpu.memory_space<vmem>>) semaphore(%arg31 : memref<!tpu.dma_semaphore, #tpu.memory_space<semaphore_mem>>)
        %dma_start3A_91 = arith.constant 32768 : i32
        %dma_start3A_92 = arith.constant 0 : i32
        %dma_start3A_93 = tpu.memref_slice %arg27[%dma_start3A_91, %dma_start3A_92] : memref<98304x8xf32, #tpu.memory_space<vmem_shared>> -> memref<32768x8xf32, #tpu.memory_space<vmem_shared>>
        %dma_start3A_94 = arith.constant 0 : i32
        %dma_start3A_95 = arith.constant 0 : i32
        %dma_start3A_96 = tpu.memref_slice %dma_start3A_93[%dma_start3A_94, %dma_start3A_95] : memref<32768x8xf32, #tpu.memory_space<vmem_shared>> -> memref<32768x8xf32, #tpu.memory_space<vmem_shared>>
        tpu.enqueue_indirect_dma source(%dma_start3A_96 : memref<32768x8xf32, #tpu.memory_space<vmem_shared>>) target(%arg19 : memref<512x8xf32, #tpu.memory_space<vmem>>) offsets(%arg7 : memref<512xi32, #tpu.memory_space<vmem>>) semaphore(%arg32 : memref<!tpu.dma_semaphore, #tpu.memory_space<semaphore_mem>>)
        %dma_start3A_97 = arith.constant 65536 : i32
        %dma_start3A_98 = arith.constant 0 : i32
        %dma_start3A_99 = tpu.memref_slice %arg27[%dma_start3A_97, %dma_start3A_98] : memref<98304x8xf32, #tpu.memory_space<vmem_shared>> -> memref<32768x8xf32, #tpu.memory_space<vmem_shared>>
        %dma_start3A_100 = arith.constant 0 : i32
        %dma_start3A_101 = arith.constant 0 : i32
        %dma_start3A_102 = tpu.memref_slice %dma_start3A_99[%dma_start3A_100, %dma_start3A_101] : memref<32768x8xf32, #tpu.memory_space<vmem_shared>> -> memref<32768x8xf32, #tpu.memory_space<vmem_shared>>
        tpu.enqueue_indirect_dma source(%dma_start3A_102 : memref<32768x8xf32, #tpu.memory_space<vmem_shared>>) target(%arg20 : memref<512x8xf32, #tpu.memory_space<vmem>>) offsets(%arg7 : memref<512xi32, #tpu.memory_space<vmem>>) semaphore(%arg33 : memref<!tpu.dma_semaphore, #tpu.memory_space<semaphore_mem>>)
        %scan3A_103 = arith.constant 0 : i32
        %scan3A_104 = arith.constant 0 : i32
        %scan3A_105 = arith.constant 32 : i32
        %scan3A_106 = arith.addi %scan3A_104, %scan3A_105 : i32
        %scan3A_107 = arith.constant 1 : i32
        %scan3A_108 = scf.for %scan3A_464 = %scan3A_104 to %scan3A_106 step %scan3A_107 iter_args(%scan3A_465 = %scan3A_103) -> (i32)  : i32 {
          %mul3A_466 = arith.constant 16 : i32
          %mul3A_467 = arith.muli %scan3A_464, %mul3A_466 : i32
          %add3A_468 = arith.constant 1024 : i32
          %add3A_469 = arith.addi %mul3A_467, %add3A_468 : i32
          %shift_right_arithmetic3A = arith.constant 7 : i32
          %shift_right_arithmetic3A_470 = arith.shrsi %add3A_469, %shift_right_arithmetic3A : i32
          %mul3A_471 = arith.constant 256 : i32
          %mul3A_472 = arith.muli %shift_right_arithmetic3A_470, %mul3A_471 : i32
          %and3A = arith.constant 127 : i32
          %and3A_473 = arith.andi %add3A_469, %and3A : i32
          %add3A_474 = arith.addi %mul3A_472, %and3A_473 : i32
          %mul3A_475 = arith.constant 16 : i32
          %mul3A_476 = arith.muli %scan3A_464, %mul3A_475 : i32
          %get3A = arith.index_cast %add3A_474 : i32 to index
          %get3A_477 = tpu.vector_load %arg5[%get3A] {strides = array<i32>} : memref<8192xf32, #tpu.memory_space<vmem>>, vector<16xf32>,
          %add3A_478 = arith.constant 128 : i32
          %add3A_479 = arith.addi %add3A_474, %add3A_478 : i32
          %get3A_480 = arith.index_cast %add3A_479 : i32 to index
          %get3A_481 = tpu.vector_load %arg5[%get3A_480] {strides = array<i32>} : memref<8192xf32, #tpu.memory_space<vmem>>, vector<16xf32>,
          %add3A_482 = arith.constant 5.000000e-01 : f32
          %add3A_483 = vector.broadcast %add3A_482 : f32 to vector<16xf32>
          %add3A_484 = arith.addf %get3A_477, %add3A_483 : vector<16xf32>
          %convert_element_type3A_485 = arith.fptosi %add3A_484 : vector<16xf32> to vector<16xi32>
          %add3A_486 = arith.constant 5.000000e-01 : f32
          %add3A_487 = vector.broadcast %add3A_486 : f32 to vector<16xf32>
          %add3A_488 = arith.addf %get3A_481, %add3A_487 : vector<16xf32>
          %convert_element_type3A_489 = arith.fptosi %add3A_488 : vector<16xf32> to vector<16xi32>
          %or3A_490 = arith.ori %convert_element_type3A_485, %convert_element_type3A_489 : vector<16xi32>
          %swap3A = arith.index_cast %mul3A_476 : i32 to index
          %swap3A_491 = tpu.vector_load %arg14[%swap3A] {strides = array<i32>} : memref<512xi32, #tpu.memory_space<vmem>>, vector<16xi32>,
          tpu.vector_store %arg14[%swap3A], %or3A_490 {strides = array<i32>} : memref<512xi32, #tpu.memory_space<vmem>>, vector<16xi32>,
          %max3A = arith.constant 0 : i32
          %max3A_492 = vector.broadcast %max3A : i32 to vector<16xi32>
          %max3A_493 = arith.maxsi %convert_element_type3A_485, %max3A_492 : vector<16xi32>
          %min3A = arith.constant 511 : i32
          %min3A_494 = vector.broadcast %min3A : i32 to vector<16xi32>
          %min3A_495 = arith.minsi %max3A_493, %min3A_494 : vector<16xi32>
          %max3A_496 = arith.constant 0 : i32
          %max3A_497 = vector.broadcast %max3A_496 : i32 to vector<16xi32>
          %max3A_498 = arith.maxsi %convert_element_type3A_489, %max3A_497 : vector<16xi32>
          %min3A_499 = arith.constant 511 : i32
          %min3A_500 = vector.broadcast %min3A_499 : i32 to vector<16xi32>
          %min3A_501 = arith.minsi %max3A_498, %min3A_500 : vector<16xi32>
          %shift_right_arithmetic3A_502 = arith.constant 3 : i32
          %shift_right_arithmetic3A_503 = vector.broadcast %shift_right_arithmetic3A_502 : i32 to vector<16xi32>
          %shift_right_arithmetic3A_504 = arith.shrsi %min3A_495, %shift_right_arithmetic3A_503 : vector<16xi32>
          %shift_left3A = arith.constant 9 : i32
          %shift_left3A_505 = vector.broadcast %shift_left3A : i32 to vector<16xi32>
          %shift_left3A_506 = arith.shli %shift_right_arithmetic3A_504, %shift_left3A_505 : vector<16xi32>
          %shift_right_arithmetic3A_507 = arith.constant 7 : i32
          %shift_right_arithmetic3A_508 = vector.broadcast %shift_right_arithmetic3A_507 : i32 to vector<16xi32>
          %shift_right_arithmetic3A_509 = arith.shrsi %min3A_501, %shift_right_arithmetic3A_508 : vector<16xi32>
          %shift_left3A_510 = arith.constant 7 : i32
          %shift_left3A_511 = vector.broadcast %shift_left3A_510 : i32 to vector<16xi32>
          %shift_left3A_512 = arith.shli %shift_right_arithmetic3A_509, %shift_left3A_511 : vector<16xi32>
          %add3A_513 = arith.addi %shift_left3A_506, %shift_left3A_512 : vector<16xi32>
          %and3A_514 = arith.constant 7 : i32
          %and3A_515 = vector.broadcast %and3A_514 : i32 to vector<16xi32>
          %and3A_516 = arith.andi %min3A_495, %and3A_515 : vector<16xi32>
          %shift_left3A_517 = arith.constant 4 : i32
          %shift_left3A_518 = vector.broadcast %shift_left3A_517 : i32 to vector<16xi32>
          %shift_left3A_519 = arith.shli %and3A_516, %shift_left3A_518 : vector<16xi32>
          %add3A_520 = arith.addi %add3A_513, %shift_left3A_519 : vector<16xi32>
          %shift_right_arithmetic3A_521 = arith.constant 3 : i32
          %shift_right_arithmetic3A_522 = vector.broadcast %shift_right_arithmetic3A_521 : i32 to vector<16xi32>
          %shift_right_arithmetic3A_523 = arith.shrsi %min3A_501, %shift_right_arithmetic3A_522 : vector<16xi32>
          %and3A_524 = arith.constant 15 : i32
          %and3A_525 = vector.broadcast %and3A_524 : i32 to vector<16xi32>
          %and3A_526 = arith.andi %shift_right_arithmetic3A_523, %and3A_525 : vector<16xi32>
          %add3A_527 = arith.addi %add3A_520, %and3A_526 : vector<16xi32>
          %swap3A_528 = arith.index_cast %mul3A_476 : i32 to index
          %swap3A_529 = tpu.vector_load %arg8[%swap3A_528] {strides = array<i32>} : memref<512xi32, #tpu.memory_space<vmem>>, vector<16xi32>,
          tpu.vector_store %arg8[%swap3A_528], %add3A_527 {strides = array<i32>} : memref<512xi32, #tpu.memory_space<vmem>>, vector<16xi32>,
          %and3A_530 = arith.constant 7 : i32
          %and3A_531 = vector.broadcast %and3A_530 : i32 to vector<16xi32>
          %and3A_532 = arith.andi %min3A_501, %and3A_531 : vector<16xi32>
          %swap3A_533 = arith.index_cast %mul3A_476 : i32 to index
          %swap3A_534 = tpu.vector_load %arg11[%swap3A_533] {strides = array<i32>} : memref<512xi32, #tpu.memory_space<vmem>>, vector<16xi32>,
          tpu.vector_store %arg11[%swap3A_533], %and3A_532 {strides = array<i32>} : memref<512xi32, #tpu.memory_space<vmem>>, vector<16xi32>,
          %scan3A_535 = arith.constant 0 : i32
          scf.yield %scan3A_535 : i32
        }
        %scan3A_109 = arith.constant 32 : i32
        %dma_start3A_110 = arith.constant 0 : i32
        %dma_start3A_111 = arith.constant 0 : i32
        %dma_start3A_112 = tpu.memref_slice %arg27[%dma_start3A_110, %dma_start3A_111] : memref<98304x8xf32, #tpu.memory_space<vmem_shared>> -> memref<32768x8xf32, #tpu.memory_space<vmem_shared>>
        %dma_start3A_113 = arith.constant 0 : i32
        %dma_start3A_114 = arith.constant 0 : i32
        %dma_start3A_115 = tpu.memref_slice %dma_start3A_112[%dma_start3A_113, %dma_start3A_114] : memref<32768x8xf32, #tpu.memory_space<vmem_shared>> -> memref<32768x8xf32, #tpu.memory_space<vmem_shared>>
        tpu.enqueue_indirect_dma source(%dma_start3A_115 : memref<32768x8xf32, #tpu.memory_space<vmem_shared>>) target(%arg21 : memref<512x8xf32, #tpu.memory_space<vmem>>) offsets(%arg8 : memref<512xi32, #tpu.memory_space<vmem>>) semaphore(%arg34 : memref<!tpu.dma_semaphore, #tpu.memory_space<semaphore_mem>>)
        %dma_start3A_116 = arith.constant 32768 : i32
        %dma_start3A_117 = arith.constant 0 : i32
        %dma_start3A_118 = tpu.memref_slice %arg27[%dma_start3A_116, %dma_start3A_117] : memref<98304x8xf32, #tpu.memory_space<vmem_shared>> -> memref<32768x8xf32, #tpu.memory_space<vmem_shared>>
        %dma_start3A_119 = arith.constant 0 : i32
        %dma_start3A_120 = arith.constant 0 : i32
        %dma_start3A_121 = tpu.memref_slice %dma_start3A_118[%dma_start3A_119, %dma_start3A_120] : memref<32768x8xf32, #tpu.memory_space<vmem_shared>> -> memref<32768x8xf32, #tpu.memory_space<vmem_shared>>
        tpu.enqueue_indirect_dma source(%dma_start3A_121 : memref<32768x8xf32, #tpu.memory_space<vmem_shared>>) target(%arg22 : memref<512x8xf32, #tpu.memory_space<vmem>>) offsets(%arg8 : memref<512xi32, #tpu.memory_space<vmem>>) semaphore(%arg35 : memref<!tpu.dma_semaphore, #tpu.memory_space<semaphore_mem>>)
        %dma_start3A_122 = arith.constant 65536 : i32
        %dma_start3A_123 = arith.constant 0 : i32
        %dma_start3A_124 = tpu.memref_slice %arg27[%dma_start3A_122, %dma_start3A_123] : memref<98304x8xf32, #tpu.memory_space<vmem_shared>> -> memref<32768x8xf32, #tpu.memory_space<vmem_shared>>
        %dma_start3A_125 = arith.constant 0 : i32
        %dma_start3A_126 = arith.constant 0 : i32
        %dma_start3A_127 = tpu.memref_slice %dma_start3A_124[%dma_start3A_125, %dma_start3A_126] : memref<32768x8xf32, #tpu.memory_space<vmem_shared>> -> memref<32768x8xf32, #tpu.memory_space<vmem_shared>>
        tpu.enqueue_indirect_dma source(%dma_start3A_127 : memref<32768x8xf32, #tpu.memory_space<vmem_shared>>) target(%arg23 : memref<512x8xf32, #tpu.memory_space<vmem>>) offsets(%arg8 : memref<512xi32, #tpu.memory_space<vmem>>) semaphore(%arg36 : memref<!tpu.dma_semaphore, #tpu.memory_space<semaphore_mem>>)
        %dma_wait3A_128 = arith.constant 0 : i32
        %dma_wait3A_129 = arith.constant 0 : i32
        %dma_wait3A_130 = tpu.memref_slice %arg27[%dma_wait3A_128, %dma_wait3A_129] : memref<98304x8xf32, #tpu.memory_space<vmem_shared>> -> memref<32768x8xf32, #tpu.memory_space<vmem_shared>>
        %dma_wait3A_131 = arith.constant 0 : i32
        %dma_wait3A_132 = arith.constant 0 : i32
        %dma_wait3A_133 = tpu.memref_slice %dma_wait3A_130[%dma_wait3A_131, %dma_wait3A_132] : memref<32768x8xf32, #tpu.memory_space<vmem_shared>> -> memref<32768x8xf32, #tpu.memory_space<vmem_shared>>
        tpu.wait_indirect_dma semaphore(%arg28 : memref<!tpu.dma_semaphore, #tpu.memory_space<semaphore_mem>>) src(%dma_wait3A_133 : memref<32768x8xf32, #tpu.memory_space<vmem_shared>>) dst(%arg15 : memref<512x8xf32, #tpu.memory_space<vmem>>)
        %dma_wait3A_134 = arith.constant 32768 : i32
        %dma_wait3A_135 = arith.constant 0 : i32
        %dma_wait3A_136 = tpu.memref_slice %arg27[%dma_wait3A_134, %dma_wait3A_135] : memref<98304x8xf32, #tpu.memory_space<vmem_shared>> -> memref<32768x8xf32, #tpu.memory_space<vmem_shared>>
        %dma_wait3A_137 = arith.constant 0 : i32
        %dma_wait3A_138 = arith.constant 0 : i32
        %dma_wait3A_139 = tpu.memref_slice %dma_wait3A_136[%dma_wait3A_137, %dma_wait3A_138] : memref<32768x8xf32, #tpu.memory_space<vmem_shared>> -> memref<32768x8xf32, #tpu.memory_space<vmem_shared>>
        tpu.wait_indirect_dma semaphore(%arg29 : memref<!tpu.dma_semaphore, #tpu.memory_space<semaphore_mem>>) src(%dma_wait3A_139 : memref<32768x8xf32, #tpu.memory_space<vmem_shared>>) dst(%arg16 : memref<512x8xf32, #tpu.memory_space<vmem>>)
        %dma_wait3A_140 = arith.constant 65536 : i32
        %dma_wait3A_141 = arith.constant 0 : i32
        %dma_wait3A_142 = tpu.memref_slice %arg27[%dma_wait3A_140, %dma_wait3A_141] : memref<98304x8xf32, #tpu.memory_space<vmem_shared>> -> memref<32768x8xf32, #tpu.memory_space<vmem_shared>>
        %dma_wait3A_143 = arith.constant 0 : i32
        %dma_wait3A_144 = arith.constant 0 : i32
        %dma_wait3A_145 = tpu.memref_slice %dma_wait3A_142[%dma_wait3A_143, %dma_wait3A_144] : memref<32768x8xf32, #tpu.memory_space<vmem_shared>> -> memref<32768x8xf32, #tpu.memory_space<vmem_shared>>
        tpu.wait_indirect_dma semaphore(%arg30 : memref<!tpu.dma_semaphore, #tpu.memory_space<semaphore_mem>>) src(%dma_wait3A_145 : memref<32768x8xf32, #tpu.memory_space<vmem_shared>>) dst(%arg17 : memref<512x8xf32, #tpu.memory_space<vmem>>)
        %scan3A_146 = arith.constant 0 : i32
        %scan3A_147 = arith.constant 0 : i32
        %scan3A_148 = arith.constant 32 : i32
        %scan3A_149 = arith.addi %scan3A_147, %scan3A_148 : i32
        %scan3A_150 = arith.constant 1 : i32
        %scan3A_151 = scf.for %scan3A_464 = %scan3A_147 to %scan3A_149 step %scan3A_150 iter_args(%scan3A_465 = %scan3A_146) -> (i32)  : i32 {
          %mul3A_466 = arith.constant 16 : i32
          %mul3A_467 = arith.muli %scan3A_464, %mul3A_466 : i32
          %mul3A_468 = arith.constant 16 : i32
          %mul3A_469 = arith.muli %scan3A_464, %mul3A_468 : i32
          %add3A_470 = vector.broadcast %mul3A_469 : i32 to vector<16xi32>
          %add3A_471 = arith.addi %iota3A, %add3A_470 : vector<16xi32>
          %get3A = arith.index_cast %mul3A_467 : i32 to index
          %get3A_472 = tpu.vector_load %arg9[%get3A] {strides = array<i32>} : memref<512xi32, #tpu.memory_space<vmem>>, vector<16xi32>,
          %get3A_473 = arith.index_cast %mul3A_467 : i32 to index
          %get3A_474 = tpu.vector_load %arg12[%get3A_473] {strides = array<i32>} : memref<512xi32, #tpu.memory_space<vmem>>, vector<16xi32>,
          %ge3A = arith.constant 0 : i32
          %ge3A_475 = vector.broadcast %ge3A : i32 to vector<16xi32>
          %ge3A_476 = arith.cmpi sge, %get3A_474, %ge3A_475 : vector<16xi32>
          %lt3A = arith.constant 512 : i32
          %lt3A_477 = vector.broadcast %lt3A : i32 to vector<16xi32>
          %lt3A_478 = arith.cmpi slt, %get3A_474, %lt3A_477 : vector<16xi32>
          %and3A = arith.andi %ge3A_476, %lt3A_478 : vector<16xi1>
          %mul3A_479 = arith.constant 16 : i32
          %mul3A_480 = arith.muli %scan3A_464, %mul3A_479 : i32
          %add3A_481 = arith.constant 0 : i32
          %add3A_482 = arith.addi %mul3A_480, %add3A_481 : i32
          %and3A_483 = arith.constant 511 : i32
          %and3A_484 = arith.andi %add3A_482, %and3A_483 : i32
          %shift_right_arithmetic3A = arith.constant 7 : i32
          %shift_right_arithmetic3A_485 = arith.shrsi %and3A_484, %shift_right_arithmetic3A : i32
          %shift_left3A = arith.constant 10 : i32
          %shift_left3A_486 = arith.shli %shift_right_arithmetic3A_485, %shift_left3A : i32
          %shift_right_arithmetic3A_487 = arith.constant 9 : i32
          %shift_right_arithmetic3A_488 = arith.shrsi %add3A_482, %shift_right_arithmetic3A_487 : i32
          %and3A_489 = arith.constant 7 : i32
          %and3A_490 = arith.andi %shift_right_arithmetic3A_488, %and3A_489 : i32
          %shift_left3A_491 = arith.constant 7 : i32
          %shift_left3A_492 = arith.shli %and3A_490, %shift_left3A_491 : i32
          %add3A_493 = arith.addi %shift_left3A_486, %shift_left3A_492 : i32
          %and3A_494 = arith.constant 127 : i32
          %and3A_495 = arith.andi %and3A_484, %and3A_494 : i32
          %add3A_496 = arith.addi %add3A_493, %and3A_495 : i32
          %gather3A = tpu.vector_load_idx %arg15[%add3A_471, %get3A_472] : memref<512x8xf32, #tpu.memory_space<vmem>>[vector<16xi32>, vector<16xi32>], vector<16xf32>,
          %jit3A = arith.constant 0.000000e+00 : f32
          %broadcast_in_dim3A = vector.broadcast %jit3A : f32 to vector<16xf32>
          %select_n3A = arith.select %and3A, %gather3A, %broadcast_in_dim3A : vector<16xi1>, vector<16xf32>
          %swap3A = arith.index_cast %add3A_496 : i32 to index
          %swap3A_497 = tpu.vector_load %arg24[%swap3A] {strides = array<i32>} : memref<4096xf32, #tpu.memory_space<vmem>>, vector<16xf32>,
          tpu.vector_store %arg24[%swap3A], %select_n3A {strides = array<i32>} : memref<4096xf32, #tpu.memory_space<vmem>>, vector<16xf32>,
          %gather3A_498 = tpu.vector_load_idx %arg16[%add3A_471, %get3A_472] : memref<512x8xf32, #tpu.memory_space<vmem>>[vector<16xi32>, vector<16xi32>], vector<16xf32>,
          %jit3A_499 = arith.constant 0.000000e+00 : f32
          %broadcast_in_dim3A_500 = vector.broadcast %jit3A_499 : f32 to vector<16xf32>
          %select_n3A_501 = arith.select %and3A, %gather3A_498, %broadcast_in_dim3A_500 : vector<16xi1>, vector<16xf32>
          %swap3A_502 = arith.index_cast %add3A_496 : i32 to index
          %swap3A_503 = tpu.vector_load %arg25[%swap3A_502] {strides = array<i32>} : memref<4096xf32, #tpu.memory_space<vmem>>, vector<16xf32>,
          tpu.vector_store %arg25[%swap3A_502], %select_n3A_501 {strides = array<i32>} : memref<4096xf32, #tpu.memory_space<vmem>>, vector<16xf32>,
          %gather3A_504 = tpu.vector_load_idx %arg17[%add3A_471, %get3A_472] : memref<512x8xf32, #tpu.memory_space<vmem>>[vector<16xi32>, vector<16xi32>], vector<16xf32>,
          %jit3A_505 = arith.constant 0.000000e+00 : f32
          %broadcast_in_dim3A_506 = vector.broadcast %jit3A_505 : f32 to vector<16xf32>
          %select_n3A_507 = arith.select %and3A, %gather3A_504, %broadcast_in_dim3A_506 : vector<16xi1>, vector<16xf32>
          %swap3A_508 = arith.index_cast %add3A_496 : i32 to index
          %swap3A_509 = tpu.vector_load %arg26[%swap3A_508] {strides = array<i32>} : memref<4096xf32, #tpu.memory_space<vmem>>, vector<16xf32>,
          tpu.vector_store %arg26[%swap3A_508], %select_n3A_507 {strides = array<i32>} : memref<4096xf32, #tpu.memory_space<vmem>>, vector<16xf32>,
          %scan3A_510 = arith.constant 0 : i32
          scf.yield %scan3A_510 : i32
        }
        %scan3A_152 = arith.constant 32 : i32
        %scan3A_153 = arith.constant 0 : i32
        %scan3A_154 = arith.constant 0 : i32
        %scan3A_155 = arith.constant 32 : i32
        %scan3A_156 = arith.addi %scan3A_154, %scan3A_155 : i32
        %scan3A_157 = arith.constant 1 : i32
        %scan3A_158 = scf.for %scan3A_464 = %scan3A_154 to %scan3A_156 step %scan3A_157 iter_args(%scan3A_465 = %scan3A_153) -> (i32)  : i32 {
          %mul3A_466 = arith.constant 16 : i32
          %mul3A_467 = arith.muli %scan3A_464, %mul3A_466 : i32
          %add3A_468 = arith.constant 1536 : i32
          %add3A_469 = arith.addi %mul3A_467, %add3A_468 : i32
          %shift_right_arithmetic3A = arith.constant 7 : i32
          %shift_right_arithmetic3A_470 = arith.shrsi %add3A_469, %shift_right_arithmetic3A : i32
          %mul3A_471 = arith.constant 256 : i32
          %mul3A_472 = arith.muli %shift_right_arithmetic3A_470, %mul3A_471 : i32
          %and3A = arith.constant 127 : i32
          %and3A_473 = arith.andi %add3A_469, %and3A : i32
          %add3A_474 = arith.addi %mul3A_472, %and3A_473 : i32
          %mul3A_475 = arith.constant 16 : i32
          %mul3A_476 = arith.muli %scan3A_464, %mul3A_475 : i32
          %get3A = arith.index_cast %add3A_474 : i32 to index
          %get3A_477 = tpu.vector_load %arg5[%get3A] {strides = array<i32>} : memref<8192xf32, #tpu.memory_space<vmem>>, vector<16xf32>,
          %add3A_478 = arith.constant 128 : i32
          %add3A_479 = arith.addi %add3A_474, %add3A_478 : i32
          %get3A_480 = arith.index_cast %add3A_479 : i32 to index
          %get3A_481 = tpu.vector_load %arg5[%get3A_480] {strides = array<i32>} : memref<8192xf32, #tpu.memory_space<vmem>>, vector<16xf32>,
          %add3A_482 = arith.constant 5.000000e-01 : f32
          %add3A_483 = vector.broadcast %add3A_482 : f32 to vector<16xf32>
          %add3A_484 = arith.addf %get3A_477, %add3A_483 : vector<16xf32>
          %convert_element_type3A_485 = arith.fptosi %add3A_484 : vector<16xf32> to vector<16xi32>
          %add3A_486 = arith.constant 5.000000e-01 : f32
          %add3A_487 = vector.broadcast %add3A_486 : f32 to vector<16xf32>
          %add3A_488 = arith.addf %get3A_481, %add3A_487 : vector<16xf32>
          %convert_element_type3A_489 = arith.fptosi %add3A_488 : vector<16xf32> to vector<16xi32>
          %or3A_490 = arith.ori %convert_element_type3A_485, %convert_element_type3A_489 : vector<16xi32>
          %swap3A = arith.index_cast %mul3A_476 : i32 to index
          %swap3A_491 = tpu.vector_load %arg12[%swap3A] {strides = array<i32>} : memref<512xi32, #tpu.memory_space<vmem>>, vector<16xi32>,
          tpu.vector_store %arg12[%swap3A], %or3A_490 {strides = array<i32>} : memref<512xi32, #tpu.memory_space<vmem>>, vector<16xi32>,
          %max3A = arith.constant 0 : i32
          %max3A_492 = vector.broadcast %max3A : i32 to vector<16xi32>
          %max3A_493 = arith.maxsi %convert_element_type3A_485, %max3A_492 : vector<16xi32>
          %min3A = arith.constant 511 : i32
          %min3A_494 = vector.broadcast %min3A : i32 to vector<16xi32>
          %min3A_495 = arith.minsi %max3A_493, %min3A_494 : vector<16xi32>
          %max3A_496 = arith.constant 0 : i32
          %max3A_497 = vector.broadcast %max3A_496 : i32 to vector<16xi32>
          %max3A_498 = arith.maxsi %convert_element_type3A_489, %max3A_497 : vector<16xi32>
          %min3A_499 = arith.constant 511 : i32
          %min3A_500 = vector.broadcast %min3A_499 : i32 to vector<16xi32>
          %min3A_501 = arith.minsi %max3A_498, %min3A_500 : vector<16xi32>
          %shift_right_arithmetic3A_502 = arith.constant 3 : i32
          %shift_right_arithmetic3A_503 = vector.broadcast %shift_right_arithmetic3A_502 : i32 to vector<16xi32>
          %shift_right_arithmetic3A_504 = arith.shrsi %min3A_495, %shift_right_arithmetic3A_503 : vector<16xi32>
          %shift_left3A = arith.constant 9 : i32
          %shift_left3A_505 = vector.broadcast %shift_left3A : i32 to vector<16xi32>
          %shift_left3A_506 = arith.shli %shift_right_arithmetic3A_504, %shift_left3A_505 : vector<16xi32>
          %shift_right_arithmetic3A_507 = arith.constant 7 : i32
          %shift_right_arithmetic3A_508 = vector.broadcast %shift_right_arithmetic3A_507 : i32 to vector<16xi32>
          %shift_right_arithmetic3A_509 = arith.shrsi %min3A_501, %shift_right_arithmetic3A_508 : vector<16xi32>
          %shift_left3A_510 = arith.constant 7 : i32
          %shift_left3A_511 = vector.broadcast %shift_left3A_510 : i32 to vector<16xi32>
          %shift_left3A_512 = arith.shli %shift_right_arithmetic3A_509, %shift_left3A_511 : vector<16xi32>
          %add3A_513 = arith.addi %shift_left3A_506, %shift_left3A_512 : vector<16xi32>
          %and3A_514 = arith.constant 7 : i32
          %and3A_515 = vector.broadcast %and3A_514 : i32 to vector<16xi32>
          %and3A_516 = arith.andi %min3A_495, %and3A_515 : vector<16xi32>
          %shift_left3A_517 = arith.constant 4 : i32
          %shift_left3A_518 = vector.broadcast %shift_left3A_517 : i32 to vector<16xi32>
          %shift_left3A_519 = arith.shli %and3A_516, %shift_left3A_518 : vector<16xi32>
          %add3A_520 = arith.addi %add3A_513, %shift_left3A_519 : vector<16xi32>
          %shift_right_arithmetic3A_521 = arith.constant 3 : i32
          %shift_right_arithmetic3A_522 = vector.broadcast %shift_right_arithmetic3A_521 : i32 to vector<16xi32>
          %shift_right_arithmetic3A_523 = arith.shrsi %min3A_501, %shift_right_arithmetic3A_522 : vector<16xi32>
          %and3A_524 = arith.constant 15 : i32
          %and3A_525 = vector.broadcast %and3A_524 : i32 to vector<16xi32>
          %and3A_526 = arith.andi %shift_right_arithmetic3A_523, %and3A_525 : vector<16xi32>
          %add3A_527 = arith.addi %add3A_520, %and3A_526 : vector<16xi32>
          %swap3A_528 = arith.index_cast %mul3A_476 : i32 to index
          %swap3A_529 = tpu.vector_load %arg6[%swap3A_528] {strides = array<i32>} : memref<512xi32, #tpu.memory_space<vmem>>, vector<16xi32>,
          tpu.vector_store %arg6[%swap3A_528], %add3A_527 {strides = array<i32>} : memref<512xi32, #tpu.memory_space<vmem>>, vector<16xi32>,
          %and3A_530 = arith.constant 7 : i32
          %and3A_531 = vector.broadcast %and3A_530 : i32 to vector<16xi32>
          %and3A_532 = arith.andi %min3A_501, %and3A_531 : vector<16xi32>
          %swap3A_533 = arith.index_cast %mul3A_476 : i32 to index
          %swap3A_534 = tpu.vector_load %arg9[%swap3A_533] {strides = array<i32>} : memref<512xi32, #tpu.memory_space<vmem>>, vector<16xi32>,
          tpu.vector_store %arg9[%swap3A_533], %and3A_532 {strides = array<i32>} : memref<512xi32, #tpu.memory_space<vmem>>, vector<16xi32>,
          %scan3A_535 = arith.constant 0 : i32
          scf.yield %scan3A_535 : i32
        }
        %scan3A_159 = arith.constant 32 : i32
        %dma_start3A_160 = arith.constant 0 : i32
        %dma_start3A_161 = arith.constant 0 : i32
        %dma_start3A_162 = tpu.memref_slice %arg27[%dma_start3A_160, %dma_start3A_161] : memref<98304x8xf32, #tpu.memory_space<vmem_shared>> -> memref<32768x8xf32, #tpu.memory_space<vmem_shared>>
        %dma_start3A_163 = arith.constant 0 : i32
        %dma_start3A_164 = arith.constant 0 : i32
        %dma_start3A_165 = tpu.memref_slice %dma_start3A_162[%dma_start3A_163, %dma_start3A_164] : memref<32768x8xf32, #tpu.memory_space<vmem_shared>> -> memref<32768x8xf32, #tpu.memory_space<vmem_shared>>
        tpu.enqueue_indirect_dma source(%dma_start3A_165 : memref<32768x8xf32, #tpu.memory_space<vmem_shared>>) target(%arg15 : memref<512x8xf32, #tpu.memory_space<vmem>>) offsets(%arg6 : memref<512xi32, #tpu.memory_space<vmem>>) semaphore(%arg28 : memref<!tpu.dma_semaphore, #tpu.memory_space<semaphore_mem>>)
        %dma_start3A_166 = arith.constant 32768 : i32
        %dma_start3A_167 = arith.constant 0 : i32
        %dma_start3A_168 = tpu.memref_slice %arg27[%dma_start3A_166, %dma_start3A_167] : memref<98304x8xf32, #tpu.memory_space<vmem_shared>> -> memref<32768x8xf32, #tpu.memory_space<vmem_shared>>
        %dma_start3A_169 = arith.constant 0 : i32
        %dma_start3A_170 = arith.constant 0 : i32
        %dma_start3A_171 = tpu.memref_slice %dma_start3A_168[%dma_start3A_169, %dma_start3A_170] : memref<32768x8xf32, #tpu.memory_space<vmem_shared>> -> memref<32768x8xf32, #tpu.memory_space<vmem_shared>>
        tpu.enqueue_indirect_dma source(%dma_start3A_171 : memref<32768x8xf32, #tpu.memory_space<vmem_shared>>) target(%arg16 : memref<512x8xf32, #tpu.memory_space<vmem>>) offsets(%arg6 : memref<512xi32, #tpu.memory_space<vmem>>) semaphore(%arg29 : memref<!tpu.dma_semaphore, #tpu.memory_space<semaphore_mem>>)
        %dma_start3A_172 = arith.constant 65536 : i32
        %dma_start3A_173 = arith.constant 0 : i32
        %dma_start3A_174 = tpu.memref_slice %arg27[%dma_start3A_172, %dma_start3A_173] : memref<98304x8xf32, #tpu.memory_space<vmem_shared>> -> memref<32768x8xf32, #tpu.memory_space<vmem_shared>>
        %dma_start3A_175 = arith.constant 0 : i32
        %dma_start3A_176 = arith.constant 0 : i32
        %dma_start3A_177 = tpu.memref_slice %dma_start3A_174[%dma_start3A_175, %dma_start3A_176] : memref<32768x8xf32, #tpu.memory_space<vmem_shared>> -> memref<32768x8xf32, #tpu.memory_space<vmem_shared>>
        tpu.enqueue_indirect_dma source(%dma_start3A_177 : memref<32768x8xf32, #tpu.memory_space<vmem_shared>>) target(%arg17 : memref<512x8xf32, #tpu.memory_space<vmem>>) offsets(%arg6 : memref<512xi32, #tpu.memory_space<vmem>>) semaphore(%arg30 : memref<!tpu.dma_semaphore, #tpu.memory_space<semaphore_mem>>)
        %dma_wait3A_178 = arith.constant 0 : i32
        %dma_wait3A_179 = arith.constant 0 : i32
        %dma_wait3A_180 = tpu.memref_slice %arg27[%dma_wait3A_178, %dma_wait3A_179] : memref<98304x8xf32, #tpu.memory_space<vmem_shared>> -> memref<32768x8xf32, #tpu.memory_space<vmem_shared>>
        %dma_wait3A_181 = arith.constant 0 : i32
        %dma_wait3A_182 = arith.constant 0 : i32
        %dma_wait3A_183 = tpu.memref_slice %dma_wait3A_180[%dma_wait3A_181, %dma_wait3A_182] : memref<32768x8xf32, #tpu.memory_space<vmem_shared>> -> memref<32768x8xf32, #tpu.memory_space<vmem_shared>>
        tpu.wait_indirect_dma semaphore(%arg31 : memref<!tpu.dma_semaphore, #tpu.memory_space<semaphore_mem>>) src(%dma_wait3A_183 : memref<32768x8xf32, #tpu.memory_space<vmem_shared>>) dst(%arg18 : memref<512x8xf32, #tpu.memory_space<vmem>>)
        %dma_wait3A_184 = arith.constant 32768 : i32
        %dma_wait3A_185 = arith.constant 0 : i32
        %dma_wait3A_186 = tpu.memref_slice %arg27[%dma_wait3A_184, %dma_wait3A_185] : memref<98304x8xf32, #tpu.memory_space<vmem_shared>> -> memref<32768x8xf32, #tpu.memory_space<vmem_shared>>
        %dma_wait3A_187 = arith.constant 0 : i32
        %dma_wait3A_188 = arith.constant 0 : i32
        %dma_wait3A_189 = tpu.memref_slice %dma_wait3A_186[%dma_wait3A_187, %dma_wait3A_188] : memref<32768x8xf32, #tpu.memory_space<vmem_shared>> -> memref<32768x8xf32, #tpu.memory_space<vmem_shared>>
        tpu.wait_indirect_dma semaphore(%arg32 : memref<!tpu.dma_semaphore, #tpu.memory_space<semaphore_mem>>) src(%dma_wait3A_189 : memref<32768x8xf32, #tpu.memory_space<vmem_shared>>) dst(%arg19 : memref<512x8xf32, #tpu.memory_space<vmem>>)
        %dma_wait3A_190 = arith.constant 65536 : i32
        %dma_wait3A_191 = arith.constant 0 : i32
        %dma_wait3A_192 = tpu.memref_slice %arg27[%dma_wait3A_190, %dma_wait3A_191] : memref<98304x8xf32, #tpu.memory_space<vmem_shared>> -> memref<32768x8xf32, #tpu.memory_space<vmem_shared>>
        %dma_wait3A_193 = arith.constant 0 : i32
        %dma_wait3A_194 = arith.constant 0 : i32
        %dma_wait3A_195 = tpu.memref_slice %dma_wait3A_192[%dma_wait3A_193, %dma_wait3A_194] : memref<32768x8xf32, #tpu.memory_space<vmem_shared>> -> memref<32768x8xf32, #tpu.memory_space<vmem_shared>>
        tpu.wait_indirect_dma semaphore(%arg33 : memref<!tpu.dma_semaphore, #tpu.memory_space<semaphore_mem>>) src(%dma_wait3A_195 : memref<32768x8xf32, #tpu.memory_space<vmem_shared>>) dst(%arg20 : memref<512x8xf32, #tpu.memory_space<vmem>>)
        %scan3A_196 = arith.constant 0 : i32
        %scan3A_197 = arith.constant 0 : i32
        %scan3A_198 = arith.constant 32 : i32
        %scan3A_199 = arith.addi %scan3A_197, %scan3A_198 : i32
        %scan3A_200 = arith.constant 1 : i32
        %scan3A_201 = scf.for %scan3A_464 = %scan3A_197 to %scan3A_199 step %scan3A_200 iter_args(%scan3A_465 = %scan3A_196) -> (i32)  : i32 {
          %mul3A_466 = arith.constant 16 : i32
          %mul3A_467 = arith.muli %scan3A_464, %mul3A_466 : i32
          %mul3A_468 = arith.constant 16 : i32
          %mul3A_469 = arith.muli %scan3A_464, %mul3A_468 : i32
          %add3A_470 = vector.broadcast %mul3A_469 : i32 to vector<16xi32>
          %add3A_471 = arith.addi %iota3A, %add3A_470 : vector<16xi32>
          %get3A = arith.index_cast %mul3A_467 : i32 to index
          %get3A_472 = tpu.vector_load %arg10[%get3A] {strides = array<i32>} : memref<512xi32, #tpu.memory_space<vmem>>, vector<16xi32>,
          %get3A_473 = arith.index_cast %mul3A_467 : i32 to index
          %get3A_474 = tpu.vector_load %arg13[%get3A_473] {strides = array<i32>} : memref<512xi32, #tpu.memory_space<vmem>>, vector<16xi32>,
          %ge3A = arith.constant 0 : i32
          %ge3A_475 = vector.broadcast %ge3A : i32 to vector<16xi32>
          %ge3A_476 = arith.cmpi sge, %get3A_474, %ge3A_475 : vector<16xi32>
          %lt3A = arith.constant 512 : i32
          %lt3A_477 = vector.broadcast %lt3A : i32 to vector<16xi32>
          %lt3A_478 = arith.cmpi slt, %get3A_474, %lt3A_477 : vector<16xi32>
          %and3A = arith.andi %ge3A_476, %lt3A_478 : vector<16xi1>
          %mul3A_479 = arith.constant 16 : i32
          %mul3A_480 = arith.muli %scan3A_464, %mul3A_479 : i32
          %add3A_481 = arith.constant 512 : i32
          %add3A_482 = arith.addi %mul3A_480, %add3A_481 : i32
          %and3A_483 = arith.constant 511 : i32
          %and3A_484 = arith.andi %add3A_482, %and3A_483 : i32
          %shift_right_arithmetic3A = arith.constant 7 : i32
          %shift_right_arithmetic3A_485 = arith.shrsi %and3A_484, %shift_right_arithmetic3A : i32
          %shift_left3A = arith.constant 10 : i32
          %shift_left3A_486 = arith.shli %shift_right_arithmetic3A_485, %shift_left3A : i32
          %shift_right_arithmetic3A_487 = arith.constant 9 : i32
          %shift_right_arithmetic3A_488 = arith.shrsi %add3A_482, %shift_right_arithmetic3A_487 : i32
          %and3A_489 = arith.constant 7 : i32
          %and3A_490 = arith.andi %shift_right_arithmetic3A_488, %and3A_489 : i32
          %shift_left3A_491 = arith.constant 7 : i32
          %shift_left3A_492 = arith.shli %and3A_490, %shift_left3A_491 : i32
          %add3A_493 = arith.addi %shift_left3A_486, %shift_left3A_492 : i32
          %and3A_494 = arith.constant 127 : i32
          %and3A_495 = arith.andi %and3A_484, %and3A_494 : i32
          %add3A_496 = arith.addi %add3A_493, %and3A_495 : i32
          %gather3A = tpu.vector_load_idx %arg18[%add3A_471, %get3A_472] : memref<512x8xf32, #tpu.memory_space<vmem>>[vector<16xi32>, vector<16xi32>], vector<16xf32>,
          %jit3A = arith.constant 0.000000e+00 : f32
          %broadcast_in_dim3A = vector.broadcast %jit3A : f32 to vector<16xf32>
          %select_n3A = arith.select %and3A, %gather3A, %broadcast_in_dim3A : vector<16xi1>, vector<16xf32>
          %swap3A = arith.index_cast %add3A_496 : i32 to index
          %swap3A_497 = tpu.vector_load %arg24[%swap3A] {strides = array<i32>} : memref<4096xf32, #tpu.memory_space<vmem>>, vector<16xf32>,
          tpu.vector_store %arg24[%swap3A], %select_n3A {strides = array<i32>} : memref<4096xf32, #tpu.memory_space<vmem>>, vector<16xf32>,
          %gather3A_498 = tpu.vector_load_idx %arg19[%add3A_471, %get3A_472] : memref<512x8xf32, #tpu.memory_space<vmem>>[vector<16xi32>, vector<16xi32>], vector<16xf32>,
          %jit3A_499 = arith.constant 0.000000e+00 : f32
          %broadcast_in_dim3A_500 = vector.broadcast %jit3A_499 : f32 to vector<16xf32>
          %select_n3A_501 = arith.select %and3A, %gather3A_498, %broadcast_in_dim3A_500 : vector<16xi1>, vector<16xf32>
          %swap3A_502 = arith.index_cast %add3A_496 : i32 to index
          %swap3A_503 = tpu.vector_load %arg25[%swap3A_502] {strides = array<i32>} : memref<4096xf32, #tpu.memory_space<vmem>>, vector<16xf32>,
          tpu.vector_store %arg25[%swap3A_502], %select_n3A_501 {strides = array<i32>} : memref<4096xf32, #tpu.memory_space<vmem>>, vector<16xf32>,
          %gather3A_504 = tpu.vector_load_idx %arg20[%add3A_471, %get3A_472] : memref<512x8xf32, #tpu.memory_space<vmem>>[vector<16xi32>, vector<16xi32>], vector<16xf32>,
          %jit3A_505 = arith.constant 0.000000e+00 : f32
          %broadcast_in_dim3A_506 = vector.broadcast %jit3A_505 : f32 to vector<16xf32>
          %select_n3A_507 = arith.select %and3A, %gather3A_504, %broadcast_in_dim3A_506 : vector<16xi1>, vector<16xf32>
          %swap3A_508 = arith.index_cast %add3A_496 : i32 to index
          %swap3A_509 = tpu.vector_load %arg26[%swap3A_508] {strides = array<i32>} : memref<4096xf32, #tpu.memory_space<vmem>>, vector<16xf32>,
          tpu.vector_store %arg26[%swap3A_508], %select_n3A_507 {strides = array<i32>} : memref<4096xf32, #tpu.memory_space<vmem>>, vector<16xf32>,
          %scan3A_510 = arith.constant 0 : i32
          scf.yield %scan3A_510 : i32
        }
        %scan3A_202 = arith.constant 32 : i32
        %scan3A_203 = arith.constant 0 : i32
        %scan3A_204 = arith.constant 0 : i32
        %scan3A_205 = arith.constant 32 : i32
        %scan3A_206 = arith.addi %scan3A_204, %scan3A_205 : i32
        %scan3A_207 = arith.constant 1 : i32
        %scan3A_208 = scf.for %scan3A_464 = %scan3A_204 to %scan3A_206 step %scan3A_207 iter_args(%scan3A_465 = %scan3A_203) -> (i32)  : i32 {
          %mul3A_466 = arith.constant 16 : i32
          %mul3A_467 = arith.muli %scan3A_464, %mul3A_466 : i32
          %add3A_468 = arith.constant 2048 : i32
          %add3A_469 = arith.addi %mul3A_467, %add3A_468 : i32
          %shift_right_arithmetic3A = arith.constant 7 : i32
          %shift_right_arithmetic3A_470 = arith.shrsi %add3A_469, %shift_right_arithmetic3A : i32
          %mul3A_471 = arith.constant 256 : i32
          %mul3A_472 = arith.muli %shift_right_arithmetic3A_470, %mul3A_471 : i32
          %and3A = arith.constant 127 : i32
          %and3A_473 = arith.andi %add3A_469, %and3A : i32
          %add3A_474 = arith.addi %mul3A_472, %and3A_473 : i32
          %mul3A_475 = arith.constant 16 : i32
          %mul3A_476 = arith.muli %scan3A_464, %mul3A_475 : i32
          %get3A = arith.index_cast %add3A_474 : i32 to index
          %get3A_477 = tpu.vector_load %arg5[%get3A] {strides = array<i32>} : memref<8192xf32, #tpu.memory_space<vmem>>, vector<16xf32>,
          %add3A_478 = arith.constant 128 : i32
          %add3A_479 = arith.addi %add3A_474, %add3A_478 : i32
          %get3A_480 = arith.index_cast %add3A_479 : i32 to index
          %get3A_481 = tpu.vector_load %arg5[%get3A_480] {strides = array<i32>} : memref<8192xf32, #tpu.memory_space<vmem>>, vector<16xf32>,
          %add3A_482 = arith.constant 5.000000e-01 : f32
          %add3A_483 = vector.broadcast %add3A_482 : f32 to vector<16xf32>
          %add3A_484 = arith.addf %get3A_477, %add3A_483 : vector<16xf32>
          %convert_element_type3A_485 = arith.fptosi %add3A_484 : vector<16xf32> to vector<16xi32>
          %add3A_486 = arith.constant 5.000000e-01 : f32
          %add3A_487 = vector.broadcast %add3A_486 : f32 to vector<16xf32>
          %add3A_488 = arith.addf %get3A_481, %add3A_487 : vector<16xf32>
          %convert_element_type3A_489 = arith.fptosi %add3A_488 : vector<16xf32> to vector<16xi32>
          %or3A_490 = arith.ori %convert_element_type3A_485, %convert_element_type3A_489 : vector<16xi32>
          %swap3A = arith.index_cast %mul3A_476 : i32 to index
          %swap3A_491 = tpu.vector_load %arg13[%swap3A] {strides = array<i32>} : memref<512xi32, #tpu.memory_space<vmem>>, vector<16xi32>,
          tpu.vector_store %arg13[%swap3A], %or3A_490 {strides = array<i32>} : memref<512xi32, #tpu.memory_space<vmem>>, vector<16xi32>,
          %max3A = arith.constant 0 : i32
          %max3A_492 = vector.broadcast %max3A : i32 to vector<16xi32>
          %max3A_493 = arith.maxsi %convert_element_type3A_485, %max3A_492 : vector<16xi32>
          %min3A = arith.constant 511 : i32
          %min3A_494 = vector.broadcast %min3A : i32 to vector<16xi32>
          %min3A_495 = arith.minsi %max3A_493, %min3A_494 : vector<16xi32>
          %max3A_496 = arith.constant 0 : i32
          %max3A_497 = vector.broadcast %max3A_496 : i32 to vector<16xi32>
          %max3A_498 = arith.maxsi %convert_element_type3A_489, %max3A_497 : vector<16xi32>
          %min3A_499 = arith.constant 511 : i32
          %min3A_500 = vector.broadcast %min3A_499 : i32 to vector<16xi32>
          %min3A_501 = arith.minsi %max3A_498, %min3A_500 : vector<16xi32>
          %shift_right_arithmetic3A_502 = arith.constant 3 : i32
          %shift_right_arithmetic3A_503 = vector.broadcast %shift_right_arithmetic3A_502 : i32 to vector<16xi32>
          %shift_right_arithmetic3A_504 = arith.shrsi %min3A_495, %shift_right_arithmetic3A_503 : vector<16xi32>
          %shift_left3A = arith.constant 9 : i32
          %shift_left3A_505 = vector.broadcast %shift_left3A : i32 to vector<16xi32>
          %shift_left3A_506 = arith.shli %shift_right_arithmetic3A_504, %shift_left3A_505 : vector<16xi32>
          %shift_right_arithmetic3A_507 = arith.constant 7 : i32
          %shift_right_arithmetic3A_508 = vector.broadcast %shift_right_arithmetic3A_507 : i32 to vector<16xi32>
          %shift_right_arithmetic3A_509 = arith.shrsi %min3A_501, %shift_right_arithmetic3A_508 : vector<16xi32>
          %shift_left3A_510 = arith.constant 7 : i32
          %shift_left3A_511 = vector.broadcast %shift_left3A_510 : i32 to vector<16xi32>
          %shift_left3A_512 = arith.shli %shift_right_arithmetic3A_509, %shift_left3A_511 : vector<16xi32>
          %add3A_513 = arith.addi %shift_left3A_506, %shift_left3A_512 : vector<16xi32>
          %and3A_514 = arith.constant 7 : i32
          %and3A_515 = vector.broadcast %and3A_514 : i32 to vector<16xi32>
          %and3A_516 = arith.andi %min3A_495, %and3A_515 : vector<16xi32>
          %shift_left3A_517 = arith.constant 4 : i32
          %shift_left3A_518 = vector.broadcast %shift_left3A_517 : i32 to vector<16xi32>
          %shift_left3A_519 = arith.shli %and3A_516, %shift_left3A_518 : vector<16xi32>
          %add3A_520 = arith.addi %add3A_513, %shift_left3A_519 : vector<16xi32>
          %shift_right_arithmetic3A_521 = arith.constant 3 : i32
          %shift_right_arithmetic3A_522 = vector.broadcast %shift_right_arithmetic3A_521 : i32 to vector<16xi32>
          %shift_right_arithmetic3A_523 = arith.shrsi %min3A_501, %shift_right_arithmetic3A_522 : vector<16xi32>
          %and3A_524 = arith.constant 15 : i32
          %and3A_525 = vector.broadcast %and3A_524 : i32 to vector<16xi32>
          %and3A_526 = arith.andi %shift_right_arithmetic3A_523, %and3A_525 : vector<16xi32>
          %add3A_527 = arith.addi %add3A_520, %and3A_526 : vector<16xi32>
          %swap3A_528 = arith.index_cast %mul3A_476 : i32 to index
          %swap3A_529 = tpu.vector_load %arg7[%swap3A_528] {strides = array<i32>} : memref<512xi32, #tpu.memory_space<vmem>>, vector<16xi32>,
          tpu.vector_store %arg7[%swap3A_528], %add3A_527 {strides = array<i32>} : memref<512xi32, #tpu.memory_space<vmem>>, vector<16xi32>,
          %and3A_530 = arith.constant 7 : i32
          %and3A_531 = vector.broadcast %and3A_530 : i32 to vector<16xi32>
          %and3A_532 = arith.andi %min3A_501, %and3A_531 : vector<16xi32>
          %swap3A_533 = arith.index_cast %mul3A_476 : i32 to index
          %swap3A_534 = tpu.vector_load %arg10[%swap3A_533] {strides = array<i32>} : memref<512xi32, #tpu.memory_space<vmem>>, vector<16xi32>,
          tpu.vector_store %arg10[%swap3A_533], %and3A_532 {strides = array<i32>} : memref<512xi32, #tpu.memory_space<vmem>>, vector<16xi32>,
          %scan3A_535 = arith.constant 0 : i32
          scf.yield %scan3A_535 : i32
        }
        %scan3A_209 = arith.constant 32 : i32
        %dma_start3A_210 = arith.constant 0 : i32
        %dma_start3A_211 = arith.constant 0 : i32
        %dma_start3A_212 = tpu.memref_slice %arg27[%dma_start3A_210, %dma_start3A_211] : memref<98304x8xf32, #tpu.memory_space<vmem_shared>> -> memref<32768x8xf32, #tpu.memory_space<vmem_shared>>
        %dma_start3A_213 = arith.constant 0 : i32
        %dma_start3A_214 = arith.constant 0 : i32
        %dma_start3A_215 = tpu.memref_slice %dma_start3A_212[%dma_start3A_213, %dma_start3A_214] : memref<32768x8xf32, #tpu.memory_space<vmem_shared>> -> memref<32768x8xf32, #tpu.memory_space<vmem_shared>>
        tpu.enqueue_indirect_dma source(%dma_start3A_215 : memref<32768x8xf32, #tpu.memory_space<vmem_shared>>) target(%arg18 : memref<512x8xf32, #tpu.memory_space<vmem>>) offsets(%arg7 : memref<512xi32, #tpu.memory_space<vmem>>) semaphore(%arg31 : memref<!tpu.dma_semaphore, #tpu.memory_space<semaphore_mem>>)
        %dma_start3A_216 = arith.constant 32768 : i32
        %dma_start3A_217 = arith.constant 0 : i32
        %dma_start3A_218 = tpu.memref_slice %arg27[%dma_start3A_216, %dma_start3A_217] : memref<98304x8xf32, #tpu.memory_space<vmem_shared>> -> memref<32768x8xf32, #tpu.memory_space<vmem_shared>>
        %dma_start3A_219 = arith.constant 0 : i32
        %dma_start3A_220 = arith.constant 0 : i32
        %dma_start3A_221 = tpu.memref_slice %dma_start3A_218[%dma_start3A_219, %dma_start3A_220] : memref<32768x8xf32, #tpu.memory_space<vmem_shared>> -> memref<32768x8xf32, #tpu.memory_space<vmem_shared>>
        tpu.enqueue_indirect_dma source(%dma_start3A_221 : memref<32768x8xf32, #tpu.memory_space<vmem_shared>>) target(%arg19 : memref<512x8xf32, #tpu.memory_space<vmem>>) offsets(%arg7 : memref<512xi32, #tpu.memory_space<vmem>>) semaphore(%arg32 : memref<!tpu.dma_semaphore, #tpu.memory_space<semaphore_mem>>)
        %dma_start3A_222 = arith.constant 65536 : i32
        %dma_start3A_223 = arith.constant 0 : i32
        %dma_start3A_224 = tpu.memref_slice %arg27[%dma_start3A_222, %dma_start3A_223] : memref<98304x8xf32, #tpu.memory_space<vmem_shared>> -> memref<32768x8xf32, #tpu.memory_space<vmem_shared>>
        %dma_start3A_225 = arith.constant 0 : i32
        %dma_start3A_226 = arith.constant 0 : i32
        %dma_start3A_227 = tpu.memref_slice %dma_start3A_224[%dma_start3A_225, %dma_start3A_226] : memref<32768x8xf32, #tpu.memory_space<vmem_shared>> -> memref<32768x8xf32, #tpu.memory_space<vmem_shared>>
        tpu.enqueue_indirect_dma source(%dma_start3A_227 : memref<32768x8xf32, #tpu.memory_space<vmem_shared>>) target(%arg20 : memref<512x8xf32, #tpu.memory_space<vmem>>) offsets(%arg7 : memref<512xi32, #tpu.memory_space<vmem>>) semaphore(%arg33 : memref<!tpu.dma_semaphore, #tpu.memory_space<semaphore_mem>>)
        %dma_wait3A_228 = arith.constant 0 : i32
        %dma_wait3A_229 = arith.constant 0 : i32
        %dma_wait3A_230 = tpu.memref_slice %arg27[%dma_wait3A_228, %dma_wait3A_229] : memref<98304x8xf32, #tpu.memory_space<vmem_shared>> -> memref<32768x8xf32, #tpu.memory_space<vmem_shared>>
        %dma_wait3A_231 = arith.constant 0 : i32
        %dma_wait3A_232 = arith.constant 0 : i32
        %dma_wait3A_233 = tpu.memref_slice %dma_wait3A_230[%dma_wait3A_231, %dma_wait3A_232] : memref<32768x8xf32, #tpu.memory_space<vmem_shared>> -> memref<32768x8xf32, #tpu.memory_space<vmem_shared>>
        tpu.wait_indirect_dma semaphore(%arg34 : memref<!tpu.dma_semaphore, #tpu.memory_space<semaphore_mem>>) src(%dma_wait3A_233 : memref<32768x8xf32, #tpu.memory_space<vmem_shared>>) dst(%arg21 : memref<512x8xf32, #tpu.memory_space<vmem>>)
        %dma_wait3A_234 = arith.constant 32768 : i32
        %dma_wait3A_235 = arith.constant 0 : i32
        %dma_wait3A_236 = tpu.memref_slice %arg27[%dma_wait3A_234, %dma_wait3A_235] : memref<98304x8xf32, #tpu.memory_space<vmem_shared>> -> memref<32768x8xf32, #tpu.memory_space<vmem_shared>>
        %dma_wait3A_237 = arith.constant 0 : i32
        %dma_wait3A_238 = arith.constant 0 : i32
        %dma_wait3A_239 = tpu.memref_slice %dma_wait3A_236[%dma_wait3A_237, %dma_wait3A_238] : memref<32768x8xf32, #tpu.memory_space<vmem_shared>> -> memref<32768x8xf32, #tpu.memory_space<vmem_shared>>
        tpu.wait_indirect_dma semaphore(%arg35 : memref<!tpu.dma_semaphore, #tpu.memory_space<semaphore_mem>>) src(%dma_wait3A_239 : memref<32768x8xf32, #tpu.memory_space<vmem_shared>>) dst(%arg22 : memref<512x8xf32, #tpu.memory_space<vmem>>)
        %dma_wait3A_240 = arith.constant 65536 : i32
        %dma_wait3A_241 = arith.constant 0 : i32
        %dma_wait3A_242 = tpu.memref_slice %arg27[%dma_wait3A_240, %dma_wait3A_241] : memref<98304x8xf32, #tpu.memory_space<vmem_shared>> -> memref<32768x8xf32, #tpu.memory_space<vmem_shared>>
        %dma_wait3A_243 = arith.constant 0 : i32
        %dma_wait3A_244 = arith.constant 0 : i32
        %dma_wait3A_245 = tpu.memref_slice %dma_wait3A_242[%dma_wait3A_243, %dma_wait3A_244] : memref<32768x8xf32, #tpu.memory_space<vmem_shared>> -> memref<32768x8xf32, #tpu.memory_space<vmem_shared>>
        tpu.wait_indirect_dma semaphore(%arg36 : memref<!tpu.dma_semaphore, #tpu.memory_space<semaphore_mem>>) src(%dma_wait3A_245 : memref<32768x8xf32, #tpu.memory_space<vmem_shared>>) dst(%arg23 : memref<512x8xf32, #tpu.memory_space<vmem>>)
        %scan3A_246 = arith.constant 0 : i32
        %scan3A_247 = arith.constant 0 : i32
        %scan3A_248 = arith.constant 32 : i32
        %scan3A_249 = arith.addi %scan3A_247, %scan3A_248 : i32
        %scan3A_250 = arith.constant 1 : i32
        %scan3A_251 = scf.for %scan3A_464 = %scan3A_247 to %scan3A_249 step %scan3A_250 iter_args(%scan3A_465 = %scan3A_246) -> (i32)  : i32 {
          %mul3A_466 = arith.constant 16 : i32
          %mul3A_467 = arith.muli %scan3A_464, %mul3A_466 : i32
          %mul3A_468 = arith.constant 16 : i32
          %mul3A_469 = arith.muli %scan3A_464, %mul3A_468 : i32
          %add3A_470 = vector.broadcast %mul3A_469 : i32 to vector<16xi32>
          %add3A_471 = arith.addi %iota3A, %add3A_470 : vector<16xi32>
          %get3A = arith.index_cast %mul3A_467 : i32 to index
          %get3A_472 = tpu.vector_load %arg11[%get3A] {strides = array<i32>} : memref<512xi32, #tpu.memory_space<vmem>>, vector<16xi32>,
          %get3A_473 = arith.index_cast %mul3A_467 : i32 to index
          %get3A_474 = tpu.vector_load %arg14[%get3A_473] {strides = array<i32>} : memref<512xi32, #tpu.memory_space<vmem>>, vector<16xi32>,
          %ge3A = arith.constant 0 : i32
          %ge3A_475 = vector.broadcast %ge3A : i32 to vector<16xi32>
          %ge3A_476 = arith.cmpi sge, %get3A_474, %ge3A_475 : vector<16xi32>
          %lt3A = arith.constant 512 : i32
          %lt3A_477 = vector.broadcast %lt3A : i32 to vector<16xi32>
          %lt3A_478 = arith.cmpi slt, %get3A_474, %lt3A_477 : vector<16xi32>
          %and3A = arith.andi %ge3A_476, %lt3A_478 : vector<16xi1>
          %mul3A_479 = arith.constant 16 : i32
          %mul3A_480 = arith.muli %scan3A_464, %mul3A_479 : i32
          %add3A_481 = arith.constant 1024 : i32
          %add3A_482 = arith.addi %mul3A_480, %add3A_481 : i32
          %and3A_483 = arith.constant 511 : i32
          %and3A_484 = arith.andi %add3A_482, %and3A_483 : i32
          %shift_right_arithmetic3A = arith.constant 7 : i32
          %shift_right_arithmetic3A_485 = arith.shrsi %and3A_484, %shift_right_arithmetic3A : i32
          %shift_left3A = arith.constant 10 : i32
          %shift_left3A_486 = arith.shli %shift_right_arithmetic3A_485, %shift_left3A : i32
          %shift_right_arithmetic3A_487 = arith.constant 9 : i32
          %shift_right_arithmetic3A_488 = arith.shrsi %add3A_482, %shift_right_arithmetic3A_487 : i32
          %and3A_489 = arith.constant 7 : i32
          %and3A_490 = arith.andi %shift_right_arithmetic3A_488, %and3A_489 : i32
          %shift_left3A_491 = arith.constant 7 : i32
          %shift_left3A_492 = arith.shli %and3A_490, %shift_left3A_491 : i32
          %add3A_493 = arith.addi %shift_left3A_486, %shift_left3A_492 : i32
          %and3A_494 = arith.constant 127 : i32
          %and3A_495 = arith.andi %and3A_484, %and3A_494 : i32
          %add3A_496 = arith.addi %add3A_493, %and3A_495 : i32
          %gather3A = tpu.vector_load_idx %arg21[%add3A_471, %get3A_472] : memref<512x8xf32, #tpu.memory_space<vmem>>[vector<16xi32>, vector<16xi32>], vector<16xf32>,
          %jit3A = arith.constant 0.000000e+00 : f32
          %broadcast_in_dim3A = vector.broadcast %jit3A : f32 to vector<16xf32>
          %select_n3A = arith.select %and3A, %gather3A, %broadcast_in_dim3A : vector<16xi1>, vector<16xf32>
          %swap3A = arith.index_cast %add3A_496 : i32 to index
          %swap3A_497 = tpu.vector_load %arg24[%swap3A] {strides = array<i32>} : memref<4096xf32, #tpu.memory_space<vmem>>, vector<16xf32>,
          tpu.vector_store %arg24[%swap3A], %select_n3A {strides = array<i32>} : memref<4096xf32, #tpu.memory_space<vmem>>, vector<16xf32>,
          %gather3A_498 = tpu.vector_load_idx %arg22[%add3A_471, %get3A_472] : memref<512x8xf32, #tpu.memory_space<vmem>>[vector<16xi32>, vector<16xi32>], vector<16xf32>,
          %jit3A_499 = arith.constant 0.000000e+00 : f32
          %broadcast_in_dim3A_500 = vector.broadcast %jit3A_499 : f32 to vector<16xf32>
          %select_n3A_501 = arith.select %and3A, %gather3A_498, %broadcast_in_dim3A_500 : vector<16xi1>, vector<16xf32>
          %swap3A_502 = arith.index_cast %add3A_496 : i32 to index
          %swap3A_503 = tpu.vector_load %arg25[%swap3A_502] {strides = array<i32>} : memref<4096xf32, #tpu.memory_space<vmem>>, vector<16xf32>,
          tpu.vector_store %arg25[%swap3A_502], %select_n3A_501 {strides = array<i32>} : memref<4096xf32, #tpu.memory_space<vmem>>, vector<16xf32>,
          %gather3A_504 = tpu.vector_load_idx %arg23[%add3A_471, %get3A_472] : memref<512x8xf32, #tpu.memory_space<vmem>>[vector<16xi32>, vector<16xi32>], vector<16xf32>,
          %jit3A_505 = arith.constant 0.000000e+00 : f32
          %broadcast_in_dim3A_506 = vector.broadcast %jit3A_505 : f32 to vector<16xf32>
          %select_n3A_507 = arith.select %and3A, %gather3A_504, %broadcast_in_dim3A_506 : vector<16xi1>, vector<16xf32>
          %swap3A_508 = arith.index_cast %add3A_496 : i32 to index
          %swap3A_509 = tpu.vector_load %arg26[%swap3A_508] {strides = array<i32>} : memref<4096xf32, #tpu.memory_space<vmem>>, vector<16xf32>,
          tpu.vector_store %arg26[%swap3A_508], %select_n3A_507 {strides = array<i32>} : memref<4096xf32, #tpu.memory_space<vmem>>, vector<16xf32>,
          %scan3A_510 = arith.constant 0 : i32
          scf.yield %scan3A_510 : i32
        }
        %scan3A_252 = arith.constant 32 : i32
        %scan3A_253 = arith.constant 0 : i32
        %scan3A_254 = arith.constant 0 : i32
        %scan3A_255 = arith.constant 32 : i32
        %scan3A_256 = arith.addi %scan3A_254, %scan3A_255 : i32
        %scan3A_257 = arith.constant 1 : i32
        %scan3A_258 = scf.for %scan3A_464 = %scan3A_254 to %scan3A_256 step %scan3A_257 iter_args(%scan3A_465 = %scan3A_253) -> (i32)  : i32 {
          %mul3A_466 = arith.constant 16 : i32
          %mul3A_467 = arith.muli %scan3A_464, %mul3A_466 : i32
          %add3A_468 = arith.constant 2560 : i32
          %add3A_469 = arith.addi %mul3A_467, %add3A_468 : i32
          %shift_right_arithmetic3A = arith.constant 7 : i32
          %shift_right_arithmetic3A_470 = arith.shrsi %add3A_469, %shift_right_arithmetic3A : i32
          %mul3A_471 = arith.constant 256 : i32
          %mul3A_472 = arith.muli %shift_right_arithmetic3A_470, %mul3A_471 : i32
          %and3A = arith.constant 127 : i32
          %and3A_473 = arith.andi %add3A_469, %and3A : i32
          %add3A_474 = arith.addi %mul3A_472, %and3A_473 : i32
          %mul3A_475 = arith.constant 16 : i32
          %mul3A_476 = arith.muli %scan3A_464, %mul3A_475 : i32
          %get3A = arith.index_cast %add3A_474 : i32 to index
          %get3A_477 = tpu.vector_load %arg5[%get3A] {strides = array<i32>} : memref<8192xf32, #tpu.memory_space<vmem>>, vector<16xf32>,
          %add3A_478 = arith.constant 128 : i32
          %add3A_479 = arith.addi %add3A_474, %add3A_478 : i32
          %get3A_480 = arith.index_cast %add3A_479 : i32 to index
          %get3A_481 = tpu.vector_load %arg5[%get3A_480] {strides = array<i32>} : memref<8192xf32, #tpu.memory_space<vmem>>, vector<16xf32>,
          %add3A_482 = arith.constant 5.000000e-01 : f32
          %add3A_483 = vector.broadcast %add3A_482 : f32 to vector<16xf32>
          %add3A_484 = arith.addf %get3A_477, %add3A_483 : vector<16xf32>
          %convert_element_type3A_485 = arith.fptosi %add3A_484 : vector<16xf32> to vector<16xi32>
          %add3A_486 = arith.constant 5.000000e-01 : f32
          %add3A_487 = vector.broadcast %add3A_486 : f32 to vector<16xf32>
          %add3A_488 = arith.addf %get3A_481, %add3A_487 : vector<16xf32>
          %convert_element_type3A_489 = arith.fptosi %add3A_488 : vector<16xf32> to vector<16xi32>
          %or3A_490 = arith.ori %convert_element_type3A_485, %convert_element_type3A_489 : vector<16xi32>
          %swap3A = arith.index_cast %mul3A_476 : i32 to index
          %swap3A_491 = tpu.vector_load %arg14[%swap3A] {strides = array<i32>} : memref<512xi32, #tpu.memory_space<vmem>>, vector<16xi32>,
          tpu.vector_store %arg14[%swap3A], %or3A_490 {strides = array<i32>} : memref<512xi32, #tpu.memory_space<vmem>>, vector<16xi32>,
          %max3A = arith.constant 0 : i32
          %max3A_492 = vector.broadcast %max3A : i32 to vector<16xi32>
          %max3A_493 = arith.maxsi %convert_element_type3A_485, %max3A_492 : vector<16xi32>
          %min3A = arith.constant 511 : i32
          %min3A_494 = vector.broadcast %min3A : i32 to vector<16xi32>
          %min3A_495 = arith.minsi %max3A_493, %min3A_494 : vector<16xi32>
          %max3A_496 = arith.constant 0 : i32
          %max3A_497 = vector.broadcast %max3A_496 : i32 to vector<16xi32>
          %max3A_498 = arith.maxsi %convert_element_type3A_489, %max3A_497 : vector<16xi32>
          %min3A_499 = arith.constant 511 : i32
          %min3A_500 = vector.broadcast %min3A_499 : i32 to vector<16xi32>
          %min3A_501 = arith.minsi %max3A_498, %min3A_500 : vector<16xi32>
          %shift_right_arithmetic3A_502 = arith.constant 3 : i32
          %shift_right_arithmetic3A_503 = vector.broadcast %shift_right_arithmetic3A_502 : i32 to vector<16xi32>
          %shift_right_arithmetic3A_504 = arith.shrsi %min3A_495, %shift_right_arithmetic3A_503 : vector<16xi32>
          %shift_left3A = arith.constant 9 : i32
          %shift_left3A_505 = vector.broadcast %shift_left3A : i32 to vector<16xi32>
          %shift_left3A_506 = arith.shli %shift_right_arithmetic3A_504, %shift_left3A_505 : vector<16xi32>
          %shift_right_arithmetic3A_507 = arith.constant 7 : i32
          %shift_right_arithmetic3A_508 = vector.broadcast %shift_right_arithmetic3A_507 : i32 to vector<16xi32>
          %shift_right_arithmetic3A_509 = arith.shrsi %min3A_501, %shift_right_arithmetic3A_508 : vector<16xi32>
          %shift_left3A_510 = arith.constant 7 : i32
          %shift_left3A_511 = vector.broadcast %shift_left3A_510 : i32 to vector<16xi32>
          %shift_left3A_512 = arith.shli %shift_right_arithmetic3A_509, %shift_left3A_511 : vector<16xi32>
          %add3A_513 = arith.addi %shift_left3A_506, %shift_left3A_512 : vector<16xi32>
          %and3A_514 = arith.constant 7 : i32
          %and3A_515 = vector.broadcast %and3A_514 : i32 to vector<16xi32>
          %and3A_516 = arith.andi %min3A_495, %and3A_515 : vector<16xi32>
          %shift_left3A_517 = arith.constant 4 : i32
          %shift_left3A_518 = vector.broadcast %shift_left3A_517 : i32 to vector<16xi32>
          %shift_left3A_519 = arith.shli %and3A_516, %shift_left3A_518 : vector<16xi32>
          %add3A_520 = arith.addi %add3A_513, %shift_left3A_519 : vector<16xi32>
          %shift_right_arithmetic3A_521 = arith.constant 3 : i32
          %shift_right_arithmetic3A_522 = vector.broadcast %shift_right_arithmetic3A_521 : i32 to vector<16xi32>
          %shift_right_arithmetic3A_523 = arith.shrsi %min3A_501, %shift_right_arithmetic3A_522 : vector<16xi32>
          %and3A_524 = arith.constant 15 : i32
          %and3A_525 = vector.broadcast %and3A_524 : i32 to vector<16xi32>
          %and3A_526 = arith.andi %shift_right_arithmetic3A_523, %and3A_525 : vector<16xi32>
          %add3A_527 = arith.addi %add3A_520, %and3A_526 : vector<16xi32>
          %swap3A_528 = arith.index_cast %mul3A_476 : i32 to index
          %swap3A_529 = tpu.vector_load %arg8[%swap3A_528] {strides = array<i32>} : memref<512xi32, #tpu.memory_space<vmem>>, vector<16xi32>,
          tpu.vector_store %arg8[%swap3A_528], %add3A_527 {strides = array<i32>} : memref<512xi32, #tpu.memory_space<vmem>>, vector<16xi32>,
          %and3A_530 = arith.constant 7 : i32
          %and3A_531 = vector.broadcast %and3A_530 : i32 to vector<16xi32>
          %and3A_532 = arith.andi %min3A_501, %and3A_531 : vector<16xi32>
          %swap3A_533 = arith.index_cast %mul3A_476 : i32 to index
          %swap3A_534 = tpu.vector_load %arg11[%swap3A_533] {strides = array<i32>} : memref<512xi32, #tpu.memory_space<vmem>>, vector<16xi32>,
          tpu.vector_store %arg11[%swap3A_533], %and3A_532 {strides = array<i32>} : memref<512xi32, #tpu.memory_space<vmem>>, vector<16xi32>,
          %scan3A_535 = arith.constant 0 : i32
          scf.yield %scan3A_535 : i32
        }
        %scan3A_259 = arith.constant 32 : i32
        %dma_start3A_260 = arith.constant 0 : i32
        %dma_start3A_261 = arith.constant 0 : i32
        %dma_start3A_262 = tpu.memref_slice %arg27[%dma_start3A_260, %dma_start3A_261] : memref<98304x8xf32, #tpu.memory_space<vmem_shared>> -> memref<32768x8xf32, #tpu.memory_space<vmem_shared>>
        %dma_start3A_263 = arith.constant 0 : i32
        %dma_start3A_264 = arith.constant 0 : i32
        %dma_start3A_265 = tpu.memref_slice %dma_start3A_262[%dma_start3A_263, %dma_start3A_264] : memref<32768x8xf32, #tpu.memory_space<vmem_shared>> -> memref<32768x8xf32, #tpu.memory_space<vmem_shared>>
        tpu.enqueue_indirect_dma source(%dma_start3A_265 : memref<32768x8xf32, #tpu.memory_space<vmem_shared>>) target(%arg21 : memref<512x8xf32, #tpu.memory_space<vmem>>) offsets(%arg8 : memref<512xi32, #tpu.memory_space<vmem>>) semaphore(%arg34 : memref<!tpu.dma_semaphore, #tpu.memory_space<semaphore_mem>>)
        %dma_start3A_266 = arith.constant 32768 : i32
        %dma_start3A_267 = arith.constant 0 : i32
        %dma_start3A_268 = tpu.memref_slice %arg27[%dma_start3A_266, %dma_start3A_267] : memref<98304x8xf32, #tpu.memory_space<vmem_shared>> -> memref<32768x8xf32, #tpu.memory_space<vmem_shared>>
        %dma_start3A_269 = arith.constant 0 : i32
        %dma_start3A_270 = arith.constant 0 : i32
        %dma_start3A_271 = tpu.memref_slice %dma_start3A_268[%dma_start3A_269, %dma_start3A_270] : memref<32768x8xf32, #tpu.memory_space<vmem_shared>> -> memref<32768x8xf32, #tpu.memory_space<vmem_shared>>
        tpu.enqueue_indirect_dma source(%dma_start3A_271 : memref<32768x8xf32, #tpu.memory_space<vmem_shared>>) target(%arg22 : memref<512x8xf32, #tpu.memory_space<vmem>>) offsets(%arg8 : memref<512xi32, #tpu.memory_space<vmem>>) semaphore(%arg35 : memref<!tpu.dma_semaphore, #tpu.memory_space<semaphore_mem>>)
        %dma_start3A_272 = arith.constant 65536 : i32
        %dma_start3A_273 = arith.constant 0 : i32
        %dma_start3A_274 = tpu.memref_slice %arg27[%dma_start3A_272, %dma_start3A_273] : memref<98304x8xf32, #tpu.memory_space<vmem_shared>> -> memref<32768x8xf32, #tpu.memory_space<vmem_shared>>
        %dma_start3A_275 = arith.constant 0 : i32
        %dma_start3A_276 = arith.constant 0 : i32
        %dma_start3A_277 = tpu.memref_slice %dma_start3A_274[%dma_start3A_275, %dma_start3A_276] : memref<32768x8xf32, #tpu.memory_space<vmem_shared>> -> memref<32768x8xf32, #tpu.memory_space<vmem_shared>>
        tpu.enqueue_indirect_dma source(%dma_start3A_277 : memref<32768x8xf32, #tpu.memory_space<vmem_shared>>) target(%arg23 : memref<512x8xf32, #tpu.memory_space<vmem>>) offsets(%arg8 : memref<512xi32, #tpu.memory_space<vmem>>) semaphore(%arg36 : memref<!tpu.dma_semaphore, #tpu.memory_space<semaphore_mem>>)
        %dma_wait3A_278 = arith.constant 0 : i32
        %dma_wait3A_279 = arith.constant 0 : i32
        %dma_wait3A_280 = tpu.memref_slice %arg27[%dma_wait3A_278, %dma_wait3A_279] : memref<98304x8xf32, #tpu.memory_space<vmem_shared>> -> memref<32768x8xf32, #tpu.memory_space<vmem_shared>>
        %dma_wait3A_281 = arith.constant 0 : i32
        %dma_wait3A_282 = arith.constant 0 : i32
        %dma_wait3A_283 = tpu.memref_slice %dma_wait3A_280[%dma_wait3A_281, %dma_wait3A_282] : memref<32768x8xf32, #tpu.memory_space<vmem_shared>> -> memref<32768x8xf32, #tpu.memory_space<vmem_shared>>
        tpu.wait_indirect_dma semaphore(%arg28 : memref<!tpu.dma_semaphore, #tpu.memory_space<semaphore_mem>>) src(%dma_wait3A_283 : memref<32768x8xf32, #tpu.memory_space<vmem_shared>>) dst(%arg15 : memref<512x8xf32, #tpu.memory_space<vmem>>)
        %dma_wait3A_284 = arith.constant 32768 : i32
        %dma_wait3A_285 = arith.constant 0 : i32
        %dma_wait3A_286 = tpu.memref_slice %arg27[%dma_wait3A_284, %dma_wait3A_285] : memref<98304x8xf32, #tpu.memory_space<vmem_shared>> -> memref<32768x8xf32, #tpu.memory_space<vmem_shared>>
        %dma_wait3A_287 = arith.constant 0 : i32
        %dma_wait3A_288 = arith.constant 0 : i32
        %dma_wait3A_289 = tpu.memref_slice %dma_wait3A_286[%dma_wait3A_287, %dma_wait3A_288] : memref<32768x8xf32, #tpu.memory_space<vmem_shared>> -> memref<32768x8xf32, #tpu.memory_space<vmem_shared>>
        tpu.wait_indirect_dma semaphore(%arg29 : memref<!tpu.dma_semaphore, #tpu.memory_space<semaphore_mem>>) src(%dma_wait3A_289 : memref<32768x8xf32, #tpu.memory_space<vmem_shared>>) dst(%arg16 : memref<512x8xf32, #tpu.memory_space<vmem>>)
        %dma_wait3A_290 = arith.constant 65536 : i32
        %dma_wait3A_291 = arith.constant 0 : i32
        %dma_wait3A_292 = tpu.memref_slice %arg27[%dma_wait3A_290, %dma_wait3A_291] : memref<98304x8xf32, #tpu.memory_space<vmem_shared>> -> memref<32768x8xf32, #tpu.memory_space<vmem_shared>>
        %dma_wait3A_293 = arith.constant 0 : i32
        %dma_wait3A_294 = arith.constant 0 : i32
        %dma_wait3A_295 = tpu.memref_slice %dma_wait3A_292[%dma_wait3A_293, %dma_wait3A_294] : memref<32768x8xf32, #tpu.memory_space<vmem_shared>> -> memref<32768x8xf32, #tpu.memory_space<vmem_shared>>
        tpu.wait_indirect_dma semaphore(%arg30 : memref<!tpu.dma_semaphore, #tpu.memory_space<semaphore_mem>>) src(%dma_wait3A_295 : memref<32768x8xf32, #tpu.memory_space<vmem_shared>>) dst(%arg17 : memref<512x8xf32, #tpu.memory_space<vmem>>)
        %scan3A_296 = arith.constant 0 : i32
        %scan3A_297 = arith.constant 0 : i32
        %scan3A_298 = arith.constant 32 : i32
        %scan3A_299 = arith.addi %scan3A_297, %scan3A_298 : i32
        %scan3A_300 = arith.constant 1 : i32
        %scan3A_301 = scf.for %scan3A_464 = %scan3A_297 to %scan3A_299 step %scan3A_300 iter_args(%scan3A_465 = %scan3A_296) -> (i32)  : i32 {
          %mul3A_466 = arith.constant 16 : i32
          %mul3A_467 = arith.muli %scan3A_464, %mul3A_466 : i32
          %mul3A_468 = arith.constant 16 : i32
          %mul3A_469 = arith.muli %scan3A_464, %mul3A_468 : i32
          %add3A_470 = vector.broadcast %mul3A_469 : i32 to vector<16xi32>
          %add3A_471 = arith.addi %iota3A, %add3A_470 : vector<16xi32>
          %get3A = arith.index_cast %mul3A_467 : i32 to index
          %get3A_472 = tpu.vector_load %arg9[%get3A] {strides = array<i32>} : memref<512xi32, #tpu.memory_space<vmem>>, vector<16xi32>,
          %get3A_473 = arith.index_cast %mul3A_467 : i32 to index
          %get3A_474 = tpu.vector_load %arg12[%get3A_473] {strides = array<i32>} : memref<512xi32, #tpu.memory_space<vmem>>, vector<16xi32>,
          %ge3A = arith.constant 0 : i32
          %ge3A_475 = vector.broadcast %ge3A : i32 to vector<16xi32>
          %ge3A_476 = arith.cmpi sge, %get3A_474, %ge3A_475 : vector<16xi32>
          %lt3A = arith.constant 512 : i32
          %lt3A_477 = vector.broadcast %lt3A : i32 to vector<16xi32>
          %lt3A_478 = arith.cmpi slt, %get3A_474, %lt3A_477 : vector<16xi32>
          %and3A = arith.andi %ge3A_476, %lt3A_478 : vector<16xi1>
          %mul3A_479 = arith.constant 16 : i32
          %mul3A_480 = arith.muli %scan3A_464, %mul3A_479 : i32
          %add3A_481 = arith.constant 1536 : i32
          %add3A_482 = arith.addi %mul3A_480, %add3A_481 : i32
          %and3A_483 = arith.constant 511 : i32
          %and3A_484 = arith.andi %add3A_482, %and3A_483 : i32
          %shift_right_arithmetic3A = arith.constant 7 : i32
          %shift_right_arithmetic3A_485 = arith.shrsi %and3A_484, %shift_right_arithmetic3A : i32
          %shift_left3A = arith.constant 10 : i32
          %shift_left3A_486 = arith.shli %shift_right_arithmetic3A_485, %shift_left3A : i32
          %shift_right_arithmetic3A_487 = arith.constant 9 : i32
          %shift_right_arithmetic3A_488 = arith.shrsi %add3A_482, %shift_right_arithmetic3A_487 : i32
          %and3A_489 = arith.constant 7 : i32
          %and3A_490 = arith.andi %shift_right_arithmetic3A_488, %and3A_489 : i32
          %shift_left3A_491 = arith.constant 7 : i32
          %shift_left3A_492 = arith.shli %and3A_490, %shift_left3A_491 : i32
          %add3A_493 = arith.addi %shift_left3A_486, %shift_left3A_492 : i32
          %and3A_494 = arith.constant 127 : i32
          %and3A_495 = arith.andi %and3A_484, %and3A_494 : i32
          %add3A_496 = arith.addi %add3A_493, %and3A_495 : i32
          %gather3A = tpu.vector_load_idx %arg15[%add3A_471, %get3A_472] : memref<512x8xf32, #tpu.memory_space<vmem>>[vector<16xi32>, vector<16xi32>], vector<16xf32>,
          %jit3A = arith.constant 0.000000e+00 : f32
          %broadcast_in_dim3A = vector.broadcast %jit3A : f32 to vector<16xf32>
          %select_n3A = arith.select %and3A, %gather3A, %broadcast_in_dim3A : vector<16xi1>, vector<16xf32>
          %swap3A = arith.index_cast %add3A_496 : i32 to index
          %swap3A_497 = tpu.vector_load %arg24[%swap3A] {strides = array<i32>} : memref<4096xf32, #tpu.memory_space<vmem>>, vector<16xf32>,
          tpu.vector_store %arg24[%swap3A], %select_n3A {strides = array<i32>} : memref<4096xf32, #tpu.memory_space<vmem>>, vector<16xf32>,
          %gather3A_498 = tpu.vector_load_idx %arg16[%add3A_471, %get3A_472] : memref<512x8xf32, #tpu.memory_space<vmem>>[vector<16xi32>, vector<16xi32>], vector<16xf32>,
          %jit3A_499 = arith.constant 0.000000e+00 : f32
          %broadcast_in_dim3A_500 = vector.broadcast %jit3A_499 : f32 to vector<16xf32>
          %select_n3A_501 = arith.select %and3A, %gather3A_498, %broadcast_in_dim3A_500 : vector<16xi1>, vector<16xf32>
          %swap3A_502 = arith.index_cast %add3A_496 : i32 to index
          %swap3A_503 = tpu.vector_load %arg25[%swap3A_502] {strides = array<i32>} : memref<4096xf32, #tpu.memory_space<vmem>>, vector<16xf32>,
          tpu.vector_store %arg25[%swap3A_502], %select_n3A_501 {strides = array<i32>} : memref<4096xf32, #tpu.memory_space<vmem>>, vector<16xf32>,
          %gather3A_504 = tpu.vector_load_idx %arg17[%add3A_471, %get3A_472] : memref<512x8xf32, #tpu.memory_space<vmem>>[vector<16xi32>, vector<16xi32>], vector<16xf32>,
          %jit3A_505 = arith.constant 0.000000e+00 : f32
          %broadcast_in_dim3A_506 = vector.broadcast %jit3A_505 : f32 to vector<16xf32>
          %select_n3A_507 = arith.select %and3A, %gather3A_504, %broadcast_in_dim3A_506 : vector<16xi1>, vector<16xf32>
          %swap3A_508 = arith.index_cast %add3A_496 : i32 to index
          %swap3A_509 = tpu.vector_load %arg26[%swap3A_508] {strides = array<i32>} : memref<4096xf32, #tpu.memory_space<vmem>>, vector<16xf32>,
          tpu.vector_store %arg26[%swap3A_508], %select_n3A_507 {strides = array<i32>} : memref<4096xf32, #tpu.memory_space<vmem>>, vector<16xf32>,
          %scan3A_510 = arith.constant 0 : i32
          scf.yield %scan3A_510 : i32
        }
        %scan3A_302 = arith.constant 32 : i32
        %scan3A_303 = arith.constant 0 : i32
        %scan3A_304 = arith.constant 0 : i32
        %scan3A_305 = arith.constant 32 : i32
        %scan3A_306 = arith.addi %scan3A_304, %scan3A_305 : i32
        %scan3A_307 = arith.constant 1 : i32
        %scan3A_308 = scf.for %scan3A_464 = %scan3A_304 to %scan3A_306 step %scan3A_307 iter_args(%scan3A_465 = %scan3A_303) -> (i32)  : i32 {
          %mul3A_466 = arith.constant 16 : i32
          %mul3A_467 = arith.muli %scan3A_464, %mul3A_466 : i32
          %add3A_468 = arith.constant 3072 : i32
          %add3A_469 = arith.addi %mul3A_467, %add3A_468 : i32
          %shift_right_arithmetic3A = arith.constant 7 : i32
          %shift_right_arithmetic3A_470 = arith.shrsi %add3A_469, %shift_right_arithmetic3A : i32
          %mul3A_471 = arith.constant 256 : i32
          %mul3A_472 = arith.muli %shift_right_arithmetic3A_470, %mul3A_471 : i32
          %and3A = arith.constant 127 : i32
          %and3A_473 = arith.andi %add3A_469, %and3A : i32
          %add3A_474 = arith.addi %mul3A_472, %and3A_473 : i32
          %mul3A_475 = arith.constant 16 : i32
          %mul3A_476 = arith.muli %scan3A_464, %mul3A_475 : i32
          %get3A = arith.index_cast %add3A_474 : i32 to index
          %get3A_477 = tpu.vector_load %arg5[%get3A] {strides = array<i32>} : memref<8192xf32, #tpu.memory_space<vmem>>, vector<16xf32>,
          %add3A_478 = arith.constant 128 : i32
          %add3A_479 = arith.addi %add3A_474, %add3A_478 : i32
          %get3A_480 = arith.index_cast %add3A_479 : i32 to index
          %get3A_481 = tpu.vector_load %arg5[%get3A_480] {strides = array<i32>} : memref<8192xf32, #tpu.memory_space<vmem>>, vector<16xf32>,
          %add3A_482 = arith.constant 5.000000e-01 : f32
          %add3A_483 = vector.broadcast %add3A_482 : f32 to vector<16xf32>
          %add3A_484 = arith.addf %get3A_477, %add3A_483 : vector<16xf32>
          %convert_element_type3A_485 = arith.fptosi %add3A_484 : vector<16xf32> to vector<16xi32>
          %add3A_486 = arith.constant 5.000000e-01 : f32
          %add3A_487 = vector.broadcast %add3A_486 : f32 to vector<16xf32>
          %add3A_488 = arith.addf %get3A_481, %add3A_487 : vector<16xf32>
          %convert_element_type3A_489 = arith.fptosi %add3A_488 : vector<16xf32> to vector<16xi32>
          %or3A_490 = arith.ori %convert_element_type3A_485, %convert_element_type3A_489 : vector<16xi32>
          %swap3A = arith.index_cast %mul3A_476 : i32 to index
          %swap3A_491 = tpu.vector_load %arg12[%swap3A] {strides = array<i32>} : memref<512xi32, #tpu.memory_space<vmem>>, vector<16xi32>,
          tpu.vector_store %arg12[%swap3A], %or3A_490 {strides = array<i32>} : memref<512xi32, #tpu.memory_space<vmem>>, vector<16xi32>,
          %max3A = arith.constant 0 : i32
          %max3A_492 = vector.broadcast %max3A : i32 to vector<16xi32>
          %max3A_493 = arith.maxsi %convert_element_type3A_485, %max3A_492 : vector<16xi32>
          %min3A = arith.constant 511 : i32
          %min3A_494 = vector.broadcast %min3A : i32 to vector<16xi32>
          %min3A_495 = arith.minsi %max3A_493, %min3A_494 : vector<16xi32>
          %max3A_496 = arith.constant 0 : i32
          %max3A_497 = vector.broadcast %max3A_496 : i32 to vector<16xi32>
          %max3A_498 = arith.maxsi %convert_element_type3A_489, %max3A_497 : vector<16xi32>
          %min3A_499 = arith.constant 511 : i32
          %min3A_500 = vector.broadcast %min3A_499 : i32 to vector<16xi32>
          %min3A_501 = arith.minsi %max3A_498, %min3A_500 : vector<16xi32>
          %shift_right_arithmetic3A_502 = arith.constant 3 : i32
          %shift_right_arithmetic3A_503 = vector.broadcast %shift_right_arithmetic3A_502 : i32 to vector<16xi32>
          %shift_right_arithmetic3A_504 = arith.shrsi %min3A_495, %shift_right_arithmetic3A_503 : vector<16xi32>
          %shift_left3A = arith.constant 9 : i32
          %shift_left3A_505 = vector.broadcast %shift_left3A : i32 to vector<16xi32>
          %shift_left3A_506 = arith.shli %shift_right_arithmetic3A_504, %shift_left3A_505 : vector<16xi32>
          %shift_right_arithmetic3A_507 = arith.constant 7 : i32
          %shift_right_arithmetic3A_508 = vector.broadcast %shift_right_arithmetic3A_507 : i32 to vector<16xi32>
          %shift_right_arithmetic3A_509 = arith.shrsi %min3A_501, %shift_right_arithmetic3A_508 : vector<16xi32>
          %shift_left3A_510 = arith.constant 7 : i32
          %shift_left3A_511 = vector.broadcast %shift_left3A_510 : i32 to vector<16xi32>
          %shift_left3A_512 = arith.shli %shift_right_arithmetic3A_509, %shift_left3A_511 : vector<16xi32>
          %add3A_513 = arith.addi %shift_left3A_506, %shift_left3A_512 : vector<16xi32>
          %and3A_514 = arith.constant 7 : i32
          %and3A_515 = vector.broadcast %and3A_514 : i32 to vector<16xi32>
          %and3A_516 = arith.andi %min3A_495, %and3A_515 : vector<16xi32>
          %shift_left3A_517 = arith.constant 4 : i32
          %shift_left3A_518 = vector.broadcast %shift_left3A_517 : i32 to vector<16xi32>
          %shift_left3A_519 = arith.shli %and3A_516, %shift_left3A_518 : vector<16xi32>
          %add3A_520 = arith.addi %add3A_513, %shift_left3A_519 : vector<16xi32>
          %shift_right_arithmetic3A_521 = arith.constant 3 : i32
          %shift_right_arithmetic3A_522 = vector.broadcast %shift_right_arithmetic3A_521 : i32 to vector<16xi32>
          %shift_right_arithmetic3A_523 = arith.shrsi %min3A_501, %shift_right_arithmetic3A_522 : vector<16xi32>
          %and3A_524 = arith.constant 15 : i32
          %and3A_525 = vector.broadcast %and3A_524 : i32 to vector<16xi32>
          %and3A_526 = arith.andi %shift_right_arithmetic3A_523, %and3A_525 : vector<16xi32>
          %add3A_527 = arith.addi %add3A_520, %and3A_526 : vector<16xi32>
          %swap3A_528 = arith.index_cast %mul3A_476 : i32 to index
          %swap3A_529 = tpu.vector_load %arg6[%swap3A_528] {strides = array<i32>} : memref<512xi32, #tpu.memory_space<vmem>>, vector<16xi32>,
          tpu.vector_store %arg6[%swap3A_528], %add3A_527 {strides = array<i32>} : memref<512xi32, #tpu.memory_space<vmem>>, vector<16xi32>,
          %and3A_530 = arith.constant 7 : i32
          %and3A_531 = vector.broadcast %and3A_530 : i32 to vector<16xi32>
          %and3A_532 = arith.andi %min3A_501, %and3A_531 : vector<16xi32>
          %swap3A_533 = arith.index_cast %mul3A_476 : i32 to index
          %swap3A_534 = tpu.vector_load %arg9[%swap3A_533] {strides = array<i32>} : memref<512xi32, #tpu.memory_space<vmem>>, vector<16xi32>,
          tpu.vector_store %arg9[%swap3A_533], %and3A_532 {strides = array<i32>} : memref<512xi32, #tpu.memory_space<vmem>>, vector<16xi32>,
          %scan3A_535 = arith.constant 0 : i32
          scf.yield %scan3A_535 : i32
        }
        %scan3A_309 = arith.constant 32 : i32
        %dma_start3A_310 = arith.constant 0 : i32
        %dma_start3A_311 = arith.constant 0 : i32
        %dma_start3A_312 = tpu.memref_slice %arg27[%dma_start3A_310, %dma_start3A_311] : memref<98304x8xf32, #tpu.memory_space<vmem_shared>> -> memref<32768x8xf32, #tpu.memory_space<vmem_shared>>
        %dma_start3A_313 = arith.constant 0 : i32
        %dma_start3A_314 = arith.constant 0 : i32
        %dma_start3A_315 = tpu.memref_slice %dma_start3A_312[%dma_start3A_313, %dma_start3A_314] : memref<32768x8xf32, #tpu.memory_space<vmem_shared>> -> memref<32768x8xf32, #tpu.memory_space<vmem_shared>>
        tpu.enqueue_indirect_dma source(%dma_start3A_315 : memref<32768x8xf32, #tpu.memory_space<vmem_shared>>) target(%arg15 : memref<512x8xf32, #tpu.memory_space<vmem>>) offsets(%arg6 : memref<512xi32, #tpu.memory_space<vmem>>) semaphore(%arg28 : memref<!tpu.dma_semaphore, #tpu.memory_space<semaphore_mem>>)
        %dma_start3A_316 = arith.constant 32768 : i32
        %dma_start3A_317 = arith.constant 0 : i32
        %dma_start3A_318 = tpu.memref_slice %arg27[%dma_start3A_316, %dma_start3A_317] : memref<98304x8xf32, #tpu.memory_space<vmem_shared>> -> memref<32768x8xf32, #tpu.memory_space<vmem_shared>>
        %dma_start3A_319 = arith.constant 0 : i32
        %dma_start3A_320 = arith.constant 0 : i32
        %dma_start3A_321 = tpu.memref_slice %dma_start3A_318[%dma_start3A_319, %dma_start3A_320] : memref<32768x8xf32, #tpu.memory_space<vmem_shared>> -> memref<32768x8xf32, #tpu.memory_space<vmem_shared>>
        tpu.enqueue_indirect_dma source(%dma_start3A_321 : memref<32768x8xf32, #tpu.memory_space<vmem_shared>>) target(%arg16 : memref<512x8xf32, #tpu.memory_space<vmem>>) offsets(%arg6 : memref<512xi32, #tpu.memory_space<vmem>>) semaphore(%arg29 : memref<!tpu.dma_semaphore, #tpu.memory_space<semaphore_mem>>)
        %dma_start3A_322 = arith.constant 65536 : i32
        %dma_start3A_323 = arith.constant 0 : i32
        %dma_start3A_324 = tpu.memref_slice %arg27[%dma_start3A_322, %dma_start3A_323] : memref<98304x8xf32, #tpu.memory_space<vmem_shared>> -> memref<32768x8xf32, #tpu.memory_space<vmem_shared>>
        %dma_start3A_325 = arith.constant 0 : i32
        %dma_start3A_326 = arith.constant 0 : i32
        %dma_start3A_327 = tpu.memref_slice %dma_start3A_324[%dma_start3A_325, %dma_start3A_326] : memref<32768x8xf32, #tpu.memory_space<vmem_shared>> -> memref<32768x8xf32, #tpu.memory_space<vmem_shared>>
        tpu.enqueue_indirect_dma source(%dma_start3A_327 : memref<32768x8xf32, #tpu.memory_space<vmem_shared>>) target(%arg17 : memref<512x8xf32, #tpu.memory_space<vmem>>) offsets(%arg6 : memref<512xi32, #tpu.memory_space<vmem>>) semaphore(%arg30 : memref<!tpu.dma_semaphore, #tpu.memory_space<semaphore_mem>>)
        %dma_wait3A_328 = arith.constant 0 : i32
        %dma_wait3A_329 = arith.constant 0 : i32
        %dma_wait3A_330 = tpu.memref_slice %arg27[%dma_wait3A_328, %dma_wait3A_329] : memref<98304x8xf32, #tpu.memory_space<vmem_shared>> -> memref<32768x8xf32, #tpu.memory_space<vmem_shared>>
        %dma_wait3A_331 = arith.constant 0 : i32
        %dma_wait3A_332 = arith.constant 0 : i32
        %dma_wait3A_333 = tpu.memref_slice %dma_wait3A_330[%dma_wait3A_331, %dma_wait3A_332] : memref<32768x8xf32, #tpu.memory_space<vmem_shared>> -> memref<32768x8xf32, #tpu.memory_space<vmem_shared>>
        tpu.wait_indirect_dma semaphore(%arg31 : memref<!tpu.dma_semaphore, #tpu.memory_space<semaphore_mem>>) src(%dma_wait3A_333 : memref<32768x8xf32, #tpu.memory_space<vmem_shared>>) dst(%arg18 : memref<512x8xf32, #tpu.memory_space<vmem>>)
        %dma_wait3A_334 = arith.constant 32768 : i32
        %dma_wait3A_335 = arith.constant 0 : i32
        %dma_wait3A_336 = tpu.memref_slice %arg27[%dma_wait3A_334, %dma_wait3A_335] : memref<98304x8xf32, #tpu.memory_space<vmem_shared>> -> memref<32768x8xf32, #tpu.memory_space<vmem_shared>>
        %dma_wait3A_337 = arith.constant 0 : i32
        %dma_wait3A_338 = arith.constant 0 : i32
        %dma_wait3A_339 = tpu.memref_slice %dma_wait3A_336[%dma_wait3A_337, %dma_wait3A_338] : memref<32768x8xf32, #tpu.memory_space<vmem_shared>> -> memref<32768x8xf32, #tpu.memory_space<vmem_shared>>
        tpu.wait_indirect_dma semaphore(%arg32 : memref<!tpu.dma_semaphore, #tpu.memory_space<semaphore_mem>>) src(%dma_wait3A_339 : memref<32768x8xf32, #tpu.memory_space<vmem_shared>>) dst(%arg19 : memref<512x8xf32, #tpu.memory_space<vmem>>)
        %dma_wait3A_340 = arith.constant 65536 : i32
        %dma_wait3A_341 = arith.constant 0 : i32
        %dma_wait3A_342 = tpu.memref_slice %arg27[%dma_wait3A_340, %dma_wait3A_341] : memref<98304x8xf32, #tpu.memory_space<vmem_shared>> -> memref<32768x8xf32, #tpu.memory_space<vmem_shared>>
        %dma_wait3A_343 = arith.constant 0 : i32
        %dma_wait3A_344 = arith.constant 0 : i32
        %dma_wait3A_345 = tpu.memref_slice %dma_wait3A_342[%dma_wait3A_343, %dma_wait3A_344] : memref<32768x8xf32, #tpu.memory_space<vmem_shared>> -> memref<32768x8xf32, #tpu.memory_space<vmem_shared>>
        tpu.wait_indirect_dma semaphore(%arg33 : memref<!tpu.dma_semaphore, #tpu.memory_space<semaphore_mem>>) src(%dma_wait3A_345 : memref<32768x8xf32, #tpu.memory_space<vmem_shared>>) dst(%arg20 : memref<512x8xf32, #tpu.memory_space<vmem>>)
        %scan3A_346 = arith.constant 0 : i32
        %scan3A_347 = arith.constant 0 : i32
        %scan3A_348 = arith.constant 32 : i32
        %scan3A_349 = arith.addi %scan3A_347, %scan3A_348 : i32
        %scan3A_350 = arith.constant 1 : i32
        %scan3A_351 = scf.for %scan3A_464 = %scan3A_347 to %scan3A_349 step %scan3A_350 iter_args(%scan3A_465 = %scan3A_346) -> (i32)  : i32 {
          %mul3A_466 = arith.constant 16 : i32
          %mul3A_467 = arith.muli %scan3A_464, %mul3A_466 : i32
          %mul3A_468 = arith.constant 16 : i32
          %mul3A_469 = arith.muli %scan3A_464, %mul3A_468 : i32
          %add3A_470 = vector.broadcast %mul3A_469 : i32 to vector<16xi32>
          %add3A_471 = arith.addi %iota3A, %add3A_470 : vector<16xi32>
          %get3A = arith.index_cast %mul3A_467 : i32 to index
          %get3A_472 = tpu.vector_load %arg10[%get3A] {strides = array<i32>} : memref<512xi32, #tpu.memory_space<vmem>>, vector<16xi32>,
          %get3A_473 = arith.index_cast %mul3A_467 : i32 to index
          %get3A_474 = tpu.vector_load %arg13[%get3A_473] {strides = array<i32>} : memref<512xi32, #tpu.memory_space<vmem>>, vector<16xi32>,
          %ge3A = arith.constant 0 : i32
          %ge3A_475 = vector.broadcast %ge3A : i32 to vector<16xi32>
          %ge3A_476 = arith.cmpi sge, %get3A_474, %ge3A_475 : vector<16xi32>
          %lt3A = arith.constant 512 : i32
          %lt3A_477 = vector.broadcast %lt3A : i32 to vector<16xi32>
          %lt3A_478 = arith.cmpi slt, %get3A_474, %lt3A_477 : vector<16xi32>
          %and3A = arith.andi %ge3A_476, %lt3A_478 : vector<16xi1>
          %mul3A_479 = arith.constant 16 : i32
          %mul3A_480 = arith.muli %scan3A_464, %mul3A_479 : i32
          %add3A_481 = arith.constant 2048 : i32
          %add3A_482 = arith.addi %mul3A_480, %add3A_481 : i32
          %and3A_483 = arith.constant 511 : i32
          %and3A_484 = arith.andi %add3A_482, %and3A_483 : i32
          %shift_right_arithmetic3A = arith.constant 7 : i32
          %shift_right_arithmetic3A_485 = arith.shrsi %and3A_484, %shift_right_arithmetic3A : i32
          %shift_left3A = arith.constant 10 : i32
          %shift_left3A_486 = arith.shli %shift_right_arithmetic3A_485, %shift_left3A : i32
          %shift_right_arithmetic3A_487 = arith.constant 9 : i32
          %shift_right_arithmetic3A_488 = arith.shrsi %add3A_482, %shift_right_arithmetic3A_487 : i32
          %and3A_489 = arith.constant 7 : i32
          %and3A_490 = arith.andi %shift_right_arithmetic3A_488, %and3A_489 : i32
          %shift_left3A_491 = arith.constant 7 : i32
          %shift_left3A_492 = arith.shli %and3A_490, %shift_left3A_491 : i32
          %add3A_493 = arith.addi %shift_left3A_486, %shift_left3A_492 : i32
          %and3A_494 = arith.constant 127 : i32
          %and3A_495 = arith.andi %and3A_484, %and3A_494 : i32
          %add3A_496 = arith.addi %add3A_493, %and3A_495 : i32
          %gather3A = tpu.vector_load_idx %arg18[%add3A_471, %get3A_472] : memref<512x8xf32, #tpu.memory_space<vmem>>[vector<16xi32>, vector<16xi32>], vector<16xf32>,
          %jit3A = arith.constant 0.000000e+00 : f32
          %broadcast_in_dim3A = vector.broadcast %jit3A : f32 to vector<16xf32>
          %select_n3A = arith.select %and3A, %gather3A, %broadcast_in_dim3A : vector<16xi1>, vector<16xf32>
          %swap3A = arith.index_cast %add3A_496 : i32 to index
          %swap3A_497 = tpu.vector_load %arg24[%swap3A] {strides = array<i32>} : memref<4096xf32, #tpu.memory_space<vmem>>, vector<16xf32>,
          tpu.vector_store %arg24[%swap3A], %select_n3A {strides = array<i32>} : memref<4096xf32, #tpu.memory_space<vmem>>, vector<16xf32>,
          %gather3A_498 = tpu.vector_load_idx %arg19[%add3A_471, %get3A_472] : memref<512x8xf32, #tpu.memory_space<vmem>>[vector<16xi32>, vector<16xi32>], vector<16xf32>,
          %jit3A_499 = arith.constant 0.000000e+00 : f32
          %broadcast_in_dim3A_500 = vector.broadcast %jit3A_499 : f32 to vector<16xf32>
          %select_n3A_501 = arith.select %and3A, %gather3A_498, %broadcast_in_dim3A_500 : vector<16xi1>, vector<16xf32>
          %swap3A_502 = arith.index_cast %add3A_496 : i32 to index
          %swap3A_503 = tpu.vector_load %arg25[%swap3A_502] {strides = array<i32>} : memref<4096xf32, #tpu.memory_space<vmem>>, vector<16xf32>,
          tpu.vector_store %arg25[%swap3A_502], %select_n3A_501 {strides = array<i32>} : memref<4096xf32, #tpu.memory_space<vmem>>, vector<16xf32>,
          %gather3A_504 = tpu.vector_load_idx %arg20[%add3A_471, %get3A_472] : memref<512x8xf32, #tpu.memory_space<vmem>>[vector<16xi32>, vector<16xi32>], vector<16xf32>,
          %jit3A_505 = arith.constant 0.000000e+00 : f32
          %broadcast_in_dim3A_506 = vector.broadcast %jit3A_505 : f32 to vector<16xf32>
          %select_n3A_507 = arith.select %and3A, %gather3A_504, %broadcast_in_dim3A_506 : vector<16xi1>, vector<16xf32>
          %swap3A_508 = arith.index_cast %add3A_496 : i32 to index
          %swap3A_509 = tpu.vector_load %arg26[%swap3A_508] {strides = array<i32>} : memref<4096xf32, #tpu.memory_space<vmem>>, vector<16xf32>,
          tpu.vector_store %arg26[%swap3A_508], %select_n3A_507 {strides = array<i32>} : memref<4096xf32, #tpu.memory_space<vmem>>, vector<16xf32>,
          %scan3A_510 = arith.constant 0 : i32
          scf.yield %scan3A_510 : i32
        }
        %scan3A_352 = arith.constant 32 : i32
        %scan3A_353 = arith.constant 0 : i32
        %scan3A_354 = arith.constant 0 : i32
        %scan3A_355 = arith.constant 32 : i32
        %scan3A_356 = arith.addi %scan3A_354, %scan3A_355 : i32
        %scan3A_357 = arith.constant 1 : i32
        %scan3A_358 = scf.for %scan3A_464 = %scan3A_354 to %scan3A_356 step %scan3A_357 iter_args(%scan3A_465 = %scan3A_353) -> (i32)  : i32 {
          %mul3A_466 = arith.constant 16 : i32
          %mul3A_467 = arith.muli %scan3A_464, %mul3A_466 : i32
          %add3A_468 = arith.constant 3584 : i32
          %add3A_469 = arith.addi %mul3A_467, %add3A_468 : i32
          %shift_right_arithmetic3A = arith.constant 7 : i32
          %shift_right_arithmetic3A_470 = arith.shrsi %add3A_469, %shift_right_arithmetic3A : i32
          %mul3A_471 = arith.constant 256 : i32
          %mul3A_472 = arith.muli %shift_right_arithmetic3A_470, %mul3A_471 : i32
          %and3A = arith.constant 127 : i32
          %and3A_473 = arith.andi %add3A_469, %and3A : i32
          %add3A_474 = arith.addi %mul3A_472, %and3A_473 : i32
          %mul3A_475 = arith.constant 16 : i32
          %mul3A_476 = arith.muli %scan3A_464, %mul3A_475 : i32
          %get3A = arith.index_cast %add3A_474 : i32 to index
          %get3A_477 = tpu.vector_load %arg5[%get3A] {strides = array<i32>} : memref<8192xf32, #tpu.memory_space<vmem>>, vector<16xf32>,
          %add3A_478 = arith.constant 128 : i32
          %add3A_479 = arith.addi %add3A_474, %add3A_478 : i32
          %get3A_480 = arith.index_cast %add3A_479 : i32 to index
          %get3A_481 = tpu.vector_load %arg5[%get3A_480] {strides = array<i32>} : memref<8192xf32, #tpu.memory_space<vmem>>, vector<16xf32>,
          %add3A_482 = arith.constant 5.000000e-01 : f32
          %add3A_483 = vector.broadcast %add3A_482 : f32 to vector<16xf32>
          %add3A_484 = arith.addf %get3A_477, %add3A_483 : vector<16xf32>
          %convert_element_type3A_485 = arith.fptosi %add3A_484 : vector<16xf32> to vector<16xi32>
          %add3A_486 = arith.constant 5.000000e-01 : f32
          %add3A_487 = vector.broadcast %add3A_486 : f32 to vector<16xf32>
          %add3A_488 = arith.addf %get3A_481, %add3A_487 : vector<16xf32>
          %convert_element_type3A_489 = arith.fptosi %add3A_488 : vector<16xf32> to vector<16xi32>
          %or3A_490 = arith.ori %convert_element_type3A_485, %convert_element_type3A_489 : vector<16xi32>
          %swap3A = arith.index_cast %mul3A_476 : i32 to index
          %swap3A_491 = tpu.vector_load %arg13[%swap3A] {strides = array<i32>} : memref<512xi32, #tpu.memory_space<vmem>>, vector<16xi32>,
          tpu.vector_store %arg13[%swap3A], %or3A_490 {strides = array<i32>} : memref<512xi32, #tpu.memory_space<vmem>>, vector<16xi32>,
          %max3A = arith.constant 0 : i32
          %max3A_492 = vector.broadcast %max3A : i32 to vector<16xi32>
          %max3A_493 = arith.maxsi %convert_element_type3A_485, %max3A_492 : vector<16xi32>
          %min3A = arith.constant 511 : i32
          %min3A_494 = vector.broadcast %min3A : i32 to vector<16xi32>
          %min3A_495 = arith.minsi %max3A_493, %min3A_494 : vector<16xi32>
          %max3A_496 = arith.constant 0 : i32
          %max3A_497 = vector.broadcast %max3A_496 : i32 to vector<16xi32>
          %max3A_498 = arith.maxsi %convert_element_type3A_489, %max3A_497 : vector<16xi32>
          %min3A_499 = arith.constant 511 : i32
          %min3A_500 = vector.broadcast %min3A_499 : i32 to vector<16xi32>
          %min3A_501 = arith.minsi %max3A_498, %min3A_500 : vector<16xi32>
          %shift_right_arithmetic3A_502 = arith.constant 3 : i32
          %shift_right_arithmetic3A_503 = vector.broadcast %shift_right_arithmetic3A_502 : i32 to vector<16xi32>
          %shift_right_arithmetic3A_504 = arith.shrsi %min3A_495, %shift_right_arithmetic3A_503 : vector<16xi32>
          %shift_left3A = arith.constant 9 : i32
          %shift_left3A_505 = vector.broadcast %shift_left3A : i32 to vector<16xi32>
          %shift_left3A_506 = arith.shli %shift_right_arithmetic3A_504, %shift_left3A_505 : vector<16xi32>
          %shift_right_arithmetic3A_507 = arith.constant 7 : i32
          %shift_right_arithmetic3A_508 = vector.broadcast %shift_right_arithmetic3A_507 : i32 to vector<16xi32>
          %shift_right_arithmetic3A_509 = arith.shrsi %min3A_501, %shift_right_arithmetic3A_508 : vector<16xi32>
          %shift_left3A_510 = arith.constant 7 : i32
          %shift_left3A_511 = vector.broadcast %shift_left3A_510 : i32 to vector<16xi32>
          %shift_left3A_512 = arith.shli %shift_right_arithmetic3A_509, %shift_left3A_511 : vector<16xi32>
          %add3A_513 = arith.addi %shift_left3A_506, %shift_left3A_512 : vector<16xi32>
          %and3A_514 = arith.constant 7 : i32
          %and3A_515 = vector.broadcast %and3A_514 : i32 to vector<16xi32>
          %and3A_516 = arith.andi %min3A_495, %and3A_515 : vector<16xi32>
          %shift_left3A_517 = arith.constant 4 : i32
          %shift_left3A_518 = vector.broadcast %shift_left3A_517 : i32 to vector<16xi32>
          %shift_left3A_519 = arith.shli %and3A_516, %shift_left3A_518 : vector<16xi32>
          %add3A_520 = arith.addi %add3A_513, %shift_left3A_519 : vector<16xi32>
          %shift_right_arithmetic3A_521 = arith.constant 3 : i32
          %shift_right_arithmetic3A_522 = vector.broadcast %shift_right_arithmetic3A_521 : i32 to vector<16xi32>
          %shift_right_arithmetic3A_523 = arith.shrsi %min3A_501, %shift_right_arithmetic3A_522 : vector<16xi32>
          %and3A_524 = arith.constant 15 : i32
          %and3A_525 = vector.broadcast %and3A_524 : i32 to vector<16xi32>
          %and3A_526 = arith.andi %shift_right_arithmetic3A_523, %and3A_525 : vector<16xi32>
          %add3A_527 = arith.addi %add3A_520, %and3A_526 : vector<16xi32>
          %swap3A_528 = arith.index_cast %mul3A_476 : i32 to index
          %swap3A_529 = tpu.vector_load %arg7[%swap3A_528] {strides = array<i32>} : memref<512xi32, #tpu.memory_space<vmem>>, vector<16xi32>,
          tpu.vector_store %arg7[%swap3A_528], %add3A_527 {strides = array<i32>} : memref<512xi32, #tpu.memory_space<vmem>>, vector<16xi32>,
          %and3A_530 = arith.constant 7 : i32
          %and3A_531 = vector.broadcast %and3A_530 : i32 to vector<16xi32>
          %and3A_532 = arith.andi %min3A_501, %and3A_531 : vector<16xi32>
          %swap3A_533 = arith.index_cast %mul3A_476 : i32 to index
          %swap3A_534 = tpu.vector_load %arg10[%swap3A_533] {strides = array<i32>} : memref<512xi32, #tpu.memory_space<vmem>>, vector<16xi32>,
          tpu.vector_store %arg10[%swap3A_533], %and3A_532 {strides = array<i32>} : memref<512xi32, #tpu.memory_space<vmem>>, vector<16xi32>,
          %scan3A_535 = arith.constant 0 : i32
          scf.yield %scan3A_535 : i32
        }
        %scan3A_359 = arith.constant 32 : i32
        %dma_start3A_360 = arith.constant 0 : i32
        %dma_start3A_361 = arith.constant 0 : i32
        %dma_start3A_362 = tpu.memref_slice %arg27[%dma_start3A_360, %dma_start3A_361] : memref<98304x8xf32, #tpu.memory_space<vmem_shared>> -> memref<32768x8xf32, #tpu.memory_space<vmem_shared>>
        %dma_start3A_363 = arith.constant 0 : i32
        %dma_start3A_364 = arith.constant 0 : i32
        %dma_start3A_365 = tpu.memref_slice %dma_start3A_362[%dma_start3A_363, %dma_start3A_364] : memref<32768x8xf32, #tpu.memory_space<vmem_shared>> -> memref<32768x8xf32, #tpu.memory_space<vmem_shared>>
        tpu.enqueue_indirect_dma source(%dma_start3A_365 : memref<32768x8xf32, #tpu.memory_space<vmem_shared>>) target(%arg18 : memref<512x8xf32, #tpu.memory_space<vmem>>) offsets(%arg7 : memref<512xi32, #tpu.memory_space<vmem>>) semaphore(%arg31 : memref<!tpu.dma_semaphore, #tpu.memory_space<semaphore_mem>>)
        %dma_start3A_366 = arith.constant 32768 : i32
        %dma_start3A_367 = arith.constant 0 : i32
        %dma_start3A_368 = tpu.memref_slice %arg27[%dma_start3A_366, %dma_start3A_367] : memref<98304x8xf32, #tpu.memory_space<vmem_shared>> -> memref<32768x8xf32, #tpu.memory_space<vmem_shared>>
        %dma_start3A_369 = arith.constant 0 : i32
        %dma_start3A_370 = arith.constant 0 : i32
        %dma_start3A_371 = tpu.memref_slice %dma_start3A_368[%dma_start3A_369, %dma_start3A_370] : memref<32768x8xf32, #tpu.memory_space<vmem_shared>> -> memref<32768x8xf32, #tpu.memory_space<vmem_shared>>
        tpu.enqueue_indirect_dma source(%dma_start3A_371 : memref<32768x8xf32, #tpu.memory_space<vmem_shared>>) target(%arg19 : memref<512x8xf32, #tpu.memory_space<vmem>>) offsets(%arg7 : memref<512xi32, #tpu.memory_space<vmem>>) semaphore(%arg32 : memref<!tpu.dma_semaphore, #tpu.memory_space<semaphore_mem>>)
        %dma_start3A_372 = arith.constant 65536 : i32
        %dma_start3A_373 = arith.constant 0 : i32
        %dma_start3A_374 = tpu.memref_slice %arg27[%dma_start3A_372, %dma_start3A_373] : memref<98304x8xf32, #tpu.memory_space<vmem_shared>> -> memref<32768x8xf32, #tpu.memory_space<vmem_shared>>
        %dma_start3A_375 = arith.constant 0 : i32
        %dma_start3A_376 = arith.constant 0 : i32
        %dma_start3A_377 = tpu.memref_slice %dma_start3A_374[%dma_start3A_375, %dma_start3A_376] : memref<32768x8xf32, #tpu.memory_space<vmem_shared>> -> memref<32768x8xf32, #tpu.memory_space<vmem_shared>>
        tpu.enqueue_indirect_dma source(%dma_start3A_377 : memref<32768x8xf32, #tpu.memory_space<vmem_shared>>) target(%arg20 : memref<512x8xf32, #tpu.memory_space<vmem>>) offsets(%arg7 : memref<512xi32, #tpu.memory_space<vmem>>) semaphore(%arg33 : memref<!tpu.dma_semaphore, #tpu.memory_space<semaphore_mem>>)
        %dma_wait3A_378 = arith.constant 0 : i32
        %dma_wait3A_379 = arith.constant 0 : i32
        %dma_wait3A_380 = tpu.memref_slice %arg27[%dma_wait3A_378, %dma_wait3A_379] : memref<98304x8xf32, #tpu.memory_space<vmem_shared>> -> memref<32768x8xf32, #tpu.memory_space<vmem_shared>>
        %dma_wait3A_381 = arith.constant 0 : i32
        %dma_wait3A_382 = arith.constant 0 : i32
        %dma_wait3A_383 = tpu.memref_slice %dma_wait3A_380[%dma_wait3A_381, %dma_wait3A_382] : memref<32768x8xf32, #tpu.memory_space<vmem_shared>> -> memref<32768x8xf32, #tpu.memory_space<vmem_shared>>
        tpu.wait_indirect_dma semaphore(%arg34 : memref<!tpu.dma_semaphore, #tpu.memory_space<semaphore_mem>>) src(%dma_wait3A_383 : memref<32768x8xf32, #tpu.memory_space<vmem_shared>>) dst(%arg21 : memref<512x8xf32, #tpu.memory_space<vmem>>)
        %dma_wait3A_384 = arith.constant 32768 : i32
        %dma_wait3A_385 = arith.constant 0 : i32
        %dma_wait3A_386 = tpu.memref_slice %arg27[%dma_wait3A_384, %dma_wait3A_385] : memref<98304x8xf32, #tpu.memory_space<vmem_shared>> -> memref<32768x8xf32, #tpu.memory_space<vmem_shared>>
        %dma_wait3A_387 = arith.constant 0 : i32
        %dma_wait3A_388 = arith.constant 0 : i32
        %dma_wait3A_389 = tpu.memref_slice %dma_wait3A_386[%dma_wait3A_387, %dma_wait3A_388] : memref<32768x8xf32, #tpu.memory_space<vmem_shared>> -> memref<32768x8xf32, #tpu.memory_space<vmem_shared>>
        tpu.wait_indirect_dma semaphore(%arg35 : memref<!tpu.dma_semaphore, #tpu.memory_space<semaphore_mem>>) src(%dma_wait3A_389 : memref<32768x8xf32, #tpu.memory_space<vmem_shared>>) dst(%arg22 : memref<512x8xf32, #tpu.memory_space<vmem>>)
        %dma_wait3A_390 = arith.constant 65536 : i32
        %dma_wait3A_391 = arith.constant 0 : i32
        %dma_wait3A_392 = tpu.memref_slice %arg27[%dma_wait3A_390, %dma_wait3A_391] : memref<98304x8xf32, #tpu.memory_space<vmem_shared>> -> memref<32768x8xf32, #tpu.memory_space<vmem_shared>>
        %dma_wait3A_393 = arith.constant 0 : i32
        %dma_wait3A_394 = arith.constant 0 : i32
        %dma_wait3A_395 = tpu.memref_slice %dma_wait3A_392[%dma_wait3A_393, %dma_wait3A_394] : memref<32768x8xf32, #tpu.memory_space<vmem_shared>> -> memref<32768x8xf32, #tpu.memory_space<vmem_shared>>
        tpu.wait_indirect_dma semaphore(%arg36 : memref<!tpu.dma_semaphore, #tpu.memory_space<semaphore_mem>>) src(%dma_wait3A_395 : memref<32768x8xf32, #tpu.memory_space<vmem_shared>>) dst(%arg23 : memref<512x8xf32, #tpu.memory_space<vmem>>)
        %scan3A_396 = arith.constant 0 : i32
        %scan3A_397 = arith.constant 0 : i32
        %scan3A_398 = arith.constant 32 : i32
        %scan3A_399 = arith.addi %scan3A_397, %scan3A_398 : i32
        %scan3A_400 = arith.constant 1 : i32
        %scan3A_401 = scf.for %scan3A_464 = %scan3A_397 to %scan3A_399 step %scan3A_400 iter_args(%scan3A_465 = %scan3A_396) -> (i32)  : i32 {
          %mul3A_466 = arith.constant 16 : i32
          %mul3A_467 = arith.muli %scan3A_464, %mul3A_466 : i32
          %mul3A_468 = arith.constant 16 : i32
          %mul3A_469 = arith.muli %scan3A_464, %mul3A_468 : i32
          %add3A_470 = vector.broadcast %mul3A_469 : i32 to vector<16xi32>
          %add3A_471 = arith.addi %iota3A, %add3A_470 : vector<16xi32>
          %get3A = arith.index_cast %mul3A_467 : i32 to index
          %get3A_472 = tpu.vector_load %arg11[%get3A] {strides = array<i32>} : memref<512xi32, #tpu.memory_space<vmem>>, vector<16xi32>,
          %get3A_473 = arith.index_cast %mul3A_467 : i32 to index
          %get3A_474 = tpu.vector_load %arg14[%get3A_473] {strides = array<i32>} : memref<512xi32, #tpu.memory_space<vmem>>, vector<16xi32>,
          %ge3A = arith.constant 0 : i32
          %ge3A_475 = vector.broadcast %ge3A : i32 to vector<16xi32>
          %ge3A_476 = arith.cmpi sge, %get3A_474, %ge3A_475 : vector<16xi32>
          %lt3A = arith.constant 512 : i32
          %lt3A_477 = vector.broadcast %lt3A : i32 to vector<16xi32>
          %lt3A_478 = arith.cmpi slt, %get3A_474, %lt3A_477 : vector<16xi32>
          %and3A = arith.andi %ge3A_476, %lt3A_478 : vector<16xi1>
          %mul3A_479 = arith.constant 16 : i32
          %mul3A_480 = arith.muli %scan3A_464, %mul3A_479 : i32
          %add3A_481 = arith.constant 2560 : i32
          %add3A_482 = arith.addi %mul3A_480, %add3A_481 : i32
          %and3A_483 = arith.constant 511 : i32
          %and3A_484 = arith.andi %add3A_482, %and3A_483 : i32
          %shift_right_arithmetic3A = arith.constant 7 : i32
          %shift_right_arithmetic3A_485 = arith.shrsi %and3A_484, %shift_right_arithmetic3A : i32
          %shift_left3A = arith.constant 10 : i32
          %shift_left3A_486 = arith.shli %shift_right_arithmetic3A_485, %shift_left3A : i32
          %shift_right_arithmetic3A_487 = arith.constant 9 : i32
          %shift_right_arithmetic3A_488 = arith.shrsi %add3A_482, %shift_right_arithmetic3A_487 : i32
          %and3A_489 = arith.constant 7 : i32
          %and3A_490 = arith.andi %shift_right_arithmetic3A_488, %and3A_489 : i32
          %shift_left3A_491 = arith.constant 7 : i32
          %shift_left3A_492 = arith.shli %and3A_490, %shift_left3A_491 : i32
          %add3A_493 = arith.addi %shift_left3A_486, %shift_left3A_492 : i32
          %and3A_494 = arith.constant 127 : i32
          %and3A_495 = arith.andi %and3A_484, %and3A_494 : i32
          %add3A_496 = arith.addi %add3A_493, %and3A_495 : i32
          %gather3A = tpu.vector_load_idx %arg21[%add3A_471, %get3A_472] : memref<512x8xf32, #tpu.memory_space<vmem>>[vector<16xi32>, vector<16xi32>], vector<16xf32>,
          %jit3A = arith.constant 0.000000e+00 : f32
          %broadcast_in_dim3A = vector.broadcast %jit3A : f32 to vector<16xf32>
          %select_n3A = arith.select %and3A, %gather3A, %broadcast_in_dim3A : vector<16xi1>, vector<16xf32>
          %swap3A = arith.index_cast %add3A_496 : i32 to index
          %swap3A_497 = tpu.vector_load %arg24[%swap3A] {strides = array<i32>} : memref<4096xf32, #tpu.memory_space<vmem>>, vector<16xf32>,
          tpu.vector_store %arg24[%swap3A], %select_n3A {strides = array<i32>} : memref<4096xf32, #tpu.memory_space<vmem>>, vector<16xf32>,
          %gather3A_498 = tpu.vector_load_idx %arg22[%add3A_471, %get3A_472] : memref<512x8xf32, #tpu.memory_space<vmem>>[vector<16xi32>, vector<16xi32>], vector<16xf32>,
          %jit3A_499 = arith.constant 0.000000e+00 : f32
          %broadcast_in_dim3A_500 = vector.broadcast %jit3A_499 : f32 to vector<16xf32>
          %select_n3A_501 = arith.select %and3A, %gather3A_498, %broadcast_in_dim3A_500 : vector<16xi1>, vector<16xf32>
          %swap3A_502 = arith.index_cast %add3A_496 : i32 to index
          %swap3A_503 = tpu.vector_load %arg25[%swap3A_502] {strides = array<i32>} : memref<4096xf32, #tpu.memory_space<vmem>>, vector<16xf32>,
          tpu.vector_store %arg25[%swap3A_502], %select_n3A_501 {strides = array<i32>} : memref<4096xf32, #tpu.memory_space<vmem>>, vector<16xf32>,
          %gather3A_504 = tpu.vector_load_idx %arg23[%add3A_471, %get3A_472] : memref<512x8xf32, #tpu.memory_space<vmem>>[vector<16xi32>, vector<16xi32>], vector<16xf32>,
          %jit3A_505 = arith.constant 0.000000e+00 : f32
          %broadcast_in_dim3A_506 = vector.broadcast %jit3A_505 : f32 to vector<16xf32>
          %select_n3A_507 = arith.select %and3A, %gather3A_504, %broadcast_in_dim3A_506 : vector<16xi1>, vector<16xf32>
          %swap3A_508 = arith.index_cast %add3A_496 : i32 to index
          %swap3A_509 = tpu.vector_load %arg26[%swap3A_508] {strides = array<i32>} : memref<4096xf32, #tpu.memory_space<vmem>>, vector<16xf32>,
          tpu.vector_store %arg26[%swap3A_508], %select_n3A_507 {strides = array<i32>} : memref<4096xf32, #tpu.memory_space<vmem>>, vector<16xf32>,
          %scan3A_510 = arith.constant 0 : i32
          scf.yield %scan3A_510 : i32
        }
        %scan3A_402 = arith.constant 32 : i32
        %dma_wait3A_403 = arith.constant 0 : i32
        %dma_wait3A_404 = arith.constant 0 : i32
        %dma_wait3A_405 = tpu.memref_slice %arg27[%dma_wait3A_403, %dma_wait3A_404] : memref<98304x8xf32, #tpu.memory_space<vmem_shared>> -> memref<32768x8xf32, #tpu.memory_space<vmem_shared>>
        %dma_wait3A_406 = arith.constant 0 : i32
        %dma_wait3A_407 = arith.constant 0 : i32
        %dma_wait3A_408 = tpu.memref_slice %dma_wait3A_405[%dma_wait3A_406, %dma_wait3A_407] : memref<32768x8xf32, #tpu.memory_space<vmem_shared>> -> memref<32768x8xf32, #tpu.memory_space<vmem_shared>>
        tpu.wait_indirect_dma semaphore(%arg28 : memref<!tpu.dma_semaphore, #tpu.memory_space<semaphore_mem>>) src(%dma_wait3A_408 : memref<32768x8xf32, #tpu.memory_space<vmem_shared>>) dst(%arg15 : memref<512x8xf32, #tpu.memory_space<vmem>>)
        %dma_wait3A_409 = arith.constant 32768 : i32
        %dma_wait3A_410 = arith.constant 0 : i32
        %dma_wait3A_411 = tpu.memref_slice %arg27[%dma_wait3A_409, %dma_wait3A_410] : memref<98304x8xf32, #tpu.memory_space<vmem_shared>> -> memref<32768x8xf32, #tpu.memory_space<vmem_shared>>
        %dma_wait3A_412 = arith.constant 0 : i32
        %dma_wait3A_413 = arith.constant 0 : i32
        %dma_wait3A_414 = tpu.memref_slice %dma_wait3A_411[%dma_wait3A_412, %dma_wait3A_413] : memref<32768x8xf32, #tpu.memory_space<vmem_shared>> -> memref<32768x8xf32, #tpu.memory_space<vmem_shared>>
        tpu.wait_indirect_dma semaphore(%arg29 : memref<!tpu.dma_semaphore, #tpu.memory_space<semaphore_mem>>) src(%dma_wait3A_414 : memref<32768x8xf32, #tpu.memory_space<vmem_shared>>) dst(%arg16 : memref<512x8xf32, #tpu.memory_space<vmem>>)
        %dma_wait3A_415 = arith.constant 65536 : i32
        %dma_wait3A_416 = arith.constant 0 : i32
        %dma_wait3A_417 = tpu.memref_slice %arg27[%dma_wait3A_415, %dma_wait3A_416] : memref<98304x8xf32, #tpu.memory_space<vmem_shared>> -> memref<32768x8xf32, #tpu.memory_space<vmem_shared>>
        %dma_wait3A_418 = arith.constant 0 : i32
        %dma_wait3A_419 = arith.constant 0 : i32
        %dma_wait3A_420 = tpu.memref_slice %dma_wait3A_417[%dma_wait3A_418, %dma_wait3A_419] : memref<32768x8xf32, #tpu.memory_space<vmem_shared>> -> memref<32768x8xf32, #tpu.memory_space<vmem_shared>>
        tpu.wait_indirect_dma semaphore(%arg30 : memref<!tpu.dma_semaphore, #tpu.memory_space<semaphore_mem>>) src(%dma_wait3A_420 : memref<32768x8xf32, #tpu.memory_space<vmem_shared>>) dst(%arg17 : memref<512x8xf32, #tpu.memory_space<vmem>>)
        %scan3A_421 = arith.constant 0 : i32
        %scan3A_422 = arith.constant 0 : i32
        %scan3A_423 = arith.constant 32 : i32
        %scan3A_424 = arith.addi %scan3A_422, %scan3A_423 : i32
        %scan3A_425 = arith.constant 1 : i32
        %scan3A_426 = scf.for %scan3A_464 = %scan3A_422 to %scan3A_424 step %scan3A_425 iter_args(%scan3A_465 = %scan3A_421) -> (i32)  : i32 {
          %mul3A_466 = arith.constant 16 : i32
          %mul3A_467 = arith.muli %scan3A_464, %mul3A_466 : i32
          %mul3A_468 = arith.constant 16 : i32
          %mul3A_469 = arith.muli %scan3A_464, %mul3A_468 : i32
          %add3A_470 = vector.broadcast %mul3A_469 : i32 to vector<16xi32>
          %add3A_471 = arith.addi %iota3A, %add3A_470 : vector<16xi32>
          %get3A = arith.index_cast %mul3A_467 : i32 to index
          %get3A_472 = tpu.vector_load %arg9[%get3A] {strides = array<i32>} : memref<512xi32, #tpu.memory_space<vmem>>, vector<16xi32>,
          %get3A_473 = arith.index_cast %mul3A_467 : i32 to index
          %get3A_474 = tpu.vector_load %arg12[%get3A_473] {strides = array<i32>} : memref<512xi32, #tpu.memory_space<vmem>>, vector<16xi32>,
          %ge3A = arith.constant 0 : i32
          %ge3A_475 = vector.broadcast %ge3A : i32 to vector<16xi32>
          %ge3A_476 = arith.cmpi sge, %get3A_474, %ge3A_475 : vector<16xi32>
          %lt3A = arith.constant 512 : i32
          %lt3A_477 = vector.broadcast %lt3A : i32 to vector<16xi32>
          %lt3A_478 = arith.cmpi slt, %get3A_474, %lt3A_477 : vector<16xi32>
          %and3A = arith.andi %ge3A_476, %lt3A_478 : vector<16xi1>
          %mul3A_479 = arith.constant 16 : i32
          %mul3A_480 = arith.muli %scan3A_464, %mul3A_479 : i32
          %add3A_481 = arith.constant 3072 : i32
          %add3A_482 = arith.addi %mul3A_480, %add3A_481 : i32
          %and3A_483 = arith.constant 511 : i32
          %and3A_484 = arith.andi %add3A_482, %and3A_483 : i32
          %shift_right_arithmetic3A = arith.constant 7 : i32
          %shift_right_arithmetic3A_485 = arith.shrsi %and3A_484, %shift_right_arithmetic3A : i32
          %shift_left3A = arith.constant 10 : i32
          %shift_left3A_486 = arith.shli %shift_right_arithmetic3A_485, %shift_left3A : i32
          %shift_right_arithmetic3A_487 = arith.constant 9 : i32
          %shift_right_arithmetic3A_488 = arith.shrsi %add3A_482, %shift_right_arithmetic3A_487 : i32
          %and3A_489 = arith.constant 7 : i32
          %and3A_490 = arith.andi %shift_right_arithmetic3A_488, %and3A_489 : i32
          %shift_left3A_491 = arith.constant 7 : i32
          %shift_left3A_492 = arith.shli %and3A_490, %shift_left3A_491 : i32
          %add3A_493 = arith.addi %shift_left3A_486, %shift_left3A_492 : i32
          %and3A_494 = arith.constant 127 : i32
          %and3A_495 = arith.andi %and3A_484, %and3A_494 : i32
          %add3A_496 = arith.addi %add3A_493, %and3A_495 : i32
          %gather3A = tpu.vector_load_idx %arg15[%add3A_471, %get3A_472] : memref<512x8xf32, #tpu.memory_space<vmem>>[vector<16xi32>, vector<16xi32>], vector<16xf32>,
          %jit3A = arith.constant 0.000000e+00 : f32
          %broadcast_in_dim3A = vector.broadcast %jit3A : f32 to vector<16xf32>
          %select_n3A = arith.select %and3A, %gather3A, %broadcast_in_dim3A : vector<16xi1>, vector<16xf32>
          %swap3A = arith.index_cast %add3A_496 : i32 to index
          %swap3A_497 = tpu.vector_load %arg24[%swap3A] {strides = array<i32>} : memref<4096xf32, #tpu.memory_space<vmem>>, vector<16xf32>,
          tpu.vector_store %arg24[%swap3A], %select_n3A {strides = array<i32>} : memref<4096xf32, #tpu.memory_space<vmem>>, vector<16xf32>,
          %gather3A_498 = tpu.vector_load_idx %arg16[%add3A_471, %get3A_472] : memref<512x8xf32, #tpu.memory_space<vmem>>[vector<16xi32>, vector<16xi32>], vector<16xf32>,
          %jit3A_499 = arith.constant 0.000000e+00 : f32
          %broadcast_in_dim3A_500 = vector.broadcast %jit3A_499 : f32 to vector<16xf32>
          %select_n3A_501 = arith.select %and3A, %gather3A_498, %broadcast_in_dim3A_500 : vector<16xi1>, vector<16xf32>
          %swap3A_502 = arith.index_cast %add3A_496 : i32 to index
          %swap3A_503 = tpu.vector_load %arg25[%swap3A_502] {strides = array<i32>} : memref<4096xf32, #tpu.memory_space<vmem>>, vector<16xf32>,
          tpu.vector_store %arg25[%swap3A_502], %select_n3A_501 {strides = array<i32>} : memref<4096xf32, #tpu.memory_space<vmem>>, vector<16xf32>,
          %gather3A_504 = tpu.vector_load_idx %arg17[%add3A_471, %get3A_472] : memref<512x8xf32, #tpu.memory_space<vmem>>[vector<16xi32>, vector<16xi32>], vector<16xf32>,
          %jit3A_505 = arith.constant 0.000000e+00 : f32
          %broadcast_in_dim3A_506 = vector.broadcast %jit3A_505 : f32 to vector<16xf32>
          %select_n3A_507 = arith.select %and3A, %gather3A_504, %broadcast_in_dim3A_506 : vector<16xi1>, vector<16xf32>
          %swap3A_508 = arith.index_cast %add3A_496 : i32 to index
          %swap3A_509 = tpu.vector_load %arg26[%swap3A_508] {strides = array<i32>} : memref<4096xf32, #tpu.memory_space<vmem>>, vector<16xf32>,
          tpu.vector_store %arg26[%swap3A_508], %select_n3A_507 {strides = array<i32>} : memref<4096xf32, #tpu.memory_space<vmem>>, vector<16xf32>,
          %scan3A_510 = arith.constant 0 : i32
          scf.yield %scan3A_510 : i32
        }
        %scan3A_427 = arith.constant 32 : i32
        %dma_wait3A_428 = arith.constant 0 : i32
        %dma_wait3A_429 = arith.constant 0 : i32
        %dma_wait3A_430 = tpu.memref_slice %arg27[%dma_wait3A_428, %dma_wait3A_429] : memref<98304x8xf32, #tpu.memory_space<vmem_shared>> -> memref<32768x8xf32, #tpu.memory_space<vmem_shared>>
        %dma_wait3A_431 = arith.constant 0 : i32
        %dma_wait3A_432 = arith.constant 0 : i32
        %dma_wait3A_433 = tpu.memref_slice %dma_wait3A_430[%dma_wait3A_431, %dma_wait3A_432] : memref<32768x8xf32, #tpu.memory_space<vmem_shared>> -> memref<32768x8xf32, #tpu.memory_space<vmem_shared>>
        tpu.wait_indirect_dma semaphore(%arg31 : memref<!tpu.dma_semaphore, #tpu.memory_space<semaphore_mem>>) src(%dma_wait3A_433 : memref<32768x8xf32, #tpu.memory_space<vmem_shared>>) dst(%arg18 : memref<512x8xf32, #tpu.memory_space<vmem>>)
        %dma_wait3A_434 = arith.constant 32768 : i32
        %dma_wait3A_435 = arith.constant 0 : i32
        %dma_wait3A_436 = tpu.memref_slice %arg27[%dma_wait3A_434, %dma_wait3A_435] : memref<98304x8xf32, #tpu.memory_space<vmem_shared>> -> memref<32768x8xf32, #tpu.memory_space<vmem_shared>>
        %dma_wait3A_437 = arith.constant 0 : i32
        %dma_wait3A_438 = arith.constant 0 : i32
        %dma_wait3A_439 = tpu.memref_slice %dma_wait3A_436[%dma_wait3A_437, %dma_wait3A_438] : memref<32768x8xf32, #tpu.memory_space<vmem_shared>> -> memref<32768x8xf32, #tpu.memory_space<vmem_shared>>
        tpu.wait_indirect_dma semaphore(%arg32 : memref<!tpu.dma_semaphore, #tpu.memory_space<semaphore_mem>>) src(%dma_wait3A_439 : memref<32768x8xf32, #tpu.memory_space<vmem_shared>>) dst(%arg19 : memref<512x8xf32, #tpu.memory_space<vmem>>)
        %dma_wait3A_440 = arith.constant 65536 : i32
        %dma_wait3A_441 = arith.constant 0 : i32
        %dma_wait3A_442 = tpu.memref_slice %arg27[%dma_wait3A_440, %dma_wait3A_441] : memref<98304x8xf32, #tpu.memory_space<vmem_shared>> -> memref<32768x8xf32, #tpu.memory_space<vmem_shared>>
        %dma_wait3A_443 = arith.constant 0 : i32
        %dma_wait3A_444 = arith.constant 0 : i32
        %dma_wait3A_445 = tpu.memref_slice %dma_wait3A_442[%dma_wait3A_443, %dma_wait3A_444] : memref<32768x8xf32, #tpu.memory_space<vmem_shared>> -> memref<32768x8xf32, #tpu.memory_space<vmem_shared>>
        tpu.wait_indirect_dma semaphore(%arg33 : memref<!tpu.dma_semaphore, #tpu.memory_space<semaphore_mem>>) src(%dma_wait3A_445 : memref<32768x8xf32, #tpu.memory_space<vmem_shared>>) dst(%arg20 : memref<512x8xf32, #tpu.memory_space<vmem>>)
        %scan3A_446 = arith.constant 0 : i32
        %scan3A_447 = arith.constant 0 : i32
        %scan3A_448 = arith.constant 32 : i32
        %scan3A_449 = arith.addi %scan3A_447, %scan3A_448 : i32
        %scan3A_450 = arith.constant 1 : i32
        %scan3A_451 = scf.for %scan3A_464 = %scan3A_447 to %scan3A_449 step %scan3A_450 iter_args(%scan3A_465 = %scan3A_446) -> (i32)  : i32 {
          %mul3A_466 = arith.constant 16 : i32
          %mul3A_467 = arith.muli %scan3A_464, %mul3A_466 : i32
          %mul3A_468 = arith.constant 16 : i32
          %mul3A_469 = arith.muli %scan3A_464, %mul3A_468 : i32
          %add3A_470 = vector.broadcast %mul3A_469 : i32 to vector<16xi32>
          %add3A_471 = arith.addi %iota3A, %add3A_470 : vector<16xi32>
          %get3A = arith.index_cast %mul3A_467 : i32 to index
          %get3A_472 = tpu.vector_load %arg10[%get3A] {strides = array<i32>} : memref<512xi32, #tpu.memory_space<vmem>>, vector<16xi32>,
          %get3A_473 = arith.index_cast %mul3A_467 : i32 to index
          %get3A_474 = tpu.vector_load %arg13[%get3A_473] {strides = array<i32>} : memref<512xi32, #tpu.memory_space<vmem>>, vector<16xi32>,
          %ge3A = arith.constant 0 : i32
          %ge3A_475 = vector.broadcast %ge3A : i32 to vector<16xi32>
          %ge3A_476 = arith.cmpi sge, %get3A_474, %ge3A_475 : vector<16xi32>
          %lt3A = arith.constant 512 : i32
          %lt3A_477 = vector.broadcast %lt3A : i32 to vector<16xi32>
          %lt3A_478 = arith.cmpi slt, %get3A_474, %lt3A_477 : vector<16xi32>
          %and3A = arith.andi %ge3A_476, %lt3A_478 : vector<16xi1>
          %mul3A_479 = arith.constant 16 : i32
          %mul3A_480 = arith.muli %scan3A_464, %mul3A_479 : i32
          %add3A_481 = arith.constant 3584 : i32
          %add3A_482 = arith.addi %mul3A_480, %add3A_481 : i32
          %and3A_483 = arith.constant 511 : i32
          %and3A_484 = arith.andi %add3A_482, %and3A_483 : i32
          %shift_right_arithmetic3A = arith.constant 7 : i32
          %shift_right_arithmetic3A_485 = arith.shrsi %and3A_484, %shift_right_arithmetic3A : i32
          %shift_left3A = arith.constant 10 : i32
          %shift_left3A_486 = arith.shli %shift_right_arithmetic3A_485, %shift_left3A : i32
          %shift_right_arithmetic3A_487 = arith.constant 9 : i32
          %shift_right_arithmetic3A_488 = arith.shrsi %add3A_482, %shift_right_arithmetic3A_487 : i32
          %and3A_489 = arith.constant 7 : i32
          %and3A_490 = arith.andi %shift_right_arithmetic3A_488, %and3A_489 : i32
          %shift_left3A_491 = arith.constant 7 : i32
          %shift_left3A_492 = arith.shli %and3A_490, %shift_left3A_491 : i32
          %add3A_493 = arith.addi %shift_left3A_486, %shift_left3A_492 : i32
          %and3A_494 = arith.constant 127 : i32
          %and3A_495 = arith.andi %and3A_484, %and3A_494 : i32
          %add3A_496 = arith.addi %add3A_493, %and3A_495 : i32
          %gather3A = tpu.vector_load_idx %arg18[%add3A_471, %get3A_472] : memref<512x8xf32, #tpu.memory_space<vmem>>[vector<16xi32>, vector<16xi32>], vector<16xf32>,
          %jit3A = arith.constant 0.000000e+00 : f32
          %broadcast_in_dim3A = vector.broadcast %jit3A : f32 to vector<16xf32>
          %select_n3A = arith.select %and3A, %gather3A, %broadcast_in_dim3A : vector<16xi1>, vector<16xf32>
          %swap3A = arith.index_cast %add3A_496 : i32 to index
          %swap3A_497 = tpu.vector_load %arg24[%swap3A] {strides = array<i32>} : memref<4096xf32, #tpu.memory_space<vmem>>, vector<16xf32>,
          tpu.vector_store %arg24[%swap3A], %select_n3A {strides = array<i32>} : memref<4096xf32, #tpu.memory_space<vmem>>, vector<16xf32>,
          %gather3A_498 = tpu.vector_load_idx %arg19[%add3A_471, %get3A_472] : memref<512x8xf32, #tpu.memory_space<vmem>>[vector<16xi32>, vector<16xi32>], vector<16xf32>,
          %jit3A_499 = arith.constant 0.000000e+00 : f32
          %broadcast_in_dim3A_500 = vector.broadcast %jit3A_499 : f32 to vector<16xf32>
          %select_n3A_501 = arith.select %and3A, %gather3A_498, %broadcast_in_dim3A_500 : vector<16xi1>, vector<16xf32>
          %swap3A_502 = arith.index_cast %add3A_496 : i32 to index
          %swap3A_503 = tpu.vector_load %arg25[%swap3A_502] {strides = array<i32>} : memref<4096xf32, #tpu.memory_space<vmem>>, vector<16xf32>,
          tpu.vector_store %arg25[%swap3A_502], %select_n3A_501 {strides = array<i32>} : memref<4096xf32, #tpu.memory_space<vmem>>, vector<16xf32>,
          %gather3A_504 = tpu.vector_load_idx %arg20[%add3A_471, %get3A_472] : memref<512x8xf32, #tpu.memory_space<vmem>>[vector<16xi32>, vector<16xi32>], vector<16xf32>,
          %jit3A_505 = arith.constant 0.000000e+00 : f32
          %broadcast_in_dim3A_506 = vector.broadcast %jit3A_505 : f32 to vector<16xf32>
          %select_n3A_507 = arith.select %and3A, %gather3A_504, %broadcast_in_dim3A_506 : vector<16xi1>, vector<16xf32>
          %swap3A_508 = arith.index_cast %add3A_496 : i32 to index
          %swap3A_509 = tpu.vector_load %arg26[%swap3A_508] {strides = array<i32>} : memref<4096xf32, #tpu.memory_space<vmem>>, vector<16xf32>,
          tpu.vector_store %arg26[%swap3A_508], %select_n3A_507 {strides = array<i32>} : memref<4096xf32, #tpu.memory_space<vmem>>, vector<16xf32>,
          %scan3A_510 = arith.constant 0 : i32
          scf.yield %scan3A_510 : i32
        }
        %scan3A_452 = arith.constant 32 : i32
        %dma_start3A_453 = tpu.memref_slice %arg4[%mul3A_42] : memref<6291456xf32, #tpu.memory_space<hbm>> -> memref<4096xf32, #tpu.memory_space<hbm>>
        %dma_start3A_454 = tpu.memref_slice %arg4[%mul3A_42] : memref<6291456xf32, #tpu.memory_space<hbm>> -> memref<4096xf32, #tpu.memory_space<hbm>>
        tpu.enqueue_dma source(%arg24 : memref<4096xf32, #tpu.memory_space<vmem>>) target(%dma_start3A_454 : memref<4096xf32, #tpu.memory_space<hbm>>) target_semaphore(%arg37 : memref<!tpu.dma_semaphore, #tpu.memory_space<semaphore_mem>>)
        %add3A_455 = arith.constant 262144 : i32
        %add3A_456 = arith.addi %mul3A_42, %add3A_455 : i32
        %dma_start3A_457 = tpu.memref_slice %arg4[%add3A_456] : memref<6291456xf32, #tpu.memory_space<hbm>> -> memref<4096xf32, #tpu.memory_space<hbm>>
        %dma_start3A_458 = tpu.memref_slice %arg4[%add3A_456] : memref<6291456xf32, #tpu.memory_space<hbm>> -> memref<4096xf32, #tpu.memory_space<hbm>>
        tpu.enqueue_dma source(%arg25 : memref<4096xf32, #tpu.memory_space<vmem>>) target(%dma_start3A_458 : memref<4096xf32, #tpu.memory_space<hbm>>) target_semaphore(%arg38 : memref<!tpu.dma_semaphore, #tpu.memory_space<semaphore_mem>>)
        %add3A_459 = arith.constant 524288 : i32
        %add3A_460 = arith.addi %mul3A_42, %add3A_459 : i32
        %dma_start3A_461 = tpu.memref_slice %arg4[%add3A_460] : memref<6291456xf32, #tpu.memory_space<hbm>> -> memref<4096xf32, #tpu.memory_space<hbm>>
        %dma_start3A_462 = tpu.memref_slice %arg4[%add3A_460] : memref<6291456xf32, #tpu.memory_space<hbm>> -> memref<4096xf32, #tpu.memory_space<hbm>>
        tpu.enqueue_dma source(%arg26 : memref<4096xf32, #tpu.memory_space<vmem>>) target(%dma_start3A_462 : memref<4096xf32, #tpu.memory_space<hbm>>) target_semaphore(%arg39 : memref<!tpu.dma_semaphore, #tpu.memory_space<semaphore_mem>>)
        %scan3A_463 = arith.constant 0 : i32
        scf.yield %scan3A_463 : i32
      }
      %scan3A_28 = arith.constant 4 : i32
      %barrier3A_29 = arith.constant 0 : index
      tpu.barrier barrier_id(%barrier3A_29)
      %scan3A_30 = arith.constant 0 : i32
      scf.yield %scan3A_30 : i32
    }
    %scan3A_5 = arith.constant 4 : i32
    %dma_wait3A = arith.constant 0 : i32
    %dma_wait3A_6 = tpu.memref_slice %arg4[%dma_wait3A] : memref<6291456xf32, #tpu.memory_space<hbm>> -> memref<4096xf32, #tpu.memory_space<hbm>>
    %dma_wait3A_7 = arith.constant 0 : i32
    %dma_wait3A_8 = tpu.memref_slice %arg4[%dma_wait3A_7] : memref<6291456xf32, #tpu.memory_space<hbm>> -> memref<4096xf32, #tpu.memory_space<hbm>>
    tpu.wait_dma2 semaphore(%arg37 : memref<!tpu.dma_semaphore, #tpu.memory_space<semaphore_mem>>) src(%arg24 : memref<4096xf32, #tpu.memory_space<vmem>>) dst(%dma_wait3A_8 : memref<4096xf32, #tpu.memory_space<hbm>>)
    %dma_wait3A_9 = arith.constant 0 : i32
    %dma_wait3A_10 = tpu.memref_slice %arg4[%dma_wait3A_9] : memref<6291456xf32, #tpu.memory_space<hbm>> -> memref<4096xf32, #tpu.memory_space<hbm>>
    %dma_wait3A_11 = arith.constant 0 : i32
    %dma_wait3A_12 = tpu.memref_slice %arg4[%dma_wait3A_11] : memref<6291456xf32, #tpu.memory_space<hbm>> -> memref<4096xf32, #tpu.memory_space<hbm>>
    tpu.wait_dma2 semaphore(%arg38 : memref<!tpu.dma_semaphore, #tpu.memory_space<semaphore_mem>>) src(%arg25 : memref<4096xf32, #tpu.memory_space<vmem>>) dst(%dma_wait3A_12 : memref<4096xf32, #tpu.memory_space<hbm>>)
    %dma_wait3A_13 = arith.constant 0 : i32
    %dma_wait3A_14 = tpu.memref_slice %arg4[%dma_wait3A_13] : memref<6291456xf32, #tpu.memory_space<hbm>> -> memref<4096xf32, #tpu.memory_space<hbm>>
    %dma_wait3A_15 = arith.constant 0 : i32
    %dma_wait3A_16 = tpu.memref_slice %arg4[%dma_wait3A_15] : memref<6291456xf32, #tpu.memory_space<hbm>> -> memref<4096xf32, #tpu.memory_space<hbm>>
    tpu.wait_dma2 semaphore(%arg39 : memref<!tpu.dma_semaphore, #tpu.memory_space<semaphore_mem>>) src(%arg26 : memref<4096xf32, #tpu.memory_space<vmem>>) dst(%dma_wait3A_16 : memref<4096xf32, #tpu.memory_space<hbm>>)
    return
  }
}

</mosaic_0001>

<sc_bundles>
// kernel: kernel.3.cloned.1.call-start
scs
__scs_entry_jumppad:
0x0: {  	(pc) =	sbr.rel $0x88, $3  }
0x1: {  	(tag) =	ssettag $0x0;
	lr =	simm.s32 $0x1  }
0x2: {  	[smem:$0x3F9F] =	sst lr;
	_ =	strace $0xD0000000  }
0x3: {  	_ = 	snop  }
0x4: {  	_ = 	snop  }
0x5: {  	_ = 	snop  }
0x6: {  	_ = 	snop  }
0x7: {  	_ = 	snop  }
__scs_overlays_trampoline_lowered:
0x8: {  	[smem:$0x3FAE] =	sst s0  }
0x9: {  	[smem:$0x3FAF] =	sst s1  }
0xa: {  	[smem:$0x3FB0] =	sst s2  }
0xb: {  	[smem:$0x3FB1] =	sst s3  }
0xc: {  	[smem:$0x3FB2] =	sst s4  }
0xd: {  	[smem:$0x3FB3] =	sst s5  }
0xe: {  	[smem:$0x3FB4] =	sst s6  }
0xf: {  	[smem:$0x3FB5] =	sst s7  }
0x10: {  	[smem:$0x3FB6] =	sst s8  }
0x11: {  	[smem:$0x3FB7] =	sst s9;
	s0 =	simm.s32 @!p0 $0x0  }
0x12: {  	s1 =	sld [smem:$0x3F9D];
	s0 =	simm.s32 @p0 $0x1  }
0x13: {  	[smem:$0x3FB8] =	sst s0;
	s0 =	simm.s32 @!p1 $0x0  }
0x14: {  	s2 =	sld [smem:$0x3F9C];
	s0 =	simm.s32 @p1 $0x1  }
0x15: {  	[smem:$0x3FB9] =	sst s0;
	s0 =	simm.s32 @!p2 $0x0  }
0x16: {  	s3 =	sld [smem:$0x3FDB];
	s0 =	simm.s32 @p2 $0x1  }
0x17: {  	s4 =	simm.s32 $0x1BF5;
	[smem:$0x3FBB] =	sst s0  }
0x18: {  	s0 =	sld [smem:$0x3F9E];
	_ =	swait.ge [sflag:s4], $0x0  }
0x19: {  	s7 =	sld [smem:$0x3F9F]  }
0x1a: {  	s8 =	sadd.s32 $0xFFFFE003, lr  }
0x1b: {  	s9 =	sadd.s32 $0xFFFFFEF7, lr;
	s5 =	simm.s32 $0xFFFFFFFF;
	p2 =	slt.u32 s8, $0xFFFFF086  }
0x1c: {  	p1 =	slt.u32 s9, $0xF7A;
	s5 =	simm.s32 @!p2 $0x0  }
0x1d: {  	s5 =	simm.s32 @p1 $0x1;
	p0 =	seq.s32 s7, s2  }
0x1e: {  	s7 =	smul.u32 @!p0 $0xF7A, s2;
	p2 =	seq.s32 @!p0 s5, $0x0  }
0x1f: {  	s9 =	smul.u32 $0xF7A, s1;
	s8 =	simm.s32 @!p0 $0x1BF5;
	p2 =	por !p2, p0  }
0x20: {  	[sflag:s8] =	ssyncset.s32 @!p0 $0xFFFFF086;
	s6 =	sadd.s32 @!p0 s3, s7;
	s7 =	simm.s32 @!p0 $0x108  }
0x21: {  	s3 =	sadd.s32 s3, s9;
	s6 =	sadd.s32 @!p0 $0x88, s6;
	s7 =	simm.s32 @p2 $0x1082  }
0x22: {  	[simem:s7], [sflag:s8] =	dma.local @!p0 [hbm:s6], $0xF7A  }
0x23: {  	s9 =	sor.u32 $0xD0000000, s2;
	s6 =	simm.s32 $0x108;
	_ =	swait.ge @!p0 [sflag:s8], $0x0  }
0x24: {  	s3 =	sadd.s32 $0x88, s3;
	s6 =	simm.s32 @!p1 $0x1082;
	[sflag:s4] =	ssyncset.s32 $0xFFFFF086  }
0x25: {  	[simem:s6], [sflag:s4] =	dma.local [hbm:s3], $0xF7A  }
0x26: {  	[smem:$0x3F9F] =	sst s1;
	(tag) =	ssettag s2;
	_ =	strace s9  }
0x27: {  	s1 =	sld [smem:$0x3FAF]  }
0x28: {  	s2 =	sld [smem:$0x3FB0]  }
0x29: {  	s4 =	sld [smem:$0x3FB2]  }
0x2a: {  	p0 =	seq.s32 s5, $0x0;
	s5 =	sld [smem:$0x3FB3]  }
0x2b: {  	s6 =	sld [smem:$0x3FB4]  }
0x2c: {  	s7 =	sld [smem:$0x3FB5]  }
0x2d: {  	s3 =	simm.s32 $0x108;
	s8 =	sld [smem:$0x3FB6]  }
0x2e: {  	s3 =	simm.s32 @!p0 $0x1082;
	s9 =	sld [smem:$0x3FB7]  }
0x2f: {  	lr =	sadd.s32 s0, s3;
	s0 =	sld [smem:$0x3FAE]  }
0x30: {  	s3 =	sld [smem:$0x3FB1]  }
0x31: {  	[smem:$0x3FBA] =	sst s10  }
0x32: {  	s10 =	sld [smem:$0x3FB8];
	_ =	sdelay $0x3  }
0x33: {  	p0 =	seq.s32 s10, $0x1;
	s10 =	sld [smem:$0x3FBA];
	_ =	sdelay $0x3  }
0x34: {  	[smem:$0x3FBA] =	sst s10  }
0x35: {  	s10 =	sld [smem:$0x3FB9];
	_ =	sdelay $0x3  }
0x36: {  	p1 =	seq.s32 s10, $0x1;
	s10 =	sld [smem:$0x3FBA];
	_ =	sdelay $0x3  }
0x37: {  	[smem:$0x3FBA] =	sst s10  }
0x38: {  	s10 =	sld [smem:$0x3FBB]  }
0x39: {  	_ = 	snop;
	(pc) =	sbr.ind lr, $3  }
0x3a: {  	_ = 	snop  }
0x3b: {  	_ = 	snop  }
0x3c: {  	p2 =	seq.s32 s10, $0x1;
	s10 =	sld [smem:$0x3FBA]  }
0x3d: {  	_ =	shalt  }
0x3e: {  	_ =	shalt  }
0x3f: {  	_ =	shalt  }
0x40: {  	_ =	shalt  }
0x41: {  	_ =	shalt  }
0x42: {  	_ =	shalt  }
0x43: {  	_ =	shalt  }
0x44: {  	_ =	shalt  }
0x45: {  	_ =	shalt  }
0x46: {  	_ =	shalt  }
0x47: {  	_ =	shalt  }
0x48: {  	_ =	shalt  }
0x49: {  	_ =	shalt  }
0x4a: {  	_ =	shalt  }
0x4b: {  	_ =	shalt  }
0x4c: {  	_ =	shalt  }
0x4d: {  	_ =	shalt  }
0x4e: {  	_ =	shalt  }
0x4f: {  	_ =	shalt  }
0x50: {  	_ =	shalt  }
0x51: {  	_ =	shalt  }
0x52: {  	_ =	shalt  }
0x53: {  	_ =	shalt  }
0x54: {  	_ =	shalt  }
0x55: {  	_ =	shalt  }
0x56: {  	_ =	shalt  }
0x57: {  	_ =	shalt  }
0x58: {  	_ =	shalt  }
0x59: {  	_ =	shalt  }
0x5a: {  	_ =	shalt  }
0x5b: {  	_ =	shalt  }
0x5c: {  	_ =	shalt  }
0x5d: {  	_ =	shalt  }
0x5e: {  	_ =	shalt  }
0x5f: {  	_ =	shalt  }
0x60: {  	_ =	shalt  }
0x61: {  	_ =	shalt  }
0x62: {  	_ =	shalt  }
0x63: {  	_ =	shalt  }
0x64: {  	_ =	shalt  }
0x65: {  	_ =	shalt  }
0x66: {  	_ =	shalt  }
0x67: {  	_ =	shalt  }
0x68: {  	_ =	shalt  }
0x69: {  	_ =	shalt  }
0x6a: {  	_ =	shalt  }
0x6b: {  	_ =	shalt  }
0x6c: {  	_ =	shalt  }
0x6d: {  	_ =	shalt  }
0x6e: {  	_ =	shalt  }
0x6f: {  	_ =	shalt  }
0x70: {  	_ =	shalt  }
0x71: {  	_ =	shalt  }
0x72: {  	_ =	shalt  }
0x73: {  	_ =	shalt  }
0x74: {  	_ =	shalt  }
0x75: {  	_ =	shalt  }
0x76: {  	_ =	shalt  }
0x77: {  	_ =	shalt  }
0x78: {  	_ =	shalt  }
0x79: {  	_ =	shalt  }
0x7a: {  	_ =	shalt  }
0x7b: {  	_ =	shalt  }
0x7c: {  	_ =	shalt  }
0x7d: {  	_ =	shalt  }
0x7e: {  	_ =	shalt  }
0x7f: {  	_ =	shalt  }
0x80: {  	_ =	shalt  }
0x81: {  	_ =	shalt  }
0x82: {  	_ =	shalt  }
0x83: {  	_ =	shalt  }
0x84: {  	_ =	shalt  }
0x85: {  	_ =	shalt  }
0x86: {  	_ =	shalt  }
0x87: {  	_ =	shalt  }
.Lfunc_end0:
.L_simem_size_0:
called_computation_lowered:
.L_overlay_start_0:
0x88: {  	s2 =	sld [smem:$0x3FD9]  }
0x89: {  	s3 =	sld [smem:$0x3FFE];
	_ =	sdelay $0x1  }
0x8a: {  	s1 =	srdreg.scid  }
0x8b: {  	s0 =	sand.u32 $0x1, s1  }
0x8c: {  	s18 =	sshll.u32 s0, $0xA;
	s2 =	sadd.s32 s3, s2  }
0x8d: {  	s2 =	sadd.s32 s2, s18  }
0x8e: {  	[smem:$0x3FC6] =	sst s2  }
0x8f: {  	_ = 	snop  }
0x90: {  	s2 =	sld [smem:$0x3FC9]  }
0x91: {  	s19 =	sld [smem:$0x3FC8]  }
0x92: {  	s4 =	sld [smem:$0x3FD0];
	(tm) =	ssettm $0x1  }
0x93: {  	s5 =	sld [smem:$0x3FFB];
	_ =	sdelay $0x3  }
0x94: {  	_ =	strace s5  }
0x95: {  	s5 =	sld [smem:$0x3FFC];
	_ =	sdelay $0x3  }
0x96: {  	_ =	strace s5  }
0x97: {  	s5 =	sld [smem:$0x3FFD];
	_ =	sdelay $0x3  }
0x98: {  	_ =	strace s5  }
0x99: {  	_ =	strace $0x8FFFFFFF  }
0x9a: {  	s20 =	sld [smem:$0x3FDB];
	_ =	sdelay $0x1  }
0x9b: {  	s6 =	simm.s32 $_scs_section_size  }
0x9c: {  	s7 =	simm.s32 $_size__tile_overlayer_lowered;
	s8 =	simm.s32 $_tile_overlayer_lowered  }
0x9d: {  	s23 =	simm.s32 $0x1BFF;
	s22 =	sshll.u32 s8, $0x1;
	s5 =	sadd.s32 s6, s20  }
0x9e: {  	s9 =	simm.s32 $0x0;
	s21 =	sshll.u32 s7, $0x1;
	s7 =	sadd.s32 s22, s5  }
0x9f: {  	[timem:s9], [sflag:s23] =	dma.local [hbm:s7], s21  }
0xa0: {  	_ =	swait.ge [sflag:s23], s21  }
0xa1: {  	s6 =	ssub.s32 $0x0, s21;
	[sflag:s23] =	ssyncset.done $0x0  }
0xa2: {  	[sflag:s23] =	ssyncadd.s32 s6;
	_ =	sdelay $0x1  }
0xa3: {  	s24 =	simm.s32 $0x1B8B  }
0xa4: {  	_ =	swait.ge [sflag:s24], $0x1  }
0xa5: {  	[sflag:s24] =	ssyncset.done $0x0  }
0xa6: {  	s25 =	simm.s32 $0x1B8E;
	[sflag:s24] =	ssyncadd.s32 $0xFFFFFFFF  }
0xa7: {  	s26 =	simm.s32 $execute0_lowered;
	[smem:$0x3FD2] =	sst s25  }
0xa8: {  	s6 =	sshll.u32 s26, $0x1;
	_ =	strace $0x80000046;
	[dreg:$0x1] =	wrdreg $0xFFFFFFFF  }
0xa9: {  	s28 =	simm.s32 $_size_execute0_lowered;
	s5 =	sadd.s32 s5, s6;
	[dreg:$0x0] =	wrdreg $0x0  }
0xaa: {  	s6 =	sshll.u32 s28, $0x1;
	[dreg:$0x2] =	wrdreg s5  }
0xab: {  	[dreg:$0x3] =	wrdreg s6  }
0xac: {  	[dreg:$0x4] =	wrdreg $0xC0  }
0xad: {  	_ =	task [dreg:s9], $0x5FFFF  }
0xae: {  	[dreg:$0x1] =	wrdreg $0xFFFFFFFF  }
0xaf: {  	[dreg:$0x0] =	wrdreg $0x60  }
0xb0: {  	[dreg:$0x2] =	wrdreg s2  }
0xb1: {  	[dreg:$0x3] =	wrdreg s19  }
0xb2: {  	[dreg:$0x4] =	wrdreg s4  }
0xb3: {  	[dreg:$0x5] =	wrdreg $0xF2000  }
0xb4: {  	[dreg:$0x6] =	wrdreg $0x9  }
0xb5: {  	_ =	task.clear_ibuf [dreg:s9], $0x7FFFF;
	_ =	strace $0x90000046  }
0xb6: {  	s29 =	simm.s32 $0x9;
	_ =	strace $0x80000048  }
0xb7: {  	_ =	swait.ge [sflag:s29], $0x1  }
0xb8: {  	[sflag:s29] =	ssyncadd.s32 $0xFFFFFFFF  }
0xb9: {  	_ =	strace $0x90000048  }
0xba: {  	_ =	sfence  }
0xbb: {  	s30 =	sld [smem:$0x0];
	_ =	sdelay $0x2  }
0xbc: {  	s31 =	sshll.u32 s1, $0xD;
	s1 =	sshrl.u32 s1, $0x2  }
0xbd: {  	s3 =	sand.u32 $0x4000, s31;
	s1 =	sadd.s32 s1, s30  }
0xbe: {  	s0 =	sor.u32 s3, s0;
	s1 =	sshll.u32 s1, $0x11  }
0xbf: {  	s0 =	sor.u32 s1, s0  }
0xc0: {  	s0 =	sadd.s32 $0x8F2B, s0  }
0xc1: {  	[sflag:s0] =	ssyncadd.remote.s32 $0x1  }
0xc2: {  	_ =	sfence.sel $0xFFFF  }
0xc3: {  	[dreg:$0x0] =	wrdreg $0xFFFFFFFF;
	(pc) =	sbr.abs _section_cstart, $3  }
0xc4: {  	[dreg:$0x1] =	wrdreg $0xFFFFFFFF  }
0xc5: {  	_ =	task.clear_ibuf [dreg:s9], $0x2FFFF;
	_ =	strace $0x9FFFFFFF  }
0xc6: {  	(tm) =	ssettm $0x7FFFFFFF  }
0xc7: {  	_ =	shalt  }
tec
execute0_lowered:
.L_overlay_start_1:
0x0: {  	(tag) =	ssettag $0x1  }
0x1: {  	s4 =	rddreg [dreg:$0x3]  }
0x2: {  	s0 =	srdreg.scid;
	s6 =	simm.s32 $0x0;
	s3 =	stileid.u32  }
0x3: {  	s13 =	simm.s32 $0x200;
	s14 =	simm.s32 $0x2000;
	s15 =	simm.s32 $0x3200  }
0x4: {  	s16 =	simm.s32 $0x4200;
	s17 =	simm.s32 $0x5200;
	s18 =	simm.s32 $0x2200  }
0x5: {  	s19 =	simm.s32 $0x6200;
	s20 =	simm.s32 $0x7200;
	s21 =	simm.s32 $0x8200  }
0x6: {  	s23 =	simm.s32 $0x9200;
	s24 =	simm.s32 $0xA200;
	s28 =	simm.s32 $0x2  }
0x7: {  	s29 =	simm.s32 $0x3;
	s30 =	simm.s32 $0x4;
	s31 =	simm.s32 $0x5  }
0x8: {  	s0 =	sand.u32 $0x1, s0;
	[smem:$0x7FF] =	sst s6;
	s25 =	sshll.u32 s3, $0x2  }
0x9: {  	s8 =	sadd.s32 $0x40000, s4;
	p0 =	sne.s32 s3, $0x0;
	s9 =	sadd.s32 $0x80000, s4  }
0xa: {  	s3 =	simm.s32 $0x0;
	s1 =	ssub.s32 $0x2, s0;
	_ =	strace $0x80000047  }
0xb: {  	s0 =	sshll.u32 s0, $0x2;
	[dreg:$0x6] =	wrdreg s25;
	s2 =	sshrl.u32 s1, $0x1  }
0xc: {  	[dreg:$0x5] =	wrdreg s0;
	s0 =	sshrl.u32 @!p0 s4, $0x3;
	s1 =	ssub.s32 s1, s2  }
0xd: {  	v0 =	vlaneseq.u32;
	s25 =	simm.s32 $0xB200;
	[dreg:$0x8] =	wrdreg s0;
	s26 =	smax.u32 s1, $0x1  }
0xe: {  	v0 =	vmul.u32 $0x8, v0;
	s0 =	simm.s32 $0x6;
	[dreg:$0x7] =	wrdreg s26;
	s26 =	simm.s32 $0x1  }
.LBB2_1:
0xf: {  	[dreg:$0x9] =	wrdreg s3;
	s10 =	simm.s32 $0x0  }
.LBB2_2:
0x10: {  	s1 =	rddreg [dreg:$0x5]  }
0x11: {  	s1 =	sadd.s32 s1, s10  }
0x12: {  	s3 =	smul.u32 @!p0 $0x18000, s1  }
0x13: {  	s2 =	rddreg [dreg:$0x1]  }
0x14: {  	s5 =	simm.s32 @!p0 $0x1C0D;
	s3 =	sadd.s32 @!p0 s2, s3;
	s2 =	rddreg [dreg:$0x8]  }
0x15: {  	[spmem:s2], [sflag:s5] =	dma.local @!p0 [hbm:s3], $0x18000  }
0x16: {  	s3 =	simm.s32 @!p0 $0xD  }
0x17: {  	_ =	swait.ge @!p0 [sflag:s3], $0x18000  }
0x18: {  	[sflag:s3] =	ssyncset.done @!p0 $0x0  }
0x19: {  	s12 =	smul.u32 $0xC0, s1;
	[sflag:s3] =	ssyncadd.s32 @!p0 $0xFFFE8000  }
0x1a: {  	[bflag:$0x0] =	sbarrier.arrive $0xFFFF  }
0x1b: {  	[dreg:$0xb] =	wrdreg s12  }
0x1c: {  	s1 =	sshll.u32 s1, $0x10;
	s22 =	rddreg [dreg:$0x0]  }
0x1d: {  	[dreg:$0xa] =	wrdreg s10;
	s1 =	sadd.s32 s22, s1  }
0x1e: {  	s7 =	simm.s32 $0x0;
	[dreg:$0xc] =	wrdreg s1  }
.LBB2_3:
0x1f: {  	s1 =	rddreg [dreg:$0x6]  }
0x20: {  	s1 =	sadd.s32 s1, s7  }
0x21: {  	s2 =	rddreg [dreg:$0xc];
	s3 =	sshll.u32 s1, $0xA  }
0x22: {  	s11 =	simm.s32 $0xE;
	s3 =	sadd.s32 s3, s2  }
0x23: {  	[tilespmem:s6], [sflag:$0xE] =	stream.linear.gather [hbm4b:s3+s6], $0x2000, $0x38;
	[tilespmem:$0x1B200] =	vst v63  }
0x24: {  	s12 =	sor.u32 s10, s7;
	_ =	swait.ge [sflag:s11], $0x2000  }
0x25: {  	p1 =	seq.s32 s12, $0x0;
	[sflag:s11] =	ssyncset.done $0x0  }
0x26: {  	s3 =	simm.s32 @!p1 $0xA;
	[sflag:s11] =	ssyncadd.s32 $0xFFFFE000  }
0x27: {  	_ =	swait.ge @!p1 [sflag:s3], $0x1000  }
0x28: {  	[sflag:s3] =	ssyncset.done @!p1 $0x0  }
0x29: {  	[sflag:s3] =	ssyncadd.s32 @!p1 $0xFFFFF000;
	s3 =	simm.s32 @!p1 $0xB  }
0x2a: {  	_ =	swait.ge @!p1 [sflag:s3], $0x1000  }
0x2b: {  	[sflag:s3] =	ssyncset.done @!p1 $0x0  }
0x2c: {  	[sflag:s3] =	ssyncadd.s32 @!p1 $0xFFFFF000;
	s3 =	simm.s32 @!p1 $0xC  }
0x2d: {  	s22 =	simm.s32 $0x0;
	_ =	swait.ge @!p1 [sflag:s3], $0x1000  }
0x2e: {  	s5 =	sand.u32 $0x300, s22;
	s2 =	sand.u32 $0x70, s22;
	[sflag:s3] =	ssyncset.done @!p1 $0x0  }
0x2f: {  	s5 =	sor.u32 s2, s5;
	[sflag:s3] =	ssyncadd.s32 @!p1 $0xFFFFF000  }
0x30: {  	v1 =	vld [tilespmem:s5+$0x0]  }
0x31: {  	v2 =	vld [tilespmem:s5+$0x80];
	_ =	sdelay $0x3  }
0x32: {  	v1 =	vadd.f32 $5.000000000e-01, v1  }
0x33: {  	v2 =	vadd.f32 $5.000000000e-01, v2  }
0x34: {  	v1 =	vtrunc.f32 v1  }
0x35: {  	v2 =	vtrunc.f32 v2;
	v1 =	vcvt.f32.s32 v1  }
0x36: {  	v2 =	vcvt.f32.s32 v2  }
0x37: {  	vm0 =	vgt.s32 v1, $0x0  }
0x38: {  	vm15 =	vgt.s32 v2, $0x0;
	v3 =	vnsel vm0, $0x0, v1  }
0x39: {  	v4 =	vnsel vm15, $0x0, v2;
	v3 =	vmin.u32 v3, $0x1FF  }
0x3a: {  	v4 =	vmin.u32 v4, $0x1FF;
	v5 =	vshll.u32 v3, $0x6  }
0x3b: {  	v6 =	vand.u32 $0x180, v4;
	v3 =	vshll.u32 v3, $0x4;
	v5 =	vand.u32 $0x7E00, v5  }
0x3c: {  	s10 =	simm.s32 $0x10;
	s6 =	rddreg [dreg:$0xb];
	v63 =	vshrl.u32 v4, $0x3;
	v3 =	vand.u32 $0x70, v3;
	v5 =	vor.u32 v6, v5  }
0x3d: {  	s12 =	simm.s32 $0x2000;
	s11 =	simm.s32 $0x2C00;
	s2 =	sadd.s32 s6, s1;
	v1 =	vor.u32 v1, v2;
	v2 =	vor.u32 v3, v5;
	v3 =	vand.u32 $0xF, v63  }
0x3e: {  	s3 =	simm.s32 $0x20;
	s1 =	sand.u32 $0x70, s10;
	s5 =	simm.s32 $0x2600;
	[tilespmem:s11+$0x0] =	vst v1;
	v1 =	vor.u32 v3, v2  }
0x3f: {  	s22 =	sand.u32 $0x300, s3;
	[dreg:$0xd] =	wrdreg s2;
	s2 =	sshll.u32 s2, $0xC;
	[tilespmem:s12+$0x0] =	vst v1;
	v1 =	vand.u32 $0x7, v4  }
0x40: {  	[dreg:$0xe] =	wrdreg s2;
	s1 =	sor.u32 s1, s22;
	s22 =	simm.s32 $0x20;
	[tilespmem:s5+$0x0] =	vst v1  }
.LBB2_4:
0x41: {  	p1 =	sne.s32 s22, $0x1F0;
	v1 =	vld [tilespmem:s1+$0x0]  }
0x42: {  	v2 =	vld [tilespmem:s1+$0x80];
	_ =	sdelay $0x3  }
0x43: {  	v1 =	vadd.f32 $5.000000000e-01, v1  }
0x44: {  	v2 =	vadd.f32 $5.000000000e-01, v2  }
0x45: {  	v1 =	vtrunc.f32 v1  }
0x46: {  	v1 =	vcvt.f32.s32 v1;
	v2 =	vtrunc.f32 v2  }
0x47: {  	v2 =	vcvt.f32.s32 v2  }
0x48: {  	vm0 =	vgt.s32 v1, $0x0  }
0x49: {  	v3 =	vnsel vm0, $0x0, v1;
	vm0 =	vgt.s32 v2, $0x0  }
0x4a: {  	v3 =	vmin.u32 v3, $0x1FF;
	v4 =	vnsel vm0, $0x0, v2  }
0x4b: {  	v4 =	vmin.u32 v4, $0x1FF;
	v5 =	vshll.u32 v3, $0x6  }
0x4c: {  	v3 =	vshll.u32 v3, $0x4;
	v5 =	vand.u32 $0x7E00, v5;
	v6 =	vand.u32 $0x180, v4  }
.Ltmp0:
0x4d: {  	v3 =	vand.u32 $0x70, v3;
	v5 =	vor.u32 v6, v5;
	v6 =	vshrl.u32 v4, $0x3;
	(pc) =	sbr.rel @p1 .LBB2_4-.Ltmp0, $4  }
0x4e: {  	s11 =	sadd.s32 $0x10, s11;
	v1 =	vor.u32 v1, v2;
	v2 =	vor.u32 v3, v5;
	v3 =	vand.u32 $0xF, v6  }
0x4f: {  	s3 =	sadd.s32 $0x20, s3;
	s12 =	sadd.s32 $0x10, s12;
	[tilespmem:s11+$0x0] =	vst v1;
	v1 =	vor.u32 v3, v2  }
0x50: {  	s10 =	sand.u32 $0x70, s22;
	s5 =	sadd.s32 $0x10, s5;
	s1 =	sand.u32 $0x300, s3;
	[tilespmem:s12+$0x0] =	vst v1;
	v1 =	vand.u32 $0x7, v4  }
0x51: {  	s22 =	sadd.s32 $0x10, s22;
	s1 =	sor.u32 s10, s1;
	[tilespmem:s5+$0x0] =	vst v1  }
0x52: {  	v1 =	vld [tilespmem:s1+$0x0]  }
0x53: {  	v2 =	vld [tilespmem:s1+$0x80];
	_ =	sdelay $0x3  }
0x54: {  	v1 =	vadd.f32 $5.000000000e-01, v1  }
0x55: {  	v2 =	vadd.f32 $5.000000000e-01, v2  }
0x56: {  	v1 =	vtrunc.f32 v1  }
0x57: {  	v2 =	vtrunc.f32 v2;
	v1 =	vcvt.f32.s32 v1  }
0x58: {  	v2 =	vcvt.f32.s32 v2  }
0x59: {  	vm0 =	vgt.s32 v1, $0x0  }
0x5a: {  	vm13 =	vgt.s32 v2, $0x0;
	v3 =	vnsel vm0, $0x0, v1  }
0x5b: {  	v4 =	vnsel vm13, $0x0, v2;
	v3 =	vmin.u32 v3, $0x1FF  }
0x5c: {  	v4 =	vmin.u32 v4, $0x1FF;
	v5 =	vshll.u32 v3, $0x6  }
0x5d: {  	v6 =	vand.u32 $0x180, v4;
	v3 =	vshll.u32 v3, $0x4;
	v5 =	vand.u32 $0x7E00, v5  }
0x5e: {  	v59 =	vshrl.u32 v4, $0x3;
	v3 =	vand.u32 $0x70, v3;
	v5 =	vor.u32 v6, v5  }
0x5f: {  	s6 =	sadd.s32 $0x10, s11;
	v1 =	vor.u32 v1, v2;
	v2 =	vor.u32 v3, v5;
	v3 =	vand.u32 $0xF, v59  }
0x60: {  	s10 =	sadd.s32 $0x10, s12;
	[tilespmem:s6+$0x0] =	vst v1;
	v1 =	vor.u32 v3, v2  }
0x61: {  	s11 =	sadd.s32 $0x10, s5;
	[tilespmem:s10+$0x0] =	vst v1;
	v1 =	vand.u32 $0x7, v4  }
0x62: {  	s12 =	simm.s32 $0x0;
	[tilespmem:s11+$0x0] =	vst v1  }
0x63: {  	[tilespmem:s15], [sflag:$0x1] =	stream.indirect.gather [spmem:s4], $0x8, s14, s13, $0xb8;
	[tilespmem:$0x1B200] =	vst v63  }
0x64: {  	s3 =	sand.u32 $0x300, s12;
	s1 =	sand.u32 $0x70, s12  }
0x65: {  	[tilespmem:s16], [sflag:$0x2] =	stream.indirect.gather [spmem:s8], $0x8, s14, s13, $0xb8;
	[tilespmem:$0x1B200] =	vst v63  }
0x66: {  	s1 =	sor.u32 s1, s3  }
0x67: {  	[tilespmem:s17], [sflag:$0x3] =	stream.indirect.gather [spmem:s9], $0x8, s14, s13, $0xb8;
	[tilespmem:$0x1B200] =	vst v63  }
0x68: {  	v1 =	vld [tilespmem:s1+$0x400]  }
0x69: {  	v2 =	vld [tilespmem:s1+$0x480];
	_ =	sdelay $0x3  }
0x6a: {  	v1 =	vadd.f32 $5.000000000e-01, v1  }
0x6b: {  	v2 =	vadd.f32 $5.000000000e-01, v2  }
0x6c: {  	v1 =	vtrunc.f32 v1  }
0x6d: {  	v2 =	vtrunc.f32 v2;
	v1 =	vcvt.f32.s32 v1  }
0x6e: {  	v2 =	vcvt.f32.s32 v2  }
0x6f: {  	vm14 =	vgt.s32 v1, $0x0  }
0x70: {  	vm15 =	vgt.s32 v2, $0x0;
	v3 =	vnsel vm14, $0x0, v1  }
0x71: {  	v60 =	vnsel vm15, $0x0, v2;
	v3 =	vmin.u32 v3, $0x1FF  }
0x72: {  	v4 =	vmin.u32 v60, $0x1FF;
	v61 =	vshll.u32 v3, $0x6  }
0x73: {  	v62 =	vand.u32 $0x180, v4;
	v3 =	vshll.u32 v3, $0x4;
	v5 =	vand.u32 $0x7E00, v61  }
0x74: {  	v63 =	vshrl.u32 v4, $0x3;
	v3 =	vand.u32 $0x70, v3;
	v5 =	vor.u32 v62, v5  }
0x75: {  	s11 =	simm.s32 $0x2E00;
	v1 =	vor.u32 v1, v2;
	v2 =	vor.u32 v3, v5;
	v3 =	vand.u32 $0xF, v63  }
0x76: {  	s22 =	simm.s32 $0x10;
	s12 =	simm.s32 $0x2200;
	s3 =	simm.s32 $0x20;
	[tilespmem:s11+$0x0] =	vst v1;
	v1 =	vor.u32 v3, v2  }
0x77: {  	s5 =	simm.s32 $0x2800;
	s10 =	sand.u32 $0x300, s3;
	s1 =	sand.u32 $0x70, s22;
	[tilespmem:s12+$0x0] =	vst v1;
	v1 =	vand.u32 $0x7, v4  }
0x78: {  	s22 =	simm.s32 $0x20;
	s1 =	sor.u32 s1, s10;
	[tilespmem:s5+$0x0] =	vst v1  }
.LBB2_6:
0x79: {  	p1 =	sne.s32 s22, $0x1F0;
	v1 =	vld [tilespmem:s1+$0x400]  }
0x7a: {  	v2 =	vld [tilespmem:s1+$0x480];
	_ =	sdelay $0x3  }
0x7b: {  	v1 =	vadd.f32 $5.000000000e-01, v1  }
0x7c: {  	v2 =	vadd.f32 $5.000000000e-01, v2  }
0x7d: {  	v1 =	vtrunc.f32 v1  }
0x7e: {  	v1 =	vcvt.f32.s32 v1;
	v2 =	vtrunc.f32 v2  }
0x7f: {  	v2 =	vcvt.f32.s32 v2  }
0x80: {  	vm0 =	vgt.s32 v1, $0x0  }
0x81: {  	v3 =	vnsel vm0, $0x0, v1;
	vm0 =	vgt.s32 v2, $0x0  }
0x82: {  	v3 =	vmin.u32 v3, $0x1FF;
	v4 =	vnsel vm0, $0x0, v2  }
0x83: {  	v4 =	vmin.u32 v4, $0x1FF;
	v5 =	vshll.u32 v3, $0x6  }
0x84: {  	v3 =	vshll.u32 v3, $0x4;
	v5 =	vand.u32 $0x7E00, v5;
	v6 =	vand.u32 $0x180, v4  }
.Ltmp1:
0x85: {  	v3 =	vand.u32 $0x70, v3;
	v5 =	vor.u32 v6, v5;
	v6 =	vshrl.u32 v4, $0x3;
	(pc) =	sbr.rel @p1 .LBB2_6-.Ltmp1, $4  }
0x86: {  	s11 =	sadd.s32 $0x10, s11;
	v1 =	vor.u32 v1, v2;
	v2 =	vor.u32 v3, v5;
	v3 =	vand.u32 $0xF, v6  }
0x87: {  	s3 =	sadd.s32 $0x20, s3;
	s12 =	sadd.s32 $0x10, s12;
	[tilespmem:s11+$0x0] =	vst v1;
	v1 =	vor.u32 v3, v2  }
0x88: {  	s10 =	sand.u32 $0x70, s22;
	s5 =	sadd.s32 $0x10, s5;
	s1 =	sand.u32 $0x300, s3;
	[tilespmem:s12+$0x0] =	vst v1;
	v1 =	vand.u32 $0x7, v4  }
0x89: {  	s22 =	sadd.s32 $0x10, s22;
	s1 =	sor.u32 s10, s1;
	[tilespmem:s5+$0x0] =	vst v1  }
0x8a: {  	v1 =	vld [tilespmem:s1+$0x400]  }
0x8b: {  	v2 =	vld [tilespmem:s1+$0x480];
	_ =	sdelay $0x3  }
0x8c: {  	v1 =	vadd.f32 $5.000000000e-01, v1  }
0x8d: {  	v2 =	vadd.f32 $5.000000000e-01, v2  }
0x8e: {  	v1 =	vtrunc.f32 v1  }
0x8f: {  	v2 =	vtrunc.f32 v2;
	v1 =	vcvt.f32.s32 v1  }
0x90: {  	v2 =	vcvt.f32.s32 v2  }
0x91: {  	vm0 =	vgt.s32 v1, $0x0  }
0x92: {  	vm13 =	vgt.s32 v2, $0x0;
	v3 =	vnsel vm0, $0x0, v1  }
0x93: {  	v4 =	vnsel vm13, $0x0, v2;
	v3 =	vmin.u32 v3, $0x1FF  }
0x94: {  	v4 =	vmin.u32 v4, $0x1FF;
	v5 =	vshll.u32 v3, $0x6  }
0x95: {  	v6 =	vand.u32 $0x180, v4;
	v3 =	vshll.u32 v3, $0x4;
	v5 =	vand.u32 $0x7E00, v5  }
0x96: {  	v59 =	vshrl.u32 v4, $0x3;
	v3 =	vand.u32 $0x70, v3;
	v5 =	vor.u32 v6, v5  }
0x97: {  	s6 =	sadd.s32 $0x10, s11;
	v1 =	vor.u32 v1, v2;
	v2 =	vor.u32 v3, v5;
	v3 =	vand.u32 $0xF, v59  }
0x98: {  	s10 =	sadd.s32 $0x10, s12;
	[tilespmem:s6+$0x0] =	vst v1;
	v1 =	vor.u32 v3, v2  }
0x99: {  	s11 =	sadd.s32 $0x10, s5;
	[tilespmem:s10+$0x0] =	vst v1;
	v1 =	vand.u32 $0x7, v4  }
0x9a: {  	s12 =	simm.s32 $0x0;
	[tilespmem:s11+$0x0] =	vst v1  }
0x9b: {  	[tilespmem:s19], [sflag:$0x4] =	stream.indirect.gather [spmem:s4], $0x8, s18, s13, $0xb8;
	[tilespmem:$0x1B200] =	vst v63  }
0x9c: {  	s3 =	sand.u32 $0x300, s12;
	s1 =	sand.u32 $0x70, s12  }
0x9d: {  	[tilespmem:s20], [sflag:$0x5] =	stream.indirect.gather [spmem:s8], $0x8, s18, s13, $0xb8;
	[tilespmem:$0x1B200] =	vst v63  }
0x9e: {  	s1 =	sor.u32 s1, s3  }
0x9f: {  	[tilespmem:s21], [sflag:$0x6] =	stream.indirect.gather [spmem:s9], $0x8, s18, s13, $0xb8;
	[tilespmem:$0x1B200] =	vst v63  }
0xa0: {  	v1 =	vld [tilespmem:s1+$0x800]  }
0xa1: {  	v2 =	vld [tilespmem:s1+$0x880];
	_ =	sdelay $0x3  }
0xa2: {  	v1 =	vadd.f32 $5.000000000e-01, v1  }
0xa3: {  	v2 =	vadd.f32 $5.000000000e-01, v2  }
0xa4: {  	v1 =	vtrunc.f32 v1  }
0xa5: {  	v2 =	vtrunc.f32 v2;
	v1 =	vcvt.f32.s32 v1  }
0xa6: {  	v2 =	vcvt.f32.s32 v2  }
0xa7: {  	vm14 =	vgt.s32 v1, $0x0  }
0xa8: {  	vm15 =	vgt.s32 v2, $0x0;
	v3 =	vnsel vm14, $0x0, v1  }
0xa9: {  	v60 =	vnsel vm15, $0x0, v2;
	v3 =	vmin.u32 v3, $0x1FF  }
0xaa: {  	v4 =	vmin.u32 v60, $0x1FF;
	v61 =	vshll.u32 v3, $0x6  }
0xab: {  	v62 =	vand.u32 $0x180, v4;
	v3 =	vshll.u32 v3, $0x4;
	v5 =	vand.u32 $0x7E00, v61  }
0xac: {  	v63 =	vshrl.u32 v4, $0x3;
	v3 =	vand.u32 $0x70, v3;
	v5 =	vor.u32 v62, v5  }
0xad: {  	s11 =	simm.s32 $0x3000;
	v1 =	vor.u32 v1, v2;
	v2 =	vor.u32 v3, v5;
	v3 =	vand.u32 $0xF, v63  }
0xae: {  	s22 =	simm.s32 $0x10;
	s12 =	simm.s32 $0x2400;
	s3 =	simm.s32 $0x20;
	[tilespmem:s11+$0x0] =	vst v1;
	v1 =	vor.u32 v3, v2  }
0xaf: {  	s5 =	simm.s32 $0x2A00;
	s10 =	sand.u32 $0x300, s3;
	s1 =	sand.u32 $0x70, s22;
	[tilespmem:s12+$0x0] =	vst v1;
	v1 =	vand.u32 $0x7, v4  }
0xb0: {  	s22 =	simm.s32 $0x20;
	s1 =	sor.u32 s1, s10;
	[tilespmem:s5+$0x0] =	vst v1  }
.LBB2_8:
0xb1: {  	p1 =	sne.s32 s22, $0x1F0;
	v1 =	vld [tilespmem:s1+$0x800]  }
0xb2: {  	v2 =	vld [tilespmem:s1+$0x880];
	_ =	sdelay $0x3  }
0xb3: {  	v1 =	vadd.f32 $5.000000000e-01, v1  }
0xb4: {  	v2 =	vadd.f32 $5.000000000e-01, v2  }
0xb5: {  	v1 =	vtrunc.f32 v1  }
0xb6: {  	v1 =	vcvt.f32.s32 v1;
	v2 =	vtrunc.f32 v2  }
0xb7: {  	v2 =	vcvt.f32.s32 v2  }
0xb8: {  	vm0 =	vgt.s32 v1, $0x0  }
0xb9: {  	v3 =	vnsel vm0, $0x0, v1;
	vm0 =	vgt.s32 v2, $0x0  }
0xba: {  	v3 =	vmin.u32 v3, $0x1FF;
	v4 =	vnsel vm0, $0x0, v2  }
0xbb: {  	v4 =	vmin.u32 v4, $0x1FF;
	v5 =	vshll.u32 v3, $0x6  }
0xbc: {  	v3 =	vshll.u32 v3, $0x4;
	v5 =	vand.u32 $0x7E00, v5;
	v6 =	vand.u32 $0x180, v4  }
.Ltmp2:
0xbd: {  	v3 =	vand.u32 $0x70, v3;
	v5 =	vor.u32 v6, v5;
	v6 =	vshrl.u32 v4, $0x3;
	(pc) =	sbr.rel @p1 .LBB2_8-.Ltmp2, $4  }
0xbe: {  	s11 =	sadd.s32 $0x10, s11;
	v1 =	vor.u32 v1, v2;
	v2 =	vor.u32 v3, v5;
	v3 =	vand.u32 $0xF, v6  }
0xbf: {  	s3 =	sadd.s32 $0x20, s3;
	s12 =	sadd.s32 $0x10, s12;
	[tilespmem:s11+$0x0] =	vst v1;
	v1 =	vor.u32 v3, v2  }
0xc0: {  	s10 =	sand.u32 $0x70, s22;
	s5 =	sadd.s32 $0x10, s5;
	s1 =	sand.u32 $0x300, s3;
	[tilespmem:s12+$0x0] =	vst v1;
	v1 =	vand.u32 $0x7, v4  }
0xc1: {  	s22 =	sadd.s32 $0x10, s22;
	s1 =	sor.u32 s10, s1;
	[tilespmem:s5+$0x0] =	vst v1  }
0xc2: {  	v1 =	vld [tilespmem:s1+$0x800]  }
0xc3: {  	v2 =	vld [tilespmem:s1+$0x880];
	_ =	sdelay $0x3  }
0xc4: {  	v1 =	vadd.f32 $5.000000000e-01, v1  }
0xc5: {  	v2 =	vadd.f32 $5.000000000e-01, v2  }
0xc6: {  	v1 =	vtrunc.f32 v1  }
0xc7: {  	v2 =	vtrunc.f32 v2;
	v1 =	vcvt.f32.s32 v1  }
0xc8: {  	v2 =	vcvt.f32.s32 v2  }
0xc9: {  	vm0 =	vgt.s32 v1, $0x0  }
0xca: {  	vm15 =	vgt.s32 v2, $0x0;
	v3 =	vnsel vm0, $0x0, v1  }
0xcb: {  	v4 =	vnsel vm15, $0x0, v2;
	v3 =	vmin.u32 v3, $0x1FF  }
0xcc: {  	v4 =	vmin.u32 v4, $0x1FF;
	v5 =	vshll.u32 v3, $0x6  }
0xcd: {  	v6 =	vand.u32 $0x180, v4;
	v3 =	vshll.u32 v3, $0x4;
	v5 =	vand.u32 $0x7E00, v5  }
0xce: {  	v63 =	vshrl.u32 v4, $0x3;
	v3 =	vand.u32 $0x70, v3;
	v5 =	vor.u32 v6, v5  }
0xcf: {  	s10 =	sadd.s32 $0x10, s11;
	v1 =	vor.u32 v1, v2;
	v2 =	vor.u32 v3, v5;
	v3 =	vand.u32 $0xF, v63  }
0xd0: {  	s11 =	sadd.s32 $0x10, s12;
	[tilespmem:s10+$0x0] =	vst v1;
	v1 =	vor.u32 v3, v2  }
0xd1: {  	s12 =	sadd.s32 $0x10, s5;
	[tilespmem:s11+$0x0] =	vst v1;
	v1 =	vand.u32 $0x7, v4  }
0xd2: {  	s22 =	simm.s32 $0x2400;
	[tilespmem:s12+$0x0] =	vst v1  }
0xd3: {  	[tilespmem:s23], [sflag:$0x7] =	stream.indirect.gather [spmem:s4], $0x8, s22, s13, $0xb8;
	[tilespmem:$0x1B200] =	vst v63  }
0xd4: {  	_ = 	snop  }
0xd5: {  	[tilespmem:s24], [sflag:$0x8] =	stream.indirect.gather [spmem:s8], $0x8, s22, s13, $0xb8;
	[tilespmem:$0x1B200] =	vst v63  }
0xd6: {  	_ = 	snop  }
0xd7: {  	[tilespmem:s25], [sflag:$0x9] =	stream.indirect.gather [spmem:s9], $0x8, s22, s13, $0xb8;
	[tilespmem:$0x1B200] =	vst v63  }
0xd8: {  	_ =	swait.ge [sflag:s26], $0x1000  }
0xd9: {  	[sflag:s26] =	ssyncset.done $0x0  }
0xda: {  	[sflag:s26] =	ssyncadd.s32 $0xFFFFF000  }
0xdb: {  	_ =	swait.ge [sflag:s28], $0x1000  }
0xdc: {  	[sflag:s28] =	ssyncset.done $0x0  }
0xdd: {  	s3 =	simm.s32 $0x0;
	[sflag:s28] =	ssyncadd.s32 $0xFFFFF000  }
0xde: {  	s5 =	simm.s32 $0x2C00;
	s1 =	simm.s32 $0x0;
	_ =	swait.ge [sflag:s29], $0x1000  }
0xdf: {  	s10 =	simm.s32 $0x0;
	s11 =	simm.s32 $0x2600;
	[sflag:s29] =	ssyncset.done $0x0  }
0xe0: {  	s12 =	simm.s32 $0x2C00;
	s22 =	simm.s32 $0x2600;
	[sflag:s29] =	ssyncadd.s32 $0xFFFFF000  }
.LBB2_10:
0xe1: {  	v1 =	vld [tilespmem:s22+$0x0];
	_ =	sdelay $0x2  }
0xe2: {  	v2 =	vmov s1  }
0xe3: {  	v2 =	vshll.u32 v2, $0x3  }
0xe4: {  	v2 =	vor.u32 v0, v2;
	v3 =	vand.u32 $0xFFFFFFF8, v1  }
0xe5: {  	v1 =	vand.u32 $0x7, v1;
	v2 =	vadd.s32 v2, v3  }
0xe6: {  	v1 =	vor.u32 v1, v2;
	_ =	sdelay $0x3  }
0xe7: {  	v2 =	vld [tilespmem:s5+$0x0]  }
0xe8: {  	v3 =	vld.idx.msk [tilespmem:v1+s15+$0x0], $0xffff;
	_ =	sdelay $0x3  }
0xe9: {  	s2 =	sand.u32 $0xC00, s10;
	s6 =	sand.u32 $0x70, s1;
	vm0 =	vlt.u32 v2, $0x200  }
0xea: {  	s2 =	sor.u32 s6, s2;
	v2 =	vnsel vm0, $0x0, v3  }
0xeb: {  	[tilespmem:s2+$0xC200] =	vst v2  }
0xec: {  	v2 =	vld.idx.msk [tilespmem:v1+s16+$0x0], $0xffff;
	_ =	sdelay $0x4  }
0xed: {  	v2 =	vnsel vm0, $0x0, v2  }
0xee: {  	[tilespmem:s2+$0xD200] =	vst v2  }
0xef: {  	v1 =	vld.idx.msk [tilespmem:v1+s17+$0x0], $0xffff  }
0xf0: {  	p1 =	sne.s32 s1, $0x1F0  }
.Ltmp3:
0xf1: {  	_ = 	snop;
	(pc) =	sbr.rel @p1 .LBB2_10-.Ltmp3, $3  }
0xf2: {  	_ =	sdelay $0x1  }
0xf3: {  	s10 =	sadd.s32 $0x80, s10;
	v1 =	vnsel vm0, $0x0, v1  }
0xf4: {  	s22 =	sadd.s32 $0x10, s22;
	s1 =	sadd.s32 $0x10, s1;
	s5 =	sadd.s32 $0x10, s5;
	[tilespmem:s2+$0xE200] =	vst v1  }
0xf5: {  	s1 =	sand.u32 $0x300, s3;
	s2 =	sand.u32 $0x70, s3  }
0xf6: {  	s1 =	sor.u32 s2, s1  }
0xf7: {  	v1 =	vld [tilespmem:s1+$0xC00]  }
0xf8: {  	v2 =	vld [tilespmem:s1+$0xC80];
	_ =	sdelay $0x3  }
0xf9: {  	v1 =	vadd.f32 $5.000000000e-01, v1  }
0xfa: {  	v2 =	vadd.f32 $5.000000000e-01, v2  }
0xfb: {  	v1 =	vtrunc.f32 v1  }
0xfc: {  	v2 =	vtrunc.f32 v2;
	v1 =	vcvt.f32.s32 v1  }
0xfd: {  	v2 =	vcvt.f32.s32 v2  }
0xfe: {  	vm0 =	vgt.s32 v1, $0x0  }
0xff: {  	vm15 =	vgt.s32 v2, $0x0;
	v3 =	vnsel vm0, $0x0, v1  }
0x100: {  	v4 =	vnsel vm15, $0x0, v2;
	v3 =	vmin.u32 v3, $0x1FF  }
0x101: {  	v4 =	vmin.u32 v4, $0x1FF;
	v5 =	vshll.u32 v3, $0x6  }
0x102: {  	v6 =	vand.u32 $0x180, v4;
	v3 =	vshll.u32 v3, $0x4;
	v5 =	vand.u32 $0x7E00, v5  }
0x103: {  	v63 =	vshrl.u32 v4, $0x3;
	v3 =	vand.u32 $0x70, v3;
	v5 =	vor.u32 v6, v5  }
0x104: {  	v1 =	vor.u32 v1, v2;
	v2 =	vor.u32 v3, v5;
	v3 =	vand.u32 $0xF, v63  }
0x105: {  	s5 =	simm.s32 $0x2000;
	s10 =	simm.s32 $0x10;
	s3 =	simm.s32 $0x20;
	[tilespmem:s12+$0x0] =	vst v1;
	v1 =	vor.u32 v3, v2  }
0x106: {  	s22 =	sand.u32 $0x300, s3;
	s1 =	sand.u32 $0x70, s10;
	[tilespmem:s5+$0x0] =	vst v1;
	v1 =	vand.u32 $0x7, v4  }
0x107: {  	s1 =	sor.u32 s1, s22;
	s22 =	simm.s32 $0x20;
	[tilespmem:s11+$0x0] =	vst v1  }
.LBB2_12:
0x108: {  	p1 =	sne.s32 s22, $0x1F0;
	v1 =	vld [tilespmem:s1+$0xC00]  }
0x109: {  	v2 =	vld [tilespmem:s1+$0xC80];
	_ =	sdelay $0x3  }
0x10a: {  	v1 =	vadd.f32 $5.000000000e-01, v1  }
0x10b: {  	v2 =	vadd.f32 $5.000000000e-01, v2  }
0x10c: {  	v1 =	vtrunc.f32 v1  }
0x10d: {  	v1 =	vcvt.f32.s32 v1;
	v2 =	vtrunc.f32 v2  }
0x10e: {  	v2 =	vcvt.f32.s32 v2  }
0x10f: {  	vm0 =	vgt.s32 v1, $0x0  }
0x110: {  	v3 =	vnsel vm0, $0x0, v1;
	vm0 =	vgt.s32 v2, $0x0  }
0x111: {  	v3 =	vmin.u32 v3, $0x1FF;
	v4 =	vnsel vm0, $0x0, v2  }
0x112: {  	v4 =	vmin.u32 v4, $0x1FF;
	v5 =	vshll.u32 v3, $0x6  }
0x113: {  	v3 =	vshll.u32 v3, $0x4;
	v5 =	vand.u32 $0x7E00, v5;
	v6 =	vand.u32 $0x180, v4  }
.Ltmp4:
0x114: {  	v3 =	vand.u32 $0x70, v3;
	v5 =	vor.u32 v6, v5;
	v6 =	vshrl.u32 v4, $0x3;
	(pc) =	sbr.rel @p1 .LBB2_12-.Ltmp4, $4  }
0x115: {  	s12 =	sadd.s32 $0x10, s12;
	v1 =	vor.u32 v1, v2;
	v2 =	vor.u32 v3, v5;
	v3 =	vand.u32 $0xF, v6  }
0x116: {  	s3 =	sadd.s32 $0x20, s3;
	s5 =	sadd.s32 $0x10, s5;
	[tilespmem:s12+$0x0] =	vst v1;
	v1 =	vor.u32 v3, v2  }
0x117: {  	s2 =	sand.u32 $0x70, s22;
	s11 =	sadd.s32 $0x10, s11;
	s1 =	sand.u32 $0x300, s3;
	[tilespmem:s5+$0x0] =	vst v1;
	v1 =	vand.u32 $0x7, v4  }
0x118: {  	s22 =	sadd.s32 $0x10, s22;
	s1 =	sor.u32 s2, s1;
	[tilespmem:s11+$0x0] =	vst v1  }
0x119: {  	v1 =	vld [tilespmem:s1+$0xC00]  }
0x11a: {  	v2 =	vld [tilespmem:s1+$0xC80];
	_ =	sdelay $0x3  }
0x11b: {  	v1 =	vadd.f32 $5.000000000e-01, v1  }
0x11c: {  	v2 =	vadd.f32 $5.000000000e-01, v2  }
0x11d: {  	v1 =	vtrunc.f32 v1  }
0x11e: {  	v2 =	vtrunc.f32 v2;
	v1 =	vcvt.f32.s32 v1  }
0x11f: {  	v2 =	vcvt.f32.s32 v2  }
0x120: {  	vm0 =	vgt.s32 v1, $0x0  }
0x121: {  	vm15 =	vgt.s32 v2, $0x0;
	v3 =	vnsel vm0, $0x0, v1  }
0x122: {  	v4 =	vnsel vm15, $0x0, v2;
	v3 =	vmin.u32 v3, $0x1FF  }
0x123: {  	v4 =	vmin.u32 v4, $0x1FF;
	v5 =	vshll.u32 v3, $0x6  }
0x124: {  	v6 =	vand.u32 $0x180, v4;
	v3 =	vshll.u32 v3, $0x4;
	v5 =	vand.u32 $0x7E00, v5  }
0x125: {  	v63 =	vshrl.u32 v4, $0x3;
	v3 =	vand.u32 $0x70, v3;
	v5 =	vor.u32 v6, v5  }
0x126: {  	s10 =	sadd.s32 $0x10, s12;
	v1 =	vor.u32 v1, v2;
	v2 =	vor.u32 v3, v5;
	v3 =	vand.u32 $0xF, v63  }
0x127: {  	s12 =	sadd.s32 $0x10, s5;
	[tilespmem:s10+$0x0] =	vst v1;
	v1 =	vor.u32 v3, v2  }
0x128: {  	s22 =	sadd.s32 $0x10, s11;
	[tilespmem:s12+$0x0] =	vst v1;
	v1 =	vand.u32 $0x7, v4  }
0x129: {  	[tilespmem:s22+$0x0] =	vst v1  }
0x12a: {  	[tilespmem:s15], [sflag:$0x1] =	stream.indirect.gather [spmem:s4], $0x8, s14, s13, $0xb8;
	[tilespmem:$0x1B200] =	vst v63  }
0x12b: {  	_ = 	snop  }
0x12c: {  	[tilespmem:s16], [sflag:$0x2] =	stream.indirect.gather [spmem:s8], $0x8, s14, s13, $0xb8;
	[tilespmem:$0x1B200] =	vst v63  }
0x12d: {  	_ = 	snop  }
0x12e: {  	[tilespmem:s17], [sflag:$0x3] =	stream.indirect.gather [spmem:s9], $0x8, s14, s13, $0xb8;
	[tilespmem:$0x1B200] =	vst v63  }
0x12f: {  	_ =	swait.ge [sflag:s30], $0x1000  }
0x130: {  	[sflag:s30] =	ssyncset.done $0x0  }
0x131: {  	[sflag:s30] =	ssyncadd.s32 $0xFFFFF000  }
0x132: {  	_ =	swait.ge [sflag:s31], $0x1000  }
0x133: {  	[sflag:s31] =	ssyncset.done $0x0  }
0x134: {  	s3 =	simm.s32 $0x0;
	[sflag:s31] =	ssyncadd.s32 $0xFFFFF000  }
0x135: {  	s11 =	simm.s32 $0x2800;
	s5 =	simm.s32 $0x2E00;
	_ =	swait.ge [sflag:s0], $0x1000  }
0x136: {  	s1 =	simm.s32 $0x0;
	s10 =	simm.s32 $0x0;
	[sflag:s0] =	ssyncset.done $0x0  }
0x137: {  	s12 =	simm.s32 $0x2E00;
	s22 =	simm.s32 $0x2800;
	[sflag:s0] =	ssyncadd.s32 $0xFFFFF000  }
.LBB2_14:
0x138: {  	v1 =	vld [tilespmem:s22+$0x0];
	_ =	sdelay $0x2  }
0x139: {  	v2 =	vmov s1  }
0x13a: {  	v2 =	vshll.u32 v2, $0x3  }
0x13b: {  	v2 =	vor.u32 v0, v2;
	v3 =	vand.u32 $0xFFFFFFF8, v1  }
0x13c: {  	v1 =	vand.u32 $0x7, v1;
	v2 =	vadd.s32 v2, v3  }
0x13d: {  	v1 =	vor.u32 v1, v2;
	_ =	sdelay $0x3  }
0x13e: {  	v2 =	vld [tilespmem:s5+$0x0]  }
0x13f: {  	v3 =	vld.idx.msk [tilespmem:v1+s19+$0x0], $0xffff;
	_ =	sdelay $0x3  }
0x140: {  	s2 =	sand.u32 $0xC00, s10;
	s6 =	sand.u32 $0x70, s1;
	vm0 =	vlt.u32 v2, $0x200  }
0x141: {  	s2 =	sor.u32 s2, s6;
	v2 =	vnsel vm0, $0x0, v3  }
0x142: {  	[tilespmem:s2+$0xC280] =	vst v2  }
0x143: {  	v2 =	vld.idx.msk [tilespmem:v1+s20+$0x0], $0xffff;
	_ =	sdelay $0x4  }
0x144: {  	v2 =	vnsel vm0, $0x0, v2  }
0x145: {  	[tilespmem:s2+$0xD280] =	vst v2  }
0x146: {  	v1 =	vld.idx.msk [tilespmem:v1+s21+$0x0], $0xffff  }
0x147: {  	p1 =	sne.s32 s1, $0x1F0  }
.Ltmp5:
0x148: {  	_ = 	snop;
	(pc) =	sbr.rel @p1 .LBB2_14-.Ltmp5, $3  }
0x149: {  	_ =	sdelay $0x1  }
0x14a: {  	s10 =	sadd.s32 $0x80, s10;
	v1 =	vnsel vm0, $0x0, v1  }
0x14b: {  	s22 =	sadd.s32 $0x10, s22;
	s1 =	sadd.s32 $0x10, s1;
	s5 =	sadd.s32 $0x10, s5;
	[tilespmem:s2+$0xE280] =	vst v1  }
0x14c: {  	s1 =	sand.u32 $0x300, s3;
	s2 =	sand.u32 $0x70, s3  }
0x14d: {  	s1 =	sor.u32 s2, s1  }
0x14e: {  	v1 =	vld [tilespmem:s1+$0x1000]  }
0x14f: {  	v2 =	vld [tilespmem:s1+$0x1080];
	_ =	sdelay $0x3  }
0x150: {  	v1 =	vadd.f32 $5.000000000e-01, v1  }
0x151: {  	v2 =	vadd.f32 $5.000000000e-01, v2  }
0x152: {  	v1 =	vtrunc.f32 v1  }
0x153: {  	v2 =	vtrunc.f32 v2;
	v1 =	vcvt.f32.s32 v1  }
0x154: {  	v2 =	vcvt.f32.s32 v2  }
0x155: {  	vm0 =	vgt.s32 v1, $0x0  }
0x156: {  	vm15 =	vgt.s32 v2, $0x0;
	v3 =	vnsel vm0, $0x0, v1  }
0x157: {  	v4 =	vnsel vm15, $0x0, v2;
	v3 =	vmin.u32 v3, $0x1FF  }
0x158: {  	v4 =	vmin.u32 v4, $0x1FF;
	v5 =	vshll.u32 v3, $0x6  }
0x159: {  	v6 =	vand.u32 $0x180, v4;
	v3 =	vshll.u32 v3, $0x4;
	v5 =	vand.u32 $0x7E00, v5  }
0x15a: {  	v63 =	vshrl.u32 v4, $0x3;
	v3 =	vand.u32 $0x70, v3;
	v5 =	vor.u32 v6, v5  }
0x15b: {  	v1 =	vor.u32 v1, v2;
	v2 =	vor.u32 v3, v5;
	v3 =	vand.u32 $0xF, v63  }
0x15c: {  	s5 =	simm.s32 $0x2200;
	s10 =	simm.s32 $0x10;
	s3 =	simm.s32 $0x20;
	[tilespmem:s12+$0x0] =	vst v1;
	v1 =	vor.u32 v3, v2  }
0x15d: {  	s22 =	sand.u32 $0x300, s3;
	s1 =	sand.u32 $0x70, s10;
	[tilespmem:s5+$0x0] =	vst v1;
	v1 =	vand.u32 $0x7, v4  }
0x15e: {  	s1 =	sor.u32 s1, s22;
	s22 =	simm.s32 $0x20;
	[tilespmem:s11+$0x0] =	vst v1  }
.LBB2_16:
0x15f: {  	p1 =	sne.s32 s22, $0x1F0;
	v1 =	vld [tilespmem:s1+$0x1000]  }
0x160: {  	v2 =	vld [tilespmem:s1+$0x1080];
	_ =	sdelay $0x3  }
0x161: {  	v1 =	vadd.f32 $5.000000000e-01, v1  }
0x162: {  	v2 =	vadd.f32 $5.000000000e-01, v2  }
0x163: {  	v1 =	vtrunc.f32 v1  }
0x164: {  	v1 =	vcvt.f32.s32 v1;
	v2 =	vtrunc.f32 v2  }
0x165: {  	v2 =	vcvt.f32.s32 v2  }
0x166: {  	vm0 =	vgt.s32 v1, $0x0  }
0x167: {  	v3 =	vnsel vm0, $0x0, v1;
	vm0 =	vgt.s32 v2, $0x0  }
0x168: {  	v3 =	vmin.u32 v3, $0x1FF;
	v4 =	vnsel vm0, $0x0, v2  }
0x169: {  	v4 =	vmin.u32 v4, $0x1FF;
	v5 =	vshll.u32 v3, $0x6  }
0x16a: {  	v3 =	vshll.u32 v3, $0x4;
	v5 =	vand.u32 $0x7E00, v5;
	v6 =	vand.u32 $0x180, v4  }
.Ltmp6:
0x16b: {  	v3 =	vand.u32 $0x70, v3;
	v5 =	vor.u32 v6, v5;
	v6 =	vshrl.u32 v4, $0x3;
	(pc) =	sbr.rel @p1 .LBB2_16-.Ltmp6, $4  }
0x16c: {  	s12 =	sadd.s32 $0x10, s12;
	v1 =	vor.u32 v1, v2;
	v2 =	vor.u32 v3, v5;
	v3 =	vand.u32 $0xF, v6  }
0x16d: {  	s3 =	sadd.s32 $0x20, s3;
	s5 =	sadd.s32 $0x10, s5;
	[tilespmem:s12+$0x0] =	vst v1;
	v1 =	vor.u32 v3, v2  }
0x16e: {  	s2 =	sand.u32 $0x70, s22;
	s11 =	sadd.s32 $0x10, s11;
	s1 =	sand.u32 $0x300, s3;
	[tilespmem:s5+$0x0] =	vst v1;
	v1 =	vand.u32 $0x7, v4  }
0x16f: {  	s22 =	sadd.s32 $0x10, s22;
	s1 =	sor.u32 s2, s1;
	[tilespmem:s11+$0x0] =	vst v1  }
0x170: {  	v1 =	vld [tilespmem:s1+$0x1000]  }
0x171: {  	v2 =	vld [tilespmem:s1+$0x1080];
	_ =	sdelay $0x3  }
0x172: {  	v1 =	vadd.f32 $5.000000000e-01, v1  }
0x173: {  	v2 =	vadd.f32 $5.000000000e-01, v2  }
0x174: {  	v1 =	vtrunc.f32 v1  }
0x175: {  	v2 =	vtrunc.f32 v2;
	v1 =	vcvt.f32.s32 v1  }
0x176: {  	v2 =	vcvt.f32.s32 v2  }
0x177: {  	vm0 =	vgt.s32 v1, $0x0  }
0x178: {  	vm15 =	vgt.s32 v2, $0x0;
	v3 =	vnsel vm0, $0x0, v1  }
0x179: {  	v4 =	vnsel vm15, $0x0, v2;
	v3 =	vmin.u32 v3, $0x1FF  }
0x17a: {  	v4 =	vmin.u32 v4, $0x1FF;
	v5 =	vshll.u32 v3, $0x6  }
0x17b: {  	v6 =	vand.u32 $0x180, v4;
	v3 =	vshll.u32 v3, $0x4;
	v5 =	vand.u32 $0x7E00, v5  }
0x17c: {  	v63 =	vshrl.u32 v4, $0x3;
	v3 =	vand.u32 $0x70, v3;
	v5 =	vor.u32 v6, v5  }
0x17d: {  	s3 =	sadd.s32 $0x10, s12;
	v1 =	vor.u32 v1, v2;
	v2 =	vor.u32 v3, v5;
	v3 =	vand.u32 $0xF, v63  }
0x17e: {  	s6 =	sadd.s32 $0x10, s5;
	[tilespmem:s3+$0x0] =	vst v1;
	v1 =	vor.u32 v3, v2  }
0x17f: {  	s10 =	sadd.s32 $0x10, s11;
	[tilespmem:s6+$0x0] =	vst v1;
	v1 =	vand.u32 $0x7, v4  }
0x180: {  	[tilespmem:s10+$0x0] =	vst v1  }
0x181: {  	[tilespmem:s19], [sflag:$0x4] =	stream.indirect.gather [spmem:s4], $0x8, s18, s13, $0xb8;
	[tilespmem:$0x1B200] =	vst v63  }
0x182: {  	_ = 	snop  }
0x183: {  	[tilespmem:s20], [sflag:$0x5] =	stream.indirect.gather [spmem:s8], $0x8, s18, s13, $0xb8;
	[tilespmem:$0x1B200] =	vst v63  }
0x184: {  	s11 =	simm.s32 $0x7  }
0x185: {  	[tilespmem:s21], [sflag:$0x6] =	stream.indirect.gather [spmem:s9], $0x8, s18, s13, $0xb8;
	[tilespmem:$0x1B200] =	vst v63  }
0x186: {  	_ =	swait.ge [sflag:s11], $0x1000  }
0x187: {  	[sflag:s11] =	ssyncset.done $0x0  }
0x188: {  	s12 =	simm.s32 $0x8;
	[sflag:s11] =	ssyncadd.s32 $0xFFFFF000  }
0x189: {  	_ =	swait.ge [sflag:s12], $0x1000  }
0x18a: {  	[sflag:s12] =	ssyncset.done $0x0  }
0x18b: {  	s22 =	simm.s32 $0x9;
	s5 =	simm.s32 $0x3000;
	[sflag:s12] =	ssyncadd.s32 $0xFFFFF000  }
0x18c: {  	s1 =	simm.s32 $0x0;
	s3 =	simm.s32 $0x0;
	_ =	swait.ge [sflag:s22], $0x1000  }
0x18d: {  	s10 =	simm.s32 $0x0;
	s11 =	simm.s32 $0x2A00;
	[sflag:s22] =	ssyncset.done $0x0  }
0x18e: {  	s12 =	simm.s32 $0x3000;
	[sflag:s22] =	ssyncadd.s32 $0xFFFFF000;
	s22 =	simm.s32 $0x2A00  }
.LBB2_18:
0x18f: {  	v1 =	vld [tilespmem:s22+$0x0];
	_ =	sdelay $0x2  }
0x190: {  	v2 =	vmov s1  }
0x191: {  	v2 =	vshll.u32 v2, $0x3  }
0x192: {  	v2 =	vor.u32 v0, v2;
	v3 =	vand.u32 $0xFFFFFFF8, v1  }
0x193: {  	v1 =	vand.u32 $0x7, v1;
	v2 =	vadd.s32 v2, v3  }
0x194: {  	v1 =	vor.u32 v1, v2;
	_ =	sdelay $0x3  }
0x195: {  	v2 =	vld [tilespmem:s5+$0x0]  }
0x196: {  	v3 =	vld.idx.msk [tilespmem:v1+s23+$0x0], $0xffff;
	_ =	sdelay $0x3  }
0x197: {  	s2 =	sand.u32 $0xC00, s10;
	s6 =	sand.u32 $0x70, s1;
	vm0 =	vlt.u32 v2, $0x200  }
0x198: {  	s2 =	sor.u32 s2, s6;
	v2 =	vnsel vm0, $0x0, v3  }
0x199: {  	[tilespmem:s2+$0xC300] =	vst v2  }
0x19a: {  	v2 =	vld.idx.msk [tilespmem:v1+s24+$0x0], $0xffff;
	_ =	sdelay $0x4  }
0x19b: {  	v2 =	vnsel vm0, $0x0, v2  }
0x19c: {  	[tilespmem:s2+$0xD300] =	vst v2  }
0x19d: {  	v1 =	vld.idx.msk [tilespmem:v1+s25+$0x0], $0xffff  }
0x19e: {  	p1 =	sne.s32 s1, $0x1F0  }
.Ltmp7:
0x19f: {  	_ = 	snop;
	(pc) =	sbr.rel @p1 .LBB2_18-.Ltmp7, $3  }
0x1a0: {  	_ =	sdelay $0x1  }
0x1a1: {  	s10 =	sadd.s32 $0x80, s10;
	v1 =	vnsel vm0, $0x0, v1  }
0x1a2: {  	s22 =	sadd.s32 $0x10, s22;
	s1 =	sadd.s32 $0x10, s1;
	s5 =	sadd.s32 $0x10, s5;
	[tilespmem:s2+$0xE300] =	vst v1  }
0x1a3: {  	s1 =	sand.u32 $0x300, s3;
	s2 =	sand.u32 $0x70, s3  }
0x1a4: {  	s1 =	sor.u32 s2, s1  }
0x1a5: {  	v1 =	vld [tilespmem:s1+$0x1400]  }
0x1a6: {  	v2 =	vld [tilespmem:s1+$0x1480];
	_ =	sdelay $0x3  }
0x1a7: {  	v1 =	vadd.f32 $5.000000000e-01, v1  }
0x1a8: {  	v2 =	vadd.f32 $5.000000000e-01, v2  }
0x1a9: {  	v1 =	vtrunc.f32 v1  }
0x1aa: {  	v2 =	vtrunc.f32 v2;
	v1 =	vcvt.f32.s32 v1  }
0x1ab: {  	v2 =	vcvt.f32.s32 v2  }
0x1ac: {  	vm0 =	vgt.s32 v1, $0x0  }
0x1ad: {  	vm15 =	vgt.s32 v2, $0x0;
	v3 =	vnsel vm0, $0x0, v1  }
0x1ae: {  	v4 =	vnsel vm15, $0x0, v2;
	v3 =	vmin.u32 v3, $0x1FF  }
0x1af: {  	v4 =	vmin.u32 v4, $0x1FF;
	v5 =	vshll.u32 v3, $0x6  }
0x1b0: {  	v6 =	vand.u32 $0x180, v4;
	v3 =	vshll.u32 v3, $0x4;
	v5 =	vand.u32 $0x7E00, v5  }
0x1b1: {  	v63 =	vshrl.u32 v4, $0x3;
	v3 =	vand.u32 $0x70, v3;
	v5 =	vor.u32 v6, v5  }
0x1b2: {  	v1 =	vor.u32 v1, v2;
	v2 =	vor.u32 v3, v5;
	v3 =	vand.u32 $0xF, v63  }
0x1b3: {  	s5 =	simm.s32 $0x2400;
	s10 =	simm.s32 $0x10;
	s3 =	simm.s32 $0x20;
	[tilespmem:s12+$0x0] =	vst v1;
	v1 =	vor.u32 v3, v2  }
0x1b4: {  	s22 =	sand.u32 $0x300, s3;
	s1 =	sand.u32 $0x70, s10;
	[tilespmem:s5+$0x0] =	vst v1;
	v1 =	vand.u32 $0x7, v4  }
0x1b5: {  	s1 =	sor.u32 s1, s22;
	s22 =	simm.s32 $0x20;
	[tilespmem:s11+$0x0] =	vst v1  }
.LBB2_20:
0x1b6: {  	p1 =	sne.s32 s22, $0x1F0;
	v1 =	vld [tilespmem:s1+$0x1400]  }
0x1b7: {  	v2 =	vld [tilespmem:s1+$0x1480];
	_ =	sdelay $0x3  }
0x1b8: {  	v1 =	vadd.f32 $5.000000000e-01, v1  }
0x1b9: {  	v2 =	vadd.f32 $5.000000000e-01, v2  }
0x1ba: {  	v1 =	vtrunc.f32 v1  }
0x1bb: {  	v1 =	vcvt.f32.s32 v1;
	v2 =	vtrunc.f32 v2  }
0x1bc: {  	v2 =	vcvt.f32.s32 v2  }
0x1bd: {  	vm0 =	vgt.s32 v1, $0x0  }
0x1be: {  	v3 =	vnsel vm0, $0x0, v1;
	vm0 =	vgt.s32 v2, $0x0  }
0x1bf: {  	v3 =	vmin.u32 v3, $0x1FF;
	v4 =	vnsel vm0, $0x0, v2  }
0x1c0: {  	v4 =	vmin.u32 v4, $0x1FF;
	v5 =	vshll.u32 v3, $0x6  }
0x1c1: {  	v3 =	vshll.u32 v3, $0x4;
	v5 =	vand.u32 $0x7E00, v5;
	v6 =	vand.u32 $0x180, v4  }
.Ltmp8:
0x1c2: {  	v3 =	vand.u32 $0x70, v3;
	v5 =	vor.u32 v6, v5;
	v6 =	vshrl.u32 v4, $0x3;
	(pc) =	sbr.rel @p1 .LBB2_20-.Ltmp8, $4  }
0x1c3: {  	s12 =	sadd.s32 $0x10, s12;
	v1 =	vor.u32 v1, v2;
	v2 =	vor.u32 v3, v5;
	v3 =	vand.u32 $0xF, v6  }
0x1c4: {  	s3 =	sadd.s32 $0x20, s3;
	s5 =	sadd.s32 $0x10, s5;
	[tilespmem:s12+$0x0] =	vst v1;
	v1 =	vor.u32 v3, v2  }
0x1c5: {  	s2 =	sand.u32 $0x70, s22;
	s11 =	sadd.s32 $0x10, s11;
	s1 =	sand.u32 $0x300, s3;
	[tilespmem:s5+$0x0] =	vst v1;
	v1 =	vand.u32 $0x7, v4  }
0x1c6: {  	s22 =	sadd.s32 $0x10, s22;
	s1 =	sor.u32 s2, s1;
	[tilespmem:s11+$0x0] =	vst v1  }
0x1c7: {  	v1 =	vld [tilespmem:s1+$0x1400]  }
0x1c8: {  	v2 =	vld [tilespmem:s1+$0x1480];
	_ =	sdelay $0x3  }
0x1c9: {  	v1 =	vadd.f32 $5.000000000e-01, v1  }
0x1ca: {  	v2 =	vadd.f32 $5.000000000e-01, v2  }
0x1cb: {  	v1 =	vtrunc.f32 v1  }
0x1cc: {  	v2 =	vtrunc.f32 v2;
	v1 =	vcvt.f32.s32 v1  }
0x1cd: {  	v2 =	vcvt.f32.s32 v2  }
0x1ce: {  	vm0 =	vgt.s32 v1, $0x0  }
0x1cf: {  	vm15 =	vgt.s32 v2, $0x0;
	v3 =	vnsel vm0, $0x0, v1  }
0x1d0: {  	v4 =	vnsel vm15, $0x0, v2;
	v3 =	vmin.u32 v3, $0x1FF  }
0x1d1: {  	v4 =	vmin.u32 v4, $0x1FF;
	v5 =	vshll.u32 v3, $0x6  }
0x1d2: {  	v6 =	vand.u32 $0x180, v4;
	v3 =	vshll.u32 v3, $0x4;
	v5 =	vand.u32 $0x7E00, v5  }
0x1d3: {  	v63 =	vshrl.u32 v4, $0x3;
	v3 =	vand.u32 $0x70, v3;
	v5 =	vor.u32 v6, v5  }
0x1d4: {  	s6 =	sadd.s32 $0x10, s12;
	v1 =	vor.u32 v1, v2;
	v2 =	vor.u32 v3, v5;
	v3 =	vand.u32 $0xF, v63  }
0x1d5: {  	s10 =	sadd.s32 $0x10, s5;
	[tilespmem:s6+$0x0] =	vst v1;
	v1 =	vor.u32 v3, v2  }
0x1d6: {  	s12 =	sadd.s32 $0x10, s11;
	[tilespmem:s10+$0x0] =	vst v1;
	v1 =	vand.u32 $0x7, v4  }
0x1d7: {  	s22 =	simm.s32 $0x2400;
	[tilespmem:s12+$0x0] =	vst v1  }
0x1d8: {  	[tilespmem:s23], [sflag:$0x7] =	stream.indirect.gather [spmem:s4], $0x8, s22, s13, $0xb8;
	[tilespmem:$0x1B200] =	vst v63  }
0x1d9: {  	_ = 	snop  }
0x1da: {  	[tilespmem:s24], [sflag:$0x8] =	stream.indirect.gather [spmem:s8], $0x8, s22, s13, $0xb8;
	[tilespmem:$0x1B200] =	vst v63  }
0x1db: {  	_ = 	snop  }
0x1dc: {  	[tilespmem:s25], [sflag:$0x9] =	stream.indirect.gather [spmem:s9], $0x8, s22, s13, $0xb8;
	[tilespmem:$0x1B200] =	vst v63  }
0x1dd: {  	_ =	swait.ge [sflag:s26], $0x1000  }
0x1de: {  	[sflag:s26] =	ssyncset.done $0x0  }
0x1df: {  	[sflag:s26] =	ssyncadd.s32 $0xFFFFF000  }
0x1e0: {  	_ =	swait.ge [sflag:s28], $0x1000  }
0x1e1: {  	[sflag:s28] =	ssyncset.done $0x0  }
0x1e2: {  	s3 =	simm.s32 $0x0;
	[sflag:s28] =	ssyncadd.s32 $0xFFFFF000  }
0x1e3: {  	s11 =	simm.s32 $0x2600;
	s5 =	simm.s32 $0x2C00;
	_ =	swait.ge [sflag:s29], $0x1000  }
0x1e4: {  	s1 =	simm.s32 $0x0;
	s10 =	simm.s32 $0x0;
	[sflag:s29] =	ssyncset.done $0x0  }
0x1e5: {  	s12 =	simm.s32 $0x2C00;
	s22 =	simm.s32 $0x2600;
	[sflag:s29] =	ssyncadd.s32 $0xFFFFF000  }
.LBB2_22:
0x1e6: {  	v1 =	vld [tilespmem:s22+$0x0];
	_ =	sdelay $0x2  }
0x1e7: {  	v2 =	vmov s1  }
0x1e8: {  	v2 =	vshll.u32 v2, $0x3  }
0x1e9: {  	v2 =	vor.u32 v0, v2;
	v3 =	vand.u32 $0xFFFFFFF8, v1  }
0x1ea: {  	v1 =	vand.u32 $0x7, v1;
	v2 =	vadd.s32 v2, v3  }
0x1eb: {  	v1 =	vor.u32 v1, v2;
	_ =	sdelay $0x3  }
0x1ec: {  	v2 =	vld [tilespmem:s5+$0x0]  }
0x1ed: {  	v3 =	vld.idx.msk [tilespmem:v1+s15+$0x0], $0xffff;
	_ =	sdelay $0x2  }
0x1ee: {  	s2 =	sand.u32 $0xC00, s10  }
0x1ef: {  	s2 =	sor.u32 s2, s1;
	vm0 =	vlt.u32 v2, $0x200  }
0x1f0: {  	s2 =	sor.u32 $0x180, s2;
	v2 =	vnsel vm0, $0x0, v3  }
0x1f1: {  	[tilespmem:s2+$0xC200] =	vst v2  }
0x1f2: {  	v2 =	vld.idx.msk [tilespmem:v1+s16+$0x0], $0xffff;
	_ =	sdelay $0x4  }
0x1f3: {  	v2 =	vnsel vm0, $0x0, v2  }
0x1f4: {  	[tilespmem:s2+$0xD200] =	vst v2  }
0x1f5: {  	v1 =	vld.idx.msk [tilespmem:v1+s17+$0x0], $0xffff  }
0x1f6: {  	p1 =	sne.s32 s1, $0x1F0  }
.Ltmp9:
0x1f7: {  	_ = 	snop;
	(pc) =	sbr.rel @p1 .LBB2_22-.Ltmp9, $3  }
0x1f8: {  	_ =	sdelay $0x1  }
0x1f9: {  	s10 =	sadd.s32 $0x80, s10;
	v1 =	vnsel vm0, $0x0, v1  }
0x1fa: {  	s22 =	sadd.s32 $0x10, s22;
	s1 =	sadd.s32 $0x10, s1;
	s5 =	sadd.s32 $0x10, s5;
	[tilespmem:s2+$0xE200] =	vst v1  }
0x1fb: {  	s1 =	sand.u32 $0x300, s3;
	s2 =	sand.u32 $0x70, s3  }
0x1fc: {  	s1 =	sor.u32 s2, s1  }
0x1fd: {  	v1 =	vld [tilespmem:s1+$0x1800]  }
0x1fe: {  	v2 =	vld [tilespmem:s1+$0x1880];
	_ =	sdelay $0x3  }
0x1ff: {  	v1 =	vadd.f32 $5.000000000e-01, v1  }
0x200: {  	v2 =	vadd.f32 $5.000000000e-01, v2  }
0x201: {  	v1 =	vtrunc.f32 v1  }
0x202: {  	v2 =	vtrunc.f32 v2;
	v1 =	vcvt.f32.s32 v1  }
0x203: {  	v2 =	vcvt.f32.s32 v2  }
0x204: {  	vm0 =	vgt.s32 v1, $0x0  }
0x205: {  	vm15 =	vgt.s32 v2, $0x0;
	v3 =	vnsel vm0, $0x0, v1  }
0x206: {  	v4 =	vnsel vm15, $0x0, v2;
	v3 =	vmin.u32 v3, $0x1FF  }
0x207: {  	v4 =	vmin.u32 v4, $0x1FF;
	v5 =	vshll.u32 v3, $0x6  }
0x208: {  	v6 =	vand.u32 $0x180, v4;
	v3 =	vshll.u32 v3, $0x4;
	v5 =	vand.u32 $0x7E00, v5  }
0x209: {  	v63 =	vshrl.u32 v4, $0x3;
	v3 =	vand.u32 $0x70, v3;
	v5 =	vor.u32 v6, v5  }
0x20a: {  	v1 =	vor.u32 v1, v2;
	v2 =	vor.u32 v3, v5;
	v3 =	vand.u32 $0xF, v63  }
0x20b: {  	s5 =	simm.s32 $0x2000;
	s10 =	simm.s32 $0x10;
	s3 =	simm.s32 $0x20;
	[tilespmem:s12+$0x0] =	vst v1;
	v1 =	vor.u32 v3, v2  }
0x20c: {  	s22 =	sand.u32 $0x300, s3;
	s1 =	sand.u32 $0x70, s10;
	[tilespmem:s5+$0x0] =	vst v1;
	v1 =	vand.u32 $0x7, v4  }
0x20d: {  	s1 =	sor.u32 s1, s22;
	s22 =	simm.s32 $0x20;
	[tilespmem:s11+$0x0] =	vst v1  }
.LBB2_24:
0x20e: {  	p1 =	sne.s32 s22, $0x1F0;
	v1 =	vld [tilespmem:s1+$0x1800]  }
0x20f: {  	v2 =	vld [tilespmem:s1+$0x1880];
	_ =	sdelay $0x3  }
0x210: {  	v1 =	vadd.f32 $5.000000000e-01, v1  }
0x211: {  	v2 =	vadd.f32 $5.000000000e-01, v2  }
0x212: {  	v1 =	vtrunc.f32 v1  }
0x213: {  	v1 =	vcvt.f32.s32 v1;
	v2 =	vtrunc.f32 v2  }
0x214: {  	v2 =	vcvt.f32.s32 v2  }
0x215: {  	vm0 =	vgt.s32 v1, $0x0  }
0x216: {  	v3 =	vnsel vm0, $0x0, v1;
	vm0 =	vgt.s32 v2, $0x0  }
0x217: {  	v3 =	vmin.u32 v3, $0x1FF;
	v4 =	vnsel vm0, $0x0, v2  }
0x218: {  	v4 =	vmin.u32 v4, $0x1FF;
	v5 =	vshll.u32 v3, $0x6  }
0x219: {  	v3 =	vshll.u32 v3, $0x4;
	v5 =	vand.u32 $0x7E00, v5;
	v6 =	vand.u32 $0x180, v4  }
.Ltmp10:
0x21a: {  	v3 =	vand.u32 $0x70, v3;
	v5 =	vor.u32 v6, v5;
	v6 =	vshrl.u32 v4, $0x3;
	(pc) =	sbr.rel @p1 .LBB2_24-.Ltmp10, $4  }
0x21b: {  	s12 =	sadd.s32 $0x10, s12;
	v1 =	vor.u32 v1, v2;
	v2 =	vor.u32 v3, v5;
	v3 =	vand.u32 $0xF, v6  }
0x21c: {  	s3 =	sadd.s32 $0x20, s3;
	s5 =	sadd.s32 $0x10, s5;
	[tilespmem:s12+$0x0] =	vst v1;
	v1 =	vor.u32 v3, v2  }
0x21d: {  	s2 =	sand.u32 $0x70, s22;
	s11 =	sadd.s32 $0x10, s11;
	s1 =	sand.u32 $0x300, s3;
	[tilespmem:s5+$0x0] =	vst v1;
	v1 =	vand.u32 $0x7, v4  }
0x21e: {  	s22 =	sadd.s32 $0x10, s22;
	s1 =	sor.u32 s2, s1;
	[tilespmem:s11+$0x0] =	vst v1  }
0x21f: {  	v1 =	vld [tilespmem:s1+$0x1800]  }
0x220: {  	v2 =	vld [tilespmem:s1+$0x1880];
	_ =	sdelay $0x3  }
0x221: {  	v1 =	vadd.f32 $5.000000000e-01, v1  }
0x222: {  	v2 =	vadd.f32 $5.000000000e-01, v2  }
0x223: {  	v1 =	vtrunc.f32 v1  }
0x224: {  	v2 =	vtrunc.f32 v2;
	v1 =	vcvt.f32.s32 v1  }
0x225: {  	v2 =	vcvt.f32.s32 v2  }
0x226: {  	vm0 =	vgt.s32 v1, $0x0  }
0x227: {  	vm15 =	vgt.s32 v2, $0x0;
	v3 =	vnsel vm0, $0x0, v1  }
0x228: {  	v4 =	vnsel vm15, $0x0, v2;
	v3 =	vmin.u32 v3, $0x1FF  }
0x229: {  	v4 =	vmin.u32 v4, $0x1FF;
	v5 =	vshll.u32 v3, $0x6  }
0x22a: {  	v6 =	vand.u32 $0x180, v4;
	v3 =	vshll.u32 v3, $0x4;
	v5 =	vand.u32 $0x7E00, v5  }
0x22b: {  	v63 =	vshrl.u32 v4, $0x3;
	v3 =	vand.u32 $0x70, v3;
	v5 =	vor.u32 v6, v5  }
0x22c: {  	s10 =	sadd.s32 $0x10, s12;
	v1 =	vor.u32 v1, v2;
	v2 =	vor.u32 v3, v5;
	v3 =	vand.u32 $0xF, v63  }
0x22d: {  	s12 =	sadd.s32 $0x10, s5;
	[tilespmem:s10+$0x0] =	vst v1;
	v1 =	vor.u32 v3, v2  }
0x22e: {  	s22 =	sadd.s32 $0x10, s11;
	[tilespmem:s12+$0x0] =	vst v1;
	v1 =	vand.u32 $0x7, v4  }
0x22f: {  	[tilespmem:s22+$0x0] =	vst v1  }
0x230: {  	[tilespmem:s15], [sflag:$0x1] =	stream.indirect.gather [spmem:s4], $0x8, s14, s13, $0xb8;
	[tilespmem:$0x1B200] =	vst v63  }
0x231: {  	_ = 	snop  }
0x232: {  	[tilespmem:s16], [sflag:$0x2] =	stream.indirect.gather [spmem:s8], $0x8, s14, s13, $0xb8;
	[tilespmem:$0x1B200] =	vst v63  }
0x233: {  	_ = 	snop  }
0x234: {  	[tilespmem:s17], [sflag:$0x3] =	stream.indirect.gather [spmem:s9], $0x8, s14, s13, $0xb8;
	[tilespmem:$0x1B200] =	vst v63  }
0x235: {  	_ =	swait.ge [sflag:s30], $0x1000  }
0x236: {  	[sflag:s30] =	ssyncset.done $0x0  }
0x237: {  	[sflag:s30] =	ssyncadd.s32 $0xFFFFF000  }
0x238: {  	_ =	swait.ge [sflag:s31], $0x1000  }
0x239: {  	[sflag:s31] =	ssyncset.done $0x0  }
0x23a: {  	s3 =	simm.s32 $0x0;
	[sflag:s31] =	ssyncadd.s32 $0xFFFFF000  }
0x23b: {  	s11 =	simm.s32 $0x2800;
	s5 =	simm.s32 $0x2E00;
	_ =	swait.ge [sflag:s0], $0x1000  }
0x23c: {  	s1 =	simm.s32 $0x0;
	s10 =	simm.s32 $0x0;
	[sflag:s0] =	ssyncset.done $0x0  }
0x23d: {  	s12 =	simm.s32 $0x2E00;
	s22 =	simm.s32 $0x2800;
	[sflag:s0] =	ssyncadd.s32 $0xFFFFF000  }
.LBB2_26:
0x23e: {  	v1 =	vld [tilespmem:s22+$0x0];
	_ =	sdelay $0x2  }
0x23f: {  	v2 =	vmov s1  }
0x240: {  	v2 =	vshll.u32 v2, $0x3  }
0x241: {  	v2 =	vor.u32 v0, v2;
	v3 =	vand.u32 $0xFFFFFFF8, v1  }
0x242: {  	v1 =	vand.u32 $0x7, v1;
	v2 =	vadd.s32 v2, v3  }
0x243: {  	v1 =	vor.u32 v1, v2;
	_ =	sdelay $0x3  }
0x244: {  	v2 =	vld [tilespmem:s5+$0x0]  }
0x245: {  	v3 =	vld.idx.msk [tilespmem:v1+s19+$0x0], $0xffff;
	_ =	sdelay $0x3  }
0x246: {  	s2 =	sand.u32 $0xC00, s10;
	s6 =	sand.u32 $0x70, s1;
	vm0 =	vlt.u32 v2, $0x200  }
0x247: {  	s2 =	sor.u32 s2, s6;
	v2 =	vnsel vm0, $0x0, v3  }
0x248: {  	[tilespmem:s2+$0xC400] =	vst v2  }
0x249: {  	v2 =	vld.idx.msk [tilespmem:v1+s20+$0x0], $0xffff;
	_ =	sdelay $0x4  }
0x24a: {  	v2 =	vnsel vm0, $0x0, v2  }
0x24b: {  	[tilespmem:s2+$0xD400] =	vst v2  }
0x24c: {  	v1 =	vld.idx.msk [tilespmem:v1+s21+$0x0], $0xffff  }
0x24d: {  	p1 =	sne.s32 s1, $0x1F0  }
.Ltmp11:
0x24e: {  	_ = 	snop;
	(pc) =	sbr.rel @p1 .LBB2_26-.Ltmp11, $3  }
0x24f: {  	_ =	sdelay $0x1  }
0x250: {  	s10 =	sadd.s32 $0x80, s10;
	v1 =	vnsel vm0, $0x0, v1  }
0x251: {  	s22 =	sadd.s32 $0x10, s22;
	s1 =	sadd.s32 $0x10, s1;
	s5 =	sadd.s32 $0x10, s5;
	[tilespmem:s2+$0xE400] =	vst v1  }
0x252: {  	s1 =	sand.u32 $0x300, s3;
	s2 =	sand.u32 $0x70, s3  }
0x253: {  	s1 =	sor.u32 s2, s1  }
0x254: {  	v1 =	vld [tilespmem:s1+$0x1C00]  }
0x255: {  	v2 =	vld [tilespmem:s1+$0x1C80];
	_ =	sdelay $0x3  }
0x256: {  	v1 =	vadd.f32 $5.000000000e-01, v1  }
0x257: {  	v2 =	vadd.f32 $5.000000000e-01, v2  }
0x258: {  	v1 =	vtrunc.f32 v1  }
0x259: {  	v2 =	vtrunc.f32 v2;
	v1 =	vcvt.f32.s32 v1  }
0x25a: {  	v2 =	vcvt.f32.s32 v2  }
0x25b: {  	vm0 =	vgt.s32 v1, $0x0  }
0x25c: {  	vm15 =	vgt.s32 v2, $0x0;
	v3 =	vnsel vm0, $0x0, v1  }
0x25d: {  	v4 =	vnsel vm15, $0x0, v2;
	v3 =	vmin.u32 v3, $0x1FF  }
0x25e: {  	v4 =	vmin.u32 v4, $0x1FF;
	v5 =	vshll.u32 v3, $0x6  }
0x25f: {  	v6 =	vand.u32 $0x180, v4;
	v3 =	vshll.u32 v3, $0x4;
	v5 =	vand.u32 $0x7E00, v5  }
0x260: {  	v63 =	vshrl.u32 v4, $0x3;
	v3 =	vand.u32 $0x70, v3;
	v5 =	vor.u32 v6, v5  }
0x261: {  	v1 =	vor.u32 v1, v2;
	v2 =	vor.u32 v3, v5;
	v3 =	vand.u32 $0xF, v63  }
0x262: {  	s5 =	simm.s32 $0x2200;
	s10 =	simm.s32 $0x10;
	s3 =	simm.s32 $0x20;
	[tilespmem:s12+$0x0] =	vst v1;
	v1 =	vor.u32 v3, v2  }
0x263: {  	s22 =	sand.u32 $0x300, s3;
	s1 =	sand.u32 $0x70, s10;
	[tilespmem:s5+$0x0] =	vst v1;
	v1 =	vand.u32 $0x7, v4  }
0x264: {  	s1 =	sor.u32 s1, s22;
	s22 =	simm.s32 $0x20;
	[tilespmem:s11+$0x0] =	vst v1  }
.LBB2_28:
0x265: {  	p1 =	sne.s32 s22, $0x1F0;
	v1 =	vld [tilespmem:s1+$0x1C00]  }
0x266: {  	v2 =	vld [tilespmem:s1+$0x1C80];
	_ =	sdelay $0x3  }
0x267: {  	v1 =	vadd.f32 $5.000000000e-01, v1  }
0x268: {  	v2 =	vadd.f32 $5.000000000e-01, v2  }
0x269: {  	v1 =	vtrunc.f32 v1  }
0x26a: {  	v1 =	vcvt.f32.s32 v1;
	v2 =	vtrunc.f32 v2  }
0x26b: {  	v2 =	vcvt.f32.s32 v2  }
0x26c: {  	vm0 =	vgt.s32 v1, $0x0  }
0x26d: {  	v3 =	vnsel vm0, $0x0, v1;
	vm0 =	vgt.s32 v2, $0x0  }
0x26e: {  	v3 =	vmin.u32 v3, $0x1FF;
	v4 =	vnsel vm0, $0x0, v2  }
0x26f: {  	v4 =	vmin.u32 v4, $0x1FF;
	v5 =	vshll.u32 v3, $0x6  }
0x270: {  	v3 =	vshll.u32 v3, $0x4;
	v5 =	vand.u32 $0x7E00, v5;
	v6 =	vand.u32 $0x180, v4  }
.Ltmp12:
0x271: {  	v3 =	vand.u32 $0x70, v3;
	v5 =	vor.u32 v6, v5;
	v6 =	vshrl.u32 v4, $0x3;
	(pc) =	sbr.rel @p1 .LBB2_28-.Ltmp12, $4  }
0x272: {  	s12 =	sadd.s32 $0x10, s12;
	v1 =	vor.u32 v1, v2;
	v2 =	vor.u32 v3, v5;
	v3 =	vand.u32 $0xF, v6  }
0x273: {  	s3 =	sadd.s32 $0x20, s3;
	s5 =	sadd.s32 $0x10, s5;
	[tilespmem:s12+$0x0] =	vst v1;
	v1 =	vor.u32 v3, v2  }
0x274: {  	s2 =	sand.u32 $0x70, s22;
	s11 =	sadd.s32 $0x10, s11;
	s1 =	sand.u32 $0x300, s3;
	[tilespmem:s5+$0x0] =	vst v1;
	v1 =	vand.u32 $0x7, v4  }
0x275: {  	s22 =	sadd.s32 $0x10, s22;
	s1 =	sor.u32 s2, s1;
	[tilespmem:s11+$0x0] =	vst v1  }
0x276: {  	v1 =	vld [tilespmem:s1+$0x1C00]  }
0x277: {  	v2 =	vld [tilespmem:s1+$0x1C80];
	_ =	sdelay $0x3  }
0x278: {  	v1 =	vadd.f32 $5.000000000e-01, v1  }
0x279: {  	v2 =	vadd.f32 $5.000000000e-01, v2  }
0x27a: {  	v1 =	vtrunc.f32 v1  }
0x27b: {  	v2 =	vtrunc.f32 v2;
	v1 =	vcvt.f32.s32 v1  }
0x27c: {  	v2 =	vcvt.f32.s32 v2  }
0x27d: {  	vm0 =	vgt.s32 v1, $0x0  }
0x27e: {  	vm14 =	vgt.s32 v2, $0x0;
	v3 =	vnsel vm0, $0x0, v1  }
0x27f: {  	v4 =	vnsel vm14, $0x0, v2;
	v3 =	vmin.u32 v3, $0x1FF  }
0x280: {  	v4 =	vmin.u32 v4, $0x1FF;
	v5 =	vshll.u32 v3, $0x6  }
0x281: {  	v6 =	vand.u32 $0x180, v4;
	v3 =	vshll.u32 v3, $0x4;
	v5 =	vand.u32 $0x7E00, v5  }
0x282: {  	v63 =	vshrl.u32 v4, $0x3;
	v3 =	vand.u32 $0x70, v3;
	v5 =	vor.u32 v6, v5  }
0x283: {  	s22 =	sadd.s32 $0x10, s12;
	v1 =	vor.u32 v1, v2;
	v2 =	vor.u32 v3, v5;
	v3 =	vand.u32 $0xF, v63  }
0x284: {  	s2 =	sadd.s32 $0x10, s5;
	[tilespmem:s22+$0x0] =	vst v1;
	v1 =	vor.u32 v3, v2  }
0x285: {  	s3 =	sadd.s32 $0x10, s11;
	[tilespmem:s2+$0x0] =	vst v1;
	v1 =	vand.u32 $0x7, v4  }
0x286: {  	[tilespmem:s3+$0x0] =	vst v1  }
0x287: {  	[tilespmem:s19], [sflag:$0x4] =	stream.indirect.gather [spmem:s4], $0x8, s18, s13, $0xb8;
	[tilespmem:$0x1B200] =	vst v63  }
0x288: {  	_ = 	snop  }
0x289: {  	[tilespmem:s20], [sflag:$0x5] =	stream.indirect.gather [spmem:s8], $0x8, s18, s13, $0xb8;
	[tilespmem:$0x1B200] =	vst v63  }
0x28a: {  	s5 =	simm.s32 $0x7  }
0x28b: {  	[tilespmem:s21], [sflag:$0x6] =	stream.indirect.gather [spmem:s9], $0x8, s18, s13, $0xb8;
	[tilespmem:$0x1B200] =	vst v63  }
0x28c: {  	_ =	swait.ge [sflag:s5], $0x1000  }
0x28d: {  	[sflag:s5] =	ssyncset.done $0x0  }
0x28e: {  	s6 =	simm.s32 $0x8;
	[sflag:s5] =	ssyncadd.s32 $0xFFFFF000  }
0x28f: {  	_ =	swait.ge [sflag:s6], $0x1000  }
0x290: {  	[sflag:s6] =	ssyncset.done $0x0  }
0x291: {  	s10 =	simm.s32 $0x9;
	[sflag:s6] =	ssyncadd.s32 $0xFFFFF000  }
0x292: {  	_ =	swait.ge [sflag:s10], $0x1000  }
0x293: {  	[sflag:s10] =	ssyncset.done $0x0  }
0x294: {  	s11 =	simm.s32 $0x2A00;
	[sflag:s10] =	ssyncadd.s32 $0xFFFFF000  }
0x295: {  	v1 =	vld [tilespmem:s11+$0x0];
	_ =	sdelay $0x1  }
0x296: {  	s11 =	simm.s32 $0x0  }
0x297: {  	v2 =	vmov s11  }
0x298: {  	v2 =	vshll.u32 v2, $0x3  }
0x299: {  	v2 =	vor.u32 v0, v2;
	v3 =	vand.u32 $0xFFFFFFF8, v1  }
0x29a: {  	v1 =	vand.u32 $0x7, v1;
	v2 =	vadd.s32 v2, v3  }
0x29b: {  	v1 =	vor.u32 v1, v2;
	_ =	sdelay $0x2  }
0x29c: {  	s12 =	simm.s32 $0x3000  }
0x29d: {  	v2 =	vld [tilespmem:s12+$0x0]  }
0x29e: {  	v3 =	vld.idx.msk [tilespmem:v1+s23+$0x0], $0xffff;
	_ =	sdelay $0x3  }
0x29f: {  	s22 =	sand.u32 $0xC00, s11;
	s2 =	sand.u32 $0x70, s11;
	vm15 =	vlt.u32 v2, $0x200  }
0x2a0: {  	s1 =	sor.u32 s22, s2;
	v2 =	vnsel vm15, $0x0, v3  }
0x2a1: {  	[tilespmem:s1+$0xC480] =	vst v2  }
0x2a2: {  	v2 =	vld.idx.msk [tilespmem:v1+s24+$0x0], $0xffff;
	_ =	sdelay $0x4  }
0x2a3: {  	v2 =	vnsel vm15, $0x0, v2  }
0x2a4: {  	[tilespmem:s1+$0xD480] =	vst v2  }
0x2a5: {  	v1 =	vld.idx.msk [tilespmem:v1+s25+$0x0], $0xffff;
	_ =	sdelay $0x4  }
0x2a6: {  	v1 =	vnsel vm15, $0x0, v1  }
0x2a7: {  	s3 =	simm.s32 $0x2A10;
	s5 =	simm.s32 $0x10;
	s6 =	simm.s32 $0x0;
	[tilespmem:s1+$0xE480] =	vst v1  }
0x2a8: {  	s10 =	rddreg [dreg:$0xa];
	s22 =	simm.s32 $0x20;
	s12 =	simm.s32 $0x3010;
	v1 =	vld [tilespmem:s3+$0x0]  }
.LBB2_30:
0x2a9: {  	p1 =	sne.s32 s22, $0x1F0;
	v2 =	vld [tilespmem:s12+$0x0];
	_ =	sdelay $0x1  }
0x2aa: {  	v3 =	vmov s5  }
0x2ab: {  	v3 =	vshll.u32 v3, $0x3  }
0x2ac: {  	v3 =	vor.u32 v0, v3;
	v4 =	vand.u32 $0xFFFFFFF8, v1  }
0x2ad: {  	v1 =	vand.u32 $0x7, v1;
	v3 =	vadd.s32 v3, v4  }
0x2ae: {  	v1 =	vor.u32 v1, v3;
	_ =	sdelay $0x4  }
0x2af: {  	v3 =	vld.idx.msk [tilespmem:v1+s23+$0x0], $0xffff;
	_ =	sdelay $0x3  }
0x2b0: {  	s11 =	sadd.s32 $0x80, s11  }
0x2b1: {  	s2 =	sand.u32 $0x70, s5;
	s5 =	smov.u32 s22;
	s1 =	sand.u32 $0xC00, s11;
	vm0 =	vlt.u32 v2, $0x200  }
0x2b2: {  	s1 =	sor.u32 s1, s2;
	v2 =	vnsel vm0, $0x0, v3  }
0x2b3: {  	[tilespmem:s1+$0xC480] =	vst v2  }
0x2b4: {  	v2 =	vld.idx.msk [tilespmem:v1+s24+$0x0], $0xffff;
	_ =	sdelay $0x5  }
0x2b5: {  	v2 =	vnsel vm0, $0x0, v2  }
0x2b6: {  	[tilespmem:s1+$0xD480] =	vst v2  }
0x2b7: {  	v1 =	vld.idx.msk [tilespmem:v1+s25+$0x0], $0xffff;
	_ =	sdelay $0x3  }
.Ltmp13:
0x2b8: {  	(pc) =	sbr.rel @p1 .LBB2_30-.Ltmp13, $4  }
0x2b9: {  	_ = 	snop  }
0x2ba: {  	v1 =	vnsel vm0, $0x0, v1  }
0x2bb: {  	s3 =	sadd.s32 $0x10, s3;
	[tilespmem:s1+$0xE480] =	vst v1  }
0x2bc: {  	s22 =	sadd.s32 $0x10, s22;
	s12 =	sadd.s32 $0x10, s12;
	v1 =	vld [tilespmem:s3+$0x0]  }
0x2bd: {  	_ =	sdelay $0x1  }
0x2be: {  	v2 =	vmov s5  }
0x2bf: {  	v2 =	vshll.u32 v2, $0x3  }
0x2c0: {  	v2 =	vor.u32 v0, v2;
	v3 =	vand.u32 $0xFFFFFFF8, v1  }
0x2c1: {  	v1 =	vand.u32 $0x7, v1;
	v2 =	vadd.s32 v2, v3  }
0x2c2: {  	v1 =	vor.u32 v1, v2;
	_ =	sdelay $0x3  }
0x2c3: {  	v2 =	vld [tilespmem:s12+$0x0]  }
0x2c4: {  	v3 =	vld.idx.msk [tilespmem:v1+s23+$0x0], $0xffff;
	_ =	sdelay $0x2  }
0x2c5: {  	s1 =	sadd.s32 $0x80, s11  }
0x2c6: {  	s2 =	sand.u32 $0x70, s5;
	s1 =	sand.u32 $0xC00, s1;
	vm0 =	vlt.u32 v2, $0x200  }
0x2c7: {  	s1 =	sor.u32 s1, s2;
	v2 =	vnsel vm0, $0x0, v3  }
0x2c8: {  	[tilespmem:s1+$0xC480] =	vst v2  }
0x2c9: {  	v2 =	vld.idx.msk [tilespmem:v1+s24+$0x0], $0xffff;
	_ =	sdelay $0x4  }
0x2ca: {  	v2 =	vnsel vm0, $0x0, v2  }
0x2cb: {  	[tilespmem:s1+$0xD480] =	vst v2  }
0x2cc: {  	v1 =	vld.idx.msk [tilespmem:v1+s25+$0x0], $0xffff;
	_ =	sdelay $0x4  }
0x2cd: {  	v1 =	vnsel vm0, $0x0, v1  }
0x2ce: {  	[tilespmem:s1+$0xE480] =	vst v1  }
0x2cf: {  	_ =	swait.ge [sflag:s26], $0x1000  }
0x2d0: {  	[sflag:s26] =	ssyncset.done $0x0  }
0x2d1: {  	[sflag:s26] =	ssyncadd.s32 $0xFFFFF000  }
0x2d2: {  	_ =	swait.ge [sflag:s28], $0x1000  }
0x2d3: {  	[sflag:s28] =	ssyncset.done $0x0  }
0x2d4: {  	[sflag:s28] =	ssyncadd.s32 $0xFFFFF000  }
0x2d5: {  	_ =	swait.ge [sflag:s29], $0x1000  }
0x2d6: {  	[sflag:s29] =	ssyncset.done $0x0  }
0x2d7: {  	s3 =	simm.s32 $0x2600;
	[sflag:s29] =	ssyncadd.s32 $0xFFFFF000  }
0x2d8: {  	v1 =	vld [tilespmem:s3+$0x0];
	_ =	sdelay $0x1  }
0x2d9: {  	s11 =	simm.s32 $0x0  }
0x2da: {  	v2 =	vmov s11  }
0x2db: {  	v2 =	vshll.u32 v2, $0x3  }
0x2dc: {  	v2 =	vor.u32 v0, v2;
	v3 =	vand.u32 $0xFFFFFFF8, v1  }
0x2dd: {  	v1 =	vand.u32 $0x7, v1;
	v2 =	vadd.s32 v2, v3  }
0x2de: {  	v1 =	vor.u32 v1, v2;
	_ =	sdelay $0x2  }
0x2df: {  	s5 =	simm.s32 $0x2C00  }
0x2e0: {  	v2 =	vld [tilespmem:s5+$0x0]  }
0x2e1: {  	v3 =	vld.idx.msk [tilespmem:v1+s15+$0x0], $0xffff;
	_ =	sdelay $0x3  }
0x2e2: {  	s22 =	sand.u32 $0x70, s11;
	s12 =	sand.u32 $0xC00, s11;
	vm15 =	vlt.u32 v2, $0x200  }
0x2e3: {  	s1 =	sor.u32 s12, s22;
	v2 =	vnsel vm15, $0x0, v3  }
0x2e4: {  	[tilespmem:s1+$0xC500] =	vst v2  }
0x2e5: {  	v2 =	vld.idx.msk [tilespmem:v1+s16+$0x0], $0xffff;
	_ =	sdelay $0x4  }
0x2e6: {  	v2 =	vnsel vm15, $0x0, v2  }
0x2e7: {  	[tilespmem:s1+$0xD500] =	vst v2  }
0x2e8: {  	v1 =	vld.idx.msk [tilespmem:v1+s17+$0x0], $0xffff;
	_ =	sdelay $0x4  }
0x2e9: {  	v1 =	vnsel vm15, $0x0, v1  }
0x2ea: {  	s3 =	simm.s32 $0x2610;
	[tilespmem:s1+$0xE500] =	vst v1  }
0x2eb: {  	s22 =	simm.s32 $0x20;
	s12 =	simm.s32 $0x2C10;
	s5 =	simm.s32 $0x10;
	v1 =	vld [tilespmem:s3+$0x0]  }
.LBB2_32:
0x2ec: {  	p1 =	sne.s32 s22, $0x1F0;
	v2 =	vld [tilespmem:s12+$0x0];
	_ =	sdelay $0x1  }
0x2ed: {  	v3 =	vmov s5  }
0x2ee: {  	v3 =	vshll.u32 v3, $0x3  }
0x2ef: {  	v3 =	vor.u32 v0, v3;
	v4 =	vand.u32 $0xFFFFFFF8, v1  }
0x2f0: {  	v1 =	vand.u32 $0x7, v1;
	v3 =	vadd.s32 v3, v4  }
0x2f1: {  	v1 =	vor.u32 v1, v3;
	_ =	sdelay $0x4  }
0x2f2: {  	v3 =	vld.idx.msk [tilespmem:v1+s15+$0x0], $0xffff;
	_ =	sdelay $0x3  }
0x2f3: {  	s11 =	sadd.s32 $0x80, s11  }
0x2f4: {  	s2 =	sand.u32 $0x70, s5;
	s5 =	smov.u32 s22;
	s1 =	sand.u32 $0xC00, s11;
	vm0 =	vlt.u32 v2, $0x200  }
0x2f5: {  	s1 =	sor.u32 s1, s2;
	v2 =	vnsel vm0, $0x0, v3  }
0x2f6: {  	[tilespmem:s1+$0xC500] =	vst v2  }
0x2f7: {  	v2 =	vld.idx.msk [tilespmem:v1+s16+$0x0], $0xffff;
	_ =	sdelay $0x5  }
0x2f8: {  	v2 =	vnsel vm0, $0x0, v2  }
0x2f9: {  	[tilespmem:s1+$0xD500] =	vst v2  }
0x2fa: {  	v1 =	vld.idx.msk [tilespmem:v1+s17+$0x0], $0xffff;
	_ =	sdelay $0x3  }
.Ltmp14:
0x2fb: {  	(pc) =	sbr.rel @p1 .LBB2_32-.Ltmp14, $4  }
0x2fc: {  	_ = 	snop  }
0x2fd: {  	v1 =	vnsel vm0, $0x0, v1  }
0x2fe: {  	s3 =	sadd.s32 $0x10, s3;
	[tilespmem:s1+$0xE500] =	vst v1  }
0x2ff: {  	s22 =	sadd.s32 $0x10, s22;
	s12 =	sadd.s32 $0x10, s12;
	v1 =	vld [tilespmem:s3+$0x0]  }
0x300: {  	_ =	sdelay $0x1  }
0x301: {  	v2 =	vmov s5  }
0x302: {  	v2 =	vshll.u32 v2, $0x3  }
0x303: {  	v2 =	vor.u32 v0, v2;
	v3 =	vand.u32 $0xFFFFFFF8, v1  }
0x304: {  	v1 =	vand.u32 $0x7, v1;
	v2 =	vadd.s32 v2, v3  }
0x305: {  	v1 =	vor.u32 v1, v2;
	_ =	sdelay $0x3  }
0x306: {  	v2 =	vld [tilespmem:s12+$0x0]  }
0x307: {  	v3 =	vld.idx.msk [tilespmem:v1+s15+$0x0], $0xffff;
	_ =	sdelay $0x2  }
0x308: {  	s1 =	sadd.s32 $0x80, s11  }
0x309: {  	s2 =	sand.u32 $0x70, s5;
	s1 =	sand.u32 $0xC00, s1;
	vm0 =	vlt.u32 v2, $0x200  }
0x30a: {  	s1 =	sor.u32 s1, s2;
	v2 =	vnsel vm0, $0x0, v3  }
0x30b: {  	[tilespmem:s1+$0xC500] =	vst v2  }
0x30c: {  	v2 =	vld.idx.msk [tilespmem:v1+s16+$0x0], $0xffff;
	_ =	sdelay $0x4  }
0x30d: {  	v2 =	vnsel vm0, $0x0, v2  }
0x30e: {  	[tilespmem:s1+$0xD500] =	vst v2  }
0x30f: {  	v1 =	vld.idx.msk [tilespmem:v1+s17+$0x0], $0xffff;
	_ =	sdelay $0x4  }
0x310: {  	v1 =	vnsel vm0, $0x0, v1  }
0x311: {  	[tilespmem:s1+$0xE500] =	vst v1  }
0x312: {  	_ =	swait.ge [sflag:s30], $0x1000  }
0x313: {  	[sflag:s30] =	ssyncset.done $0x0  }
0x314: {  	[sflag:s30] =	ssyncadd.s32 $0xFFFFF000  }
0x315: {  	_ =	swait.ge [sflag:s31], $0x1000  }
0x316: {  	[sflag:s31] =	ssyncset.done $0x0  }
0x317: {  	[sflag:s31] =	ssyncadd.s32 $0xFFFFF000  }
0x318: {  	_ =	swait.ge [sflag:s0], $0x1000  }
0x319: {  	[sflag:s0] =	ssyncset.done $0x0  }
0x31a: {  	s11 =	simm.s32 $0x2800;
	[sflag:s0] =	ssyncadd.s32 $0xFFFFF000  }
0x31b: {  	v1 =	vld [tilespmem:s11+$0x0];
	_ =	sdelay $0x1  }
0x31c: {  	s11 =	simm.s32 $0x0  }
0x31d: {  	v2 =	vmov s11  }
0x31e: {  	v2 =	vshll.u32 v2, $0x3  }
0x31f: {  	v2 =	vor.u32 v0, v2;
	v3 =	vand.u32 $0xFFFFFFF8, v1  }
0x320: {  	v1 =	vand.u32 $0x7, v1;
	v2 =	vadd.s32 v2, v3  }
0x321: {  	v1 =	vor.u32 v1, v2;
	_ =	sdelay $0x2  }
0x322: {  	s12 =	simm.s32 $0x2E00  }
0x323: {  	v2 =	vld [tilespmem:s12+$0x0]  }
0x324: {  	v3 =	vld.idx.msk [tilespmem:v1+s19+$0x0], $0xffff;
	_ =	sdelay $0x3  }
0x325: {  	s22 =	sor.u32 s11, s11;
	vm15 =	vlt.u32 v2, $0x200  }
0x326: {  	s1 =	sor.u32 $0x380, s22;
	v2 =	vnsel vm15, $0x0, v3  }
0x327: {  	[tilespmem:s1+$0xC200] =	vst v2  }
0x328: {  	v2 =	vld.idx.msk [tilespmem:v1+s20+$0x0], $0xffff;
	_ =	sdelay $0x4  }
0x329: {  	v2 =	vnsel vm15, $0x0, v2  }
0x32a: {  	[tilespmem:s1+$0xD200] =	vst v2  }
0x32b: {  	v1 =	vld.idx.msk [tilespmem:v1+s21+$0x0], $0xffff;
	_ =	sdelay $0x4  }
0x32c: {  	v1 =	vnsel vm15, $0x0, v1  }
0x32d: {  	s3 =	simm.s32 $0x2810;
	[tilespmem:s1+$0xE200] =	vst v1  }
0x32e: {  	s5 =	simm.s32 $0x10;
	s22 =	simm.s32 $0x20;
	s12 =	simm.s32 $0x2E10;
	v1 =	vld [tilespmem:s3+$0x0]  }
.LBB2_34:
0x32f: {  	p1 =	sne.s32 s22, $0x1F0;
	v2 =	vld [tilespmem:s12+$0x0];
	_ =	sdelay $0x1  }
0x330: {  	v3 =	vmov s5  }
0x331: {  	v3 =	vshll.u32 v3, $0x3  }
0x332: {  	v3 =	vor.u32 v0, v3;
	v4 =	vand.u32 $0xFFFFFFF8, v1  }
0x333: {  	v1 =	vand.u32 $0x7, v1;
	v3 =	vadd.s32 v3, v4  }
0x334: {  	v1 =	vor.u32 v1, v3;
	_ =	sdelay $0x4  }
0x335: {  	v3 =	vld.idx.msk [tilespmem:v1+s19+$0x0], $0xffff;
	_ =	sdelay $0x3  }
0x336: {  	s11 =	sadd.s32 $0x80, s11  }
0x337: {  	s1 =	sor.u32 s11, s5;
	s5 =	smov.u32 s22;
	vm0 =	vlt.u32 v2, $0x200  }
0x338: {  	s1 =	sor.u32 $0x380, s1;
	v2 =	vnsel vm0, $0x0, v3  }
0x339: {  	[tilespmem:s1+$0xC200] =	vst v2  }
0x33a: {  	v2 =	vld.idx.msk [tilespmem:v1+s20+$0x0], $0xffff;
	_ =	sdelay $0x5  }
0x33b: {  	v2 =	vnsel vm0, $0x0, v2  }
0x33c: {  	[tilespmem:s1+$0xD200] =	vst v2  }
0x33d: {  	v1 =	vld.idx.msk [tilespmem:v1+s21+$0x0], $0xffff;
	_ =	sdelay $0x3  }
.Ltmp15:
0x33e: {  	(pc) =	sbr.rel @p1 .LBB2_34-.Ltmp15, $4  }
0x33f: {  	_ = 	snop  }
0x340: {  	v1 =	vnsel vm0, $0x0, v1  }
0x341: {  	s3 =	sadd.s32 $0x10, s3;
	[tilespmem:s1+$0xE200] =	vst v1  }
0x342: {  	s12 =	sadd.s32 $0x10, s12;
	s22 =	sadd.s32 $0x10, s22;
	v1 =	vld [tilespmem:s3+$0x0]  }
0x343: {  	_ =	sdelay $0x1  }
0x344: {  	v2 =	vmov s5  }
0x345: {  	v2 =	vshll.u32 v2, $0x3  }
0x346: {  	v2 =	vor.u32 v0, v2;
	v3 =	vand.u32 $0xFFFFFFF8, v1  }
0x347: {  	v1 =	vand.u32 $0x7, v1;
	v2 =	vadd.s32 v2, v3  }
0x348: {  	v1 =	vor.u32 v1, v2;
	_ =	sdelay $0x3  }
0x349: {  	v2 =	vld [tilespmem:s12+$0x0]  }
0x34a: {  	v3 =	vld.idx.msk [tilespmem:v1+s19+$0x0], $0xffff;
	_ =	sdelay $0x2  }
0x34b: {  	s1 =	sadd.s32 $0x80, s11  }
0x34c: {  	s1 =	sor.u32 s1, s5;
	vm0 =	vlt.u32 v2, $0x200  }
0x34d: {  	s1 =	sor.u32 $0x380, s1;
	v2 =	vnsel vm0, $0x0, v3  }
0x34e: {  	[tilespmem:s1+$0xC200] =	vst v2  }
0x34f: {  	v2 =	vld.idx.msk [tilespmem:v1+s20+$0x0], $0xffff;
	_ =	sdelay $0x4  }
0x350: {  	v2 =	vnsel vm0, $0x0, v2  }
0x351: {  	[tilespmem:s1+$0xD200] =	vst v2  }
0x352: {  	v1 =	vld.idx.msk [tilespmem:v1+s21+$0x0], $0xffff;
	_ =	sdelay $0x2  }
0x353: {  	s2 =	rddreg [dreg:$0xd]  }
0x354: {  	s3 =	rddreg [dreg:$0x2];
	s22 =	simm.s32 $0xC200  }
0x355: {  	s7 =	sadd.s32 $0x1, s7;
	s2 =	sshll.u32 s2, $0x9;
	s5 =	rddreg [dreg:$0xe];
	v1 =	vnsel vm0, $0x0, v1  }
0x356: {  	p1 =	sne.s32 s7, $0x4;
	s12 =	sadd.s32 s3, s2;
	[tilespmem:s1+$0xE200] =	vst v1;
	s1 =	sshrl.u32 s5, $0x3  }
0x357: {  	[hbm4b:s12+s6] =	stream.linear.scatter [tilespmem:s22], [sflag:$0xA], $0x1000, $0x38;
	[tilespmem:$0x1B200] =	vst v63  }
.Ltmp16:
0x358: {  	s1 =	sadd.s32 s3, s1;
	(pc) =	sbr.rel @p1 .LBB2_3-.Ltmp16, $4  }
0x359: {  	s12 =	simm.s32 $0xD200;
	s11 =	sadd.s32 $0x8000, s1  }
0x35a: {  	[hbm4b:s11+s6] =	stream.linear.scatter [tilespmem:s12], [sflag:$0xB], $0x1000, $0x38;
	[tilespmem:$0x1B200] =	vst v63  }
0x35b: {  	s22 =	simm.s32 $0xE200;
	s1 =	sadd.s32 $0x10000, s1  }
0x35c: {  	[hbm4b:s1+s6] =	stream.linear.scatter [tilespmem:s22], [sflag:$0xC], $0x1000, $0x38;
	[tilespmem:$0x1B200] =	vst v63  }
0x35d: {  	s10 =	sadd.s32 $0x1, s10  }
0x35e: {  	p1 =	sne.s32 s10, $0x4  }
.Ltmp17:
0x35f: {  	_ = 	snop;
	(pc) =	sbr.rel @p1 .LBB2_2-.Ltmp17, $2  }
0x360: {  	_ =	sdelay $0x1  }
0x361: {  	[bflag:$0x0] =	sbarrier.arrive $0xFFFF;
	_ =	sdelay $0x1  }
0x362: {  	s1 =	simm.s32 $0xA  }
0x363: {  	_ =	swait.ge [sflag:s1], $0x1000  }
0x364: {  	[sflag:s1] =	ssyncset.done $0x0  }
0x365: {  	s12 =	simm.s32 $0xB;
	[sflag:s1] =	ssyncadd.s32 $0xFFFFF000  }
0x366: {  	_ =	swait.ge [sflag:s12], $0x1000  }
0x367: {  	[sflag:s12] =	ssyncset.done $0x0  }
0x368: {  	s2 =	simm.s32 $0xC;
	[sflag:s12] =	ssyncadd.s32 $0xFFFFF000  }
0x369: {  	_ =	swait.ge [sflag:s2], $0x1000  }
0x36a: {  	s3 =	rddreg [dreg:$0x9]  }
0x36b: {  	s22 =	rddreg [dreg:$0x7];
	s3 =	sadd.s32 $0x1, s3  }
0x36c: {  	p1 =	sne.s32 s3, s22  }
.Ltmp18:
0x36d: {  	_ = 	snop;
	(pc) =	sbr.rel @p1 .LBB2_1-.Ltmp18, $3  }
0x36e: {  	_ =	sdelay $0x1  }
0x36f: {  	[sflag:s2] =	ssyncset.done $0x0  }
0x370: {  	[sflag:s2] =	ssyncadd.s32 $0xFFFFF000  }
0x371: {  	_ =	sfence.sel $0x180000  }
0x372: {  	[bflag:$0x0] =	sbarrier.arrive $0xFFFF  }
0x373: {  	_ =	strace $0x90000047  }
0x374: {  	[bflag:$0x2] =	sbarrier.arrive $0xFFFF  }
0x375: {  	s0 =	rddreg [dreg:$0x4]  }
0x376: {  	s0 =	sadd.s32 @!p0 $0x100000, s0  }
0x377: {  	[sflag:s0] =	ssyncadd.tile.s32 @!p0 $0x1;
	_ =	shalt  }
.Lfunc_end2:
_tile_overlayer_lowered:
.L_overlay_start_2:
0x378: {  	(tag) =	ssettag $0x2  }
0x379: {  	s0 =	rddreg [dreg:$0x0];
	s2 =	stileid.u32  }
0x37a: {  	s1 =	rddreg [dreg:$0x1];
	p0 =	sne.s32 s2, $0x0  }
0x37b: {  	s3 =	rddreg [dreg:$0x2];
	[bflag:$0x3] =	sbarrier.arrive $0xFFFF;
	s2 =	simm.s32 @!p0 $0x1C0E  }
0x37c: {  	[timem:s3], [sflag:s2] =	dma.local @!p0 [hbm:s0], s1  }
0x37d: {  	s0 =	simm.s32 @!p0 $0xE  }
0x37e: {  	_ =	swait.ge @!p0 [sflag:s0], s1  }
0x37f: {  	s1 =	ssub.s32 @!p0 $0x0, s1;
	[sflag:s0] =	ssyncset.done @!p0 $0x0  }
0x380: {  	[sflag:s0] =	ssyncadd.s32 @!p0 s1  }
0x381: {  	[bflag:$0x3] =	sbarrier.arrive $0xFFFF  }
0x382: {  	_ =	shalt  }

</sc_bundles>
